<compile_context>
chip_gen: v7x
topology: tpu7x:2x2x1
jax: 0.10.2.dev20260603
libtpu: 0.0.44.dev20260713+nightly
codegen_flags: <defaults>
</compile_context>

<pallas_src>
import functools

import jax
import jax.numpy as jnp
from jax import lax
from jax.experimental import pallas as pl
from jax.experimental.pallas import tpu as pltpu
from jax.experimental.pallas import tpu_sc as plsc

NC = 2
NS = 16
NW = NC * NS
CH = 128


def _cdiv(a, b):
    return (a + b - 1) // b


def _make_deg(cpw_deg, n_pad, rpw):
    mesh = plsc.VectorSubcoreMesh(core_axis_name="c", subcore_axis_name="s",
                                  num_cores=NC, num_subcores=NS)

    @functools.partial(
        pl.kernel,
        out_type=jax.ShapeDtypeStruct((NC * n_pad,), jnp.float32),
        mesh=mesh,
        compiler_params=pltpu.CompilerParams(needs_layout_passes=False),
        scratch_types=[
            pltpu.VMEM((8 * CH,), jnp.int32),
            pltpu.VMEM((n_pad,), jnp.float32),
            pltpu.VMEM((rpw,), jnp.float32),
            pltpu.VMEM((rpw,), jnp.float32),
            pltpu.VMEM_SHARED((NS * n_pad,), jnp.float32),
        ],
    )
    def deg_kernel(dst_hbm, out_hbm, idx_v, hist, accv, tbuf, shists):
        c = lax.axis_index("c")
        s = lax.axis_index("s")
        w = c * NS + s
        base = w * (cpw_deg * CH)
        zeros16 = jnp.zeros((16,), jnp.float32)
        ones16 = jnp.ones((16,), jnp.float32)

        def zrow(i, _):
            hist[pl.ds(i * 16, 16)] = zeros16
            return 0

        lax.fori_loop(0, n_pad // 16, zrow, 0)

        def chunk(i, _):
            pltpu.sync_copy(dst_hbm.at[pl.ds(base + i * 8 * CH, 8 * CH)],
                            idx_v)

            def step(j, _):
                plsc.addupdate_scatter(hist, [idx_v[pl.ds(j * 16, 16)]],
                                       ones16)
                return 0

            lax.fori_loop(0, 8 * CH // 16, step, 0)
            return 0

        lax.fori_loop(0, cpw_deg // 8, chunk, 0)

        def chunk_rem(i, _):
            pltpu.sync_copy(
                dst_hbm.at[pl.ds(base + (cpw_deg // 8) * 8 * CH + i * CH,
                                 CH)],
                idx_v.at[pl.ds(0, CH)])

            def step(j, _):
                plsc.addupdate_scatter(hist, [idx_v[pl.ds(j * 16, 16)]],
                                       ones16)
                return 0

            lax.fori_loop(0, CH // 16, step, 0)
            return 0

        lax.fori_loop(0, cpw_deg % 8, chunk_rem, 0)

        pltpu.sync_copy(hist, shists.at[pl.ds(s * n_pad, n_pad)])
        plsc.subcore_barrier()
        pltpu.sync_copy(shists.at[pl.ds(s * rpw, rpw)], accv)
        for t in range(1, NS):
            pltpu.sync_copy(shists.at[pl.ds(t * n_pad + s * rpw, rpw)], tbuf)

            def addrow(i, _):
                accv[pl.ds(i * 16, 16)] = (accv[pl.ds(i * 16, 16)]
                                           + tbuf[pl.ds(i * 16, 16)])
                return 0

            lax.fori_loop(0, rpw // 16, addrow, 0)
        pltpu.sync_copy(accv, out_hbm.at[pl.ds(c * n_pad + s * rpw, rpw)])

    return deg_kernel


def _make_agg(cpw, dw, n_pad):
    mesh = plsc.VectorSubcoreMesh(core_axis_name="c", subcore_axis_name="s",
                                  num_cores=NC, num_subcores=NS)
    rpw = n_pad // NS

    @functools.partial(
        pl.kernel,
        out_type=jax.ShapeDtypeStruct((n_pad, dw), jnp.float32),
        mesh=mesh,
        scratch_types=[
            pltpu.VMEM((CH,), jnp.int32),
            pltpu.VMEM((CH,), jnp.int32),
            pltpu.VMEM((CH,), jnp.int32),
            pltpu.VMEM((CH,), jnp.int32),
            pltpu.VMEM((CH, dw), jnp.float32),
            pltpu.VMEM((CH, dw), jnp.float32),
            pltpu.VMEM_SHARED((n_pad, dw), jnp.float32),
            pltpu.SemaphoreType.DMA,
            pltpu.SemaphoreType.DMA,
            pltpu.SemaphoreType.DMA,
            pltpu.SemaphoreType.DMA,
        ],
    )
    def agg_kernel(src_hbm, dst_hbm, g_hbm, out_hbm,
                   sa, sb, da, db, ra, rb, acc, sem_a, sem_b, ssem_a, ssem_b):
        c = lax.axis_index("c")
        s = lax.axis_index("s")

        @pl.when(c == 0)
        def _core0():
            base = s * (cpw * CH)
            srcs, dsts, rows = (sa, sb), (da, db), (ra, rb)
            sems, ssems = (sem_a, sem_b), (ssem_a, ssem_b)

            def fillz(i, _):
                for j in range(dw // 16):
                    ra[i, pl.ds(j * 16, 16)] = jnp.zeros((16,), jnp.float32)
                return 0

            lax.fori_loop(0, CH, fillz, 0)
            for k in range(rpw // CH):
                pltpu.sync_copy(ra, acc.at[pl.ds(s * rpw + k * CH, CH)])
            rem = rpw % CH
            if rem:
                pltpu.sync_copy(ra.at[pl.ds(0, rem)],
                                acc.at[pl.ds(s * rpw + (rpw // CH) * CH,
                                             rem)])
            plsc.subcore_barrier()

            def load(b, chunk):
                off = base + chunk * CH
                pltpu.sync_copy(src_hbm.at[pl.ds(off, CH)], srcs[b])
                pltpu.sync_copy(dst_hbm.at[pl.ds(off, CH)], dsts[b])
                pltpu.async_copy(g_hbm.at[srcs[b]], rows[b], sems[b])

            def wait_g(b):
                pltpu.make_async_copy(g_hbm.at[srcs[b]], rows[b],
                                      sems[b]).wait()

            def scat(b):
                pltpu.async_copy(rows[b], acc.at[dsts[b]], ssems[b],
                                 add=True)

            def wait_s(b):
                pltpu.make_async_copy(rows[b], acc.at[dsts[b]],
                                      ssems[b]).wait()

            load(0, 0)
            load(1, 1)

            def body(k, _):
                for b in (0, 1):
                    i = 2 * k + b
                    wait_g(b)
                    scat(b)
                    pltpu.sync_copy(
                        src_hbm.at[pl.ds(base + (i + 2) * CH, CH)], srcs[b])
                    wait_s(b)
                    pltpu.sync_copy(
                        dst_hbm.at[pl.ds(base + (i + 2) * CH, CH)], dsts[b])
                    pltpu.async_copy(g_hbm.at[srcs[b]], rows[b], sems[b])
                return 0

            lax.fori_loop(0, (cpw - 2) // 2, body, 0)
            for b in (0, 1):
                wait_g(b)
                scat(b)
                wait_s(b)
            plsc.subcore_barrier()
            pltpu.sync_copy(acc.at[pl.ds(s * rpw, rpw)],
                            out_hbm.at[pl.ds(s * rpw, rpw)])

    return agg_kernel


def _tc_stage1(n, n_pad):
    def body(x_ref, gam_ref, bet_ref, w1_ref, dp_ref, g1_ref, dis_ref):
        x = x_ref[...]
        mean = jnp.mean(x, axis=0, keepdims=True)
        xc = x - mean
        var = jnp.mean(xc * xc, axis=0, keepdims=True)
        xh = xc * lax.rsqrt(var + 1e-5) * gam_ref[...] + bet_ref[...]
        deg = (dp_ref[:n_pad] + dp_ref[n_pad:]).reshape(n_pad, 1) + 1.0
        dis = lax.rsqrt(deg)
        dis_ref[...] = dis
        h1 = jnp.dot(xh, w1_ref[...], preferred_element_type=jnp.float32)
        g1_ref[...] = h1 * dis[:n]

    return body


def _tc_stage2(n):
    def body(s1_ref, g1_ref, dis_ref, b1_ref, w2_ref, g2_ref):
        dis = dis_ref[...][:n]
        ssum = s1_ref[:n, :] + g1_ref[...]
        o1 = jnp.maximum(ssum * dis + b1_ref[...], 0.0)
        h2 = jnp.dot(o1, w2_ref[...], preferred_element_type=jnp.float32)
        g2_ref[...] = h2 * dis

    return body


def _tc_stage3(n, c_out):
    def body(s2_ref, g2_ref, dis_ref, b2_ref, out_ref):
        dis = dis_ref[...][:n]
        ssum = s2_ref[:n, :] + g2_ref[...]
        o = (ssum * dis)[:, :c_out] + b2_ref[...]
        m = jnp.max(o, axis=1, keepdims=True)
        e = jnp.exp(o - m)
        lse = jnp.log(jnp.sum(e, axis=1, keepdims=True)) + m
        out_ref[...] = o - lse

    return body


def kernel(x, edge_index, bn_gamma, bn_beta, W1, b1, W2, b2):
    n, d = x.shape
    h = W1.shape[1]
    c_out = W2.shape[1]
    e = edge_index.shape[1]

    cpw = _cdiv(e, NS * CH)
    cpw += cpw % 2
    e_pad = NS * CH * cpw
    cpw_deg = cpw // 2
    rpw = _cdiv(n + 1, NS * 16) * 16
    n_pad = rpw * NS

    src = edge_index[0]
    dst = edge_index[1]
    pad = e_pad - e
    src_p = jnp.concatenate([src, jnp.zeros((pad,), jnp.int32)])
    dst_p = jnp.concatenate([dst, jnp.full((pad,), n, jnp.int32)])

    dw2 = _cdiv(c_out, 128) * 128
    w2_p = jnp.pad(W2, ((0, 0), (0, dw2 - c_out)))

    deg_partial = _make_deg(cpw_deg, n_pad, rpw)(dst_p)

    g1, dis = pl.pallas_call(
        _tc_stage1(n, n_pad),
        out_shape=(jax.ShapeDtypeStruct((n, h), jnp.float32),
                   jax.ShapeDtypeStruct((n_pad, 1), jnp.float32)),
    )(x, bn_gamma, bn_beta, W1, deg_partial)

    s1 = _make_agg(cpw, h, n_pad)(src_p, dst_p, g1)

    g2 = pl.pallas_call(
        _tc_stage2(n),
        out_shape=jax.ShapeDtypeStruct((n, dw2), jnp.float32),
    )(s1, g1, dis, b1, w2_p)

    s2 = _make_agg(cpw, dw2, n_pad)(src_p, dst_p, g2)

    out = pl.pallas_call(
        _tc_stage3(n, c_out),
        out_shape=jax.ShapeDtypeStruct((n, c_out), jnp.float32),
    )(s2, g2, dis, b2)

    return out

# --- scband reference (transcript-rebuilt; emitter-appended) ---
"""Pipeline reference for scband-gcnsimple-70463233458671 (READ-ONLY COPY).

The authoritative reference and input builder live on the scoring server;
editing this copy changes nothing except your own understanding.
"""

import jax, jax.numpy as jnp
import numpy as np

N = 10000
E = 320000
D = 128
H = 128
C = 40


def setup_inputs(seed: int = 0) -> dict:
    key = jax.random.key(seed)
    ks = jax.random.split(key, 8)
    x = jax.random.normal(ks[0], (N, D), dtype=jnp.float32)
    edge_index = jax.random.randint(ks[1], (2, E), 0, N, dtype=jnp.int32)
    bn_gamma = jnp.ones((D,), dtype=jnp.float32)
    bn_beta = jnp.zeros((D,), dtype=jnp.float32)
    W1 = jax.random.normal(ks[2], (D, H), dtype=jnp.float32) * (1.0 / np.sqrt(D))
    b1 = jnp.zeros((H,), dtype=jnp.float32)
    W2 = jax.random.normal(ks[3], (H, C), dtype=jnp.float32) * (1.0 / np.sqrt(H))
    b2 = jnp.zeros((C,), dtype=jnp.float32)
    return {"x": x, "edge_index": edge_index, "bn_gamma": bn_gamma, "bn_beta": bn_beta,
            "W1": W1, "b1": b1, "W2": W2, "b2": b2}


def _gcn_conv(x, src, dst, W, b):
    # GCNConv: x' = D^{-1/2} (A + I) D^{-1/2} X W + b (self-loops already appended to src/dst)
    h = x @ W
    deg = jnp.zeros((N,), dtype=x.dtype).at[dst].add(1.0)
    dis = jnp.where(deg > 0, jax.lax.rsqrt(jnp.maximum(deg, 1e-12)), 0.0)
    norm = dis[src] * dis[dst]
    msg = h[src] * norm[:, None]
    out = jnp.zeros((N, h.shape[1]), dtype=x.dtype).at[dst].add(msg)
    return out + b


def reference(x, edge_index, bn_gamma, bn_beta, W1, b1, W2, b2):
    loop = jnp.arange(N, dtype=edge_index.dtype)
    src = jnp.concatenate([edge_index[0], loop])
    dst = jnp.concatenate([edge_index[1], loop])
    # BatchNorm1d over the node (batch) dimension, training-style batch statistics
    mean = jnp.mean(x, axis=0)
    var = jnp.var(x, axis=0)
    xh = (x - mean) * jax.lax.rsqrt(var + 1e-5) * bn_gamma + bn_beta
    h = _gcn_conv(xh, src, dst, W1, b1)
    h = jax.nn.relu(h)
    # dropout is identity in eval/deterministic mode
    out = _gcn_conv(h, src, dst, W2, b2)
    return jax.nn.log_softmax(out, axis=1)

if __name__ == "__main__":
    import jax
    _d = setup_inputs()
    print(jax.jit(kernel)(*tuple(_d.values())))

</pallas_src>

<mosaic_0001>
#map = affine_map<(d0, d1) -> (0)>
#map1 = affine_map<(d0, d1) -> (0, 0)>
module attributes {stable_mosaic.version = 14 : i64} {
  func.func @agg_kernel(%arg0: i32, %arg1: i32, %arg2: memref<323584xi32, #tpu.memory_space<hbm>>, %arg3: memref<323584xi32, #tpu.memory_space<hbm>>, %arg4: memref<10000x128xf32, #tpu.memory_space<hbm>>, %arg5: memref<10240x128xf32, #tpu.memory_space<hbm>>, %arg6: memref<128xi32, #tpu.memory_space<vmem>>, %arg7: memref<128xi32, #tpu.memory_space<vmem>>, %arg8: memref<128xi32, #tpu.memory_space<vmem>>, %arg9: memref<128xi32, #tpu.memory_space<vmem>>, %arg10: memref<128x128xf32, #tpu.memory_space<vmem>>, %arg11: memref<128x128xf32, #tpu.memory_space<vmem>>, %arg12: memref<10240x128xf32, #tpu.memory_space<vmem_shared>>, %arg13: memref<!tpu.dma_semaphore, #tpu.memory_space<semaphore_mem>>, %arg14: memref<!tpu.dma_semaphore, #tpu.memory_space<semaphore_mem>>, %arg15: memref<!tpu.dma_semaphore, #tpu.memory_space<semaphore_mem>>, %arg16: memref<!tpu.dma_semaphore, #tpu.memory_space<semaphore_mem>>) attributes {dimension_semantics = [#tpu.dimension_semantics<core_parallel>, #tpu.dimension_semantics<subcore_parallel>], iteration_bounds = array<i64: 2, 16>, scalar_prefetch = 0 : i64, scratch_operands = 11 : i64, tpu.core_type = #tpu.core_type<sc_vector_subcore>, window_params = [{transform_indices = #map}, {transform_indices = #map}, {transform_indices = #map1}, {transform_indices = #map1}]} {
    %eq3A = arith.constant 0 : i32
    %eq3A_0 = arith.cmpi eq, %arg0, %eq3A : i32
    %convert_element_type3A = arith.extui %eq3A_0 : i1 to i32
    %cond3A = arith.constant 0 : i32
    %cond3A_1 = arith.cmpi ne, %convert_element_type3A, %cond3A : i32
    scf.if %cond3A_1 {
      %mul3A = arith.constant 20224 : i32
      %mul3A_2 = arith.muli %arg1, %mul3A : i32
      %scan3A = arith.constant 0 : i32
      %scan3A_3 = arith.constant 0 : i32
      %scan3A_4 = arith.constant 128 : i32
      %scan3A_5 = arith.addi %scan3A_3, %scan3A_4 : i32
      %scan3A_6 = arith.constant 1 : i32
      %scan3A_7 = scf.for %scan3A_66 = %scan3A_3 to %scan3A_5 step %scan3A_6 iter_args(%scan3A_67 = %scan3A) -> (i32)  : i32 {
        %broadcast_in_dim3A = arith.constant 0.000000e+00 : f32
        %broadcast_in_dim3A_68 = vector.broadcast %broadcast_in_dim3A : f32 to vector<16xf32>
        %swap3A = arith.index_cast %scan3A_66 : i32 to index
        %swap3A_69 = arith.constant 0 : index
        %swap3A_70 = tpu.vector_load %arg10[%swap3A, %swap3A_69] {strides = array<i32>} : memref<128x128xf32, #tpu.memory_space<vmem>>, vector<1x16xf32>,
        %swap3A_71 = vector.shape_cast %swap3A_70 : vector<1x16xf32> to vector<16xf32>
        %swap3A_72 = vector.shape_cast %broadcast_in_dim3A_68 : vector<16xf32> to vector<1x16xf32>
        tpu.vector_store %arg10[%swap3A, %swap3A_69], %swap3A_72 {strides = array<i32>} : memref<128x128xf32, #tpu.memory_space<vmem>>, vector<1x16xf32>,
        %broadcast_in_dim3A_73 = arith.constant 0.000000e+00 : f32
        %broadcast_in_dim3A_74 = vector.broadcast %broadcast_in_dim3A_73 : f32 to vector<16xf32>
        %swap3A_75 = arith.index_cast %scan3A_66 : i32 to index
        %swap3A_76 = arith.constant 16 : index
        %swap3A_77 = tpu.vector_load %arg10[%swap3A_75, %swap3A_76] {strides = array<i32>} : memref<128x128xf32, #tpu.memory_space<vmem>>, vector<1x16xf32>,
        %swap3A_78 = vector.shape_cast %swap3A_77 : vector<1x16xf32> to vector<16xf32>
        %swap3A_79 = vector.shape_cast %broadcast_in_dim3A_74 : vector<16xf32> to vector<1x16xf32>
        tpu.vector_store %arg10[%swap3A_75, %swap3A_76], %swap3A_79 {strides = array<i32>} : memref<128x128xf32, #tpu.memory_space<vmem>>, vector<1x16xf32>,
        %broadcast_in_dim3A_80 = arith.constant 0.000000e+00 : f32
        %broadcast_in_dim3A_81 = vector.broadcast %broadcast_in_dim3A_80 : f32 to vector<16xf32>
        %swap3A_82 = arith.index_cast %scan3A_66 : i32 to index
        %swap3A_83 = arith.constant 32 : index
        %swap3A_84 = tpu.vector_load %arg10[%swap3A_82, %swap3A_83] {strides = array<i32>} : memref<128x128xf32, #tpu.memory_space<vmem>>, vector<1x16xf32>,
        %swap3A_85 = vector.shape_cast %swap3A_84 : vector<1x16xf32> to vector<16xf32>
        %swap3A_86 = vector.shape_cast %broadcast_in_dim3A_81 : vector<16xf32> to vector<1x16xf32>
        tpu.vector_store %arg10[%swap3A_82, %swap3A_83], %swap3A_86 {strides = array<i32>} : memref<128x128xf32, #tpu.memory_space<vmem>>, vector<1x16xf32>,
        %broadcast_in_dim3A_87 = arith.constant 0.000000e+00 : f32
        %broadcast_in_dim3A_88 = vector.broadcast %broadcast_in_dim3A_87 : f32 to vector<16xf32>
        %swap3A_89 = arith.index_cast %scan3A_66 : i32 to index
        %swap3A_90 = arith.constant 48 : index
        %swap3A_91 = tpu.vector_load %arg10[%swap3A_89, %swap3A_90] {strides = array<i32>} : memref<128x128xf32, #tpu.memory_space<vmem>>, vector<1x16xf32>,
        %swap3A_92 = vector.shape_cast %swap3A_91 : vector<1x16xf32> to vector<16xf32>
        %swap3A_93 = vector.shape_cast %broadcast_in_dim3A_88 : vector<16xf32> to vector<1x16xf32>
        tpu.vector_store %arg10[%swap3A_89, %swap3A_90], %swap3A_93 {strides = array<i32>} : memref<128x128xf32, #tpu.memory_space<vmem>>, vector<1x16xf32>,
        %broadcast_in_dim3A_94 = arith.constant 0.000000e+00 : f32
        %broadcast_in_dim3A_95 = vector.broadcast %broadcast_in_dim3A_94 : f32 to vector<16xf32>
        %swap3A_96 = arith.index_cast %scan3A_66 : i32 to index
        %swap3A_97 = arith.constant 64 : index
        %swap3A_98 = tpu.vector_load %arg10[%swap3A_96, %swap3A_97] {strides = array<i32>} : memref<128x128xf32, #tpu.memory_space<vmem>>, vector<1x16xf32>,
        %swap3A_99 = vector.shape_cast %swap3A_98 : vector<1x16xf32> to vector<16xf32>
        %swap3A_100 = vector.shape_cast %broadcast_in_dim3A_95 : vector<16xf32> to vector<1x16xf32>
        tpu.vector_store %arg10[%swap3A_96, %swap3A_97], %swap3A_100 {strides = array<i32>} : memref<128x128xf32, #tpu.memory_space<vmem>>, vector<1x16xf32>,
        %broadcast_in_dim3A_101 = arith.constant 0.000000e+00 : f32
        %broadcast_in_dim3A_102 = vector.broadcast %broadcast_in_dim3A_101 : f32 to vector<16xf32>
        %swap3A_103 = arith.index_cast %scan3A_66 : i32 to index
        %swap3A_104 = arith.constant 80 : index
        %swap3A_105 = tpu.vector_load %arg10[%swap3A_103, %swap3A_104] {strides = array<i32>} : memref<128x128xf32, #tpu.memory_space<vmem>>, vector<1x16xf32>,
        %swap3A_106 = vector.shape_cast %swap3A_105 : vector<1x16xf32> to vector<16xf32>
        %swap3A_107 = vector.shape_cast %broadcast_in_dim3A_102 : vector<16xf32> to vector<1x16xf32>
        tpu.vector_store %arg10[%swap3A_103, %swap3A_104], %swap3A_107 {strides = array<i32>} : memref<128x128xf32, #tpu.memory_space<vmem>>, vector<1x16xf32>,
        %broadcast_in_dim3A_108 = arith.constant 0.000000e+00 : f32
        %broadcast_in_dim3A_109 = vector.broadcast %broadcast_in_dim3A_108 : f32 to vector<16xf32>
        %swap3A_110 = arith.index_cast %scan3A_66 : i32 to index
        %swap3A_111 = arith.constant 96 : index
        %swap3A_112 = tpu.vector_load %arg10[%swap3A_110, %swap3A_111] {strides = array<i32>} : memref<128x128xf32, #tpu.memory_space<vmem>>, vector<1x16xf32>,
        %swap3A_113 = vector.shape_cast %swap3A_112 : vector<1x16xf32> to vector<16xf32>
        %swap3A_114 = vector.shape_cast %broadcast_in_dim3A_109 : vector<16xf32> to vector<1x16xf32>
        tpu.vector_store %arg10[%swap3A_110, %swap3A_111], %swap3A_114 {strides = array<i32>} : memref<128x128xf32, #tpu.memory_space<vmem>>, vector<1x16xf32>,
        %broadcast_in_dim3A_115 = arith.constant 0.000000e+00 : f32
        %broadcast_in_dim3A_116 = vector.broadcast %broadcast_in_dim3A_115 : f32 to vector<16xf32>
        %swap3A_117 = arith.index_cast %scan3A_66 : i32 to index
        %swap3A_118 = arith.constant 112 : index
        %swap3A_119 = tpu.vector_load %arg10[%swap3A_117, %swap3A_118] {strides = array<i32>} : memref<128x128xf32, #tpu.memory_space<vmem>>, vector<1x16xf32>,
        %swap3A_120 = vector.shape_cast %swap3A_119 : vector<1x16xf32> to vector<16xf32>
        %swap3A_121 = vector.shape_cast %broadcast_in_dim3A_116 : vector<16xf32> to vector<1x16xf32>
        tpu.vector_store %arg10[%swap3A_117, %swap3A_118], %swap3A_121 {strides = array<i32>} : memref<128x128xf32, #tpu.memory_space<vmem>>, vector<1x16xf32>,
        %scan3A_122 = arith.constant 0 : i32
        scf.yield %scan3A_122 : i32
      }
      %scan3A_8 = arith.constant 128 : i32
      %mul3A_9 = arith.constant 640 : i32
      %mul3A_10 = arith.muli %arg1, %mul3A_9 : i32
      %add3A = arith.constant 0 : i32
      %add3A_11 = arith.addi %mul3A_10, %add3A : i32
      "tpu.region"() ({
        %run_scoped3A = tpu.sem_alloc : memref<!tpu.dma_semaphore, #tpu.memory_space<semaphore_mem>>
        %dma_start3A_66 = arith.constant 0 : i32
        %dma_start3A_67 = tpu.memref_slice %arg12[%add3A_11, %dma_start3A_66] : memref<10240x128xf32, #tpu.memory_space<vmem_shared>> -> memref<128x128xf32, #tpu.memory_space<vmem_shared>>
        %dma_start3A_68 = arith.constant 0 : i32
        %dma_start3A_69 = tpu.memref_slice %arg12[%add3A_11, %dma_start3A_68] : memref<10240x128xf32, #tpu.memory_space<vmem_shared>> -> memref<128x128xf32, #tpu.memory_space<vmem_shared>>
        tpu.enqueue_dma source(%arg10 : memref<128x128xf32, #tpu.memory_space<vmem>>) target(%dma_start3A_69 : memref<128x128xf32, #tpu.memory_space<vmem_shared>>) target_semaphore(%run_scoped3A : memref<!tpu.dma_semaphore, #tpu.memory_space<semaphore_mem>>)
        %dma_wait3A_70 = arith.constant 0 : i32
        %dma_wait3A_71 = tpu.memref_slice %arg12[%add3A_11, %dma_wait3A_70] : memref<10240x128xf32, #tpu.memory_space<vmem_shared>> -> memref<128x128xf32, #tpu.memory_space<vmem_shared>>
        %dma_wait3A_72 = arith.constant 0 : i32
        %dma_wait3A_73 = tpu.memref_slice %arg12[%add3A_11, %dma_wait3A_72] : memref<10240x128xf32, #tpu.memory_space<vmem_shared>> -> memref<128x128xf32, #tpu.memory_space<vmem_shared>>
        tpu.wait_dma2 semaphore(%run_scoped3A : memref<!tpu.dma_semaphore, #tpu.memory_space<semaphore_mem>>) src(%arg10 : memref<128x128xf32, #tpu.memory_space<vmem>>) dst(%dma_wait3A_73 : memref<128x128xf32, #tpu.memory_space<vmem_shared>>)
        tpu.yield
      }) : () -> ()
      %mul3A_12 = arith.constant 640 : i32
      %mul3A_13 = arith.muli %arg1, %mul3A_12 : i32
      %add3A_14 = arith.constant 128 : i32
      %add3A_15 = arith.addi %mul3A_13, %add3A_14 : i32
      "tpu.region"() ({
        %run_scoped3A = tpu.sem_alloc : memref<!tpu.dma_semaphore, #tpu.memory_space<semaphore_mem>>
        %dma_start3A_66 = arith.constant 0 : i32
        %dma_start3A_67 = tpu.memref_slice %arg12[%add3A_15, %dma_start3A_66] : memref<10240x128xf32, #tpu.memory_space<vmem_shared>> -> memref<128x128xf32, #tpu.memory_space<vmem_shared>>
        %dma_start3A_68 = arith.constant 0 : i32
        %dma_start3A_69 = tpu.memref_slice %arg12[%add3A_15, %dma_start3A_68] : memref<10240x128xf32, #tpu.memory_space<vmem_shared>> -> memref<128x128xf32, #tpu.memory_space<vmem_shared>>
        tpu.enqueue_dma source(%arg10 : memref<128x128xf32, #tpu.memory_space<vmem>>) target(%dma_start3A_69 : memref<128x128xf32, #tpu.memory_space<vmem_shared>>) target_semaphore(%run_scoped3A : memref<!tpu.dma_semaphore, #tpu.memory_space<semaphore_mem>>)
        %dma_wait3A_70 = arith.constant 0 : i32
        %dma_wait3A_71 = tpu.memref_slice %arg12[%add3A_15, %dma_wait3A_70] : memref<10240x128xf32, #tpu.memory_space<vmem_shared>> -> memref<128x128xf32, #tpu.memory_space<vmem_shared>>
        %dma_wait3A_72 = arith.constant 0 : i32
        %dma_wait3A_73 = tpu.memref_slice %arg12[%add3A_15, %dma_wait3A_72] : memref<10240x128xf32, #tpu.memory_space<vmem_shared>> -> memref<128x128xf32, #tpu.memory_space<vmem_shared>>
        tpu.wait_dma2 semaphore(%run_scoped3A : memref<!tpu.dma_semaphore, #tpu.memory_space<semaphore_mem>>) src(%arg10 : memref<128x128xf32, #tpu.memory_space<vmem>>) dst(%dma_wait3A_73 : memref<128x128xf32, #tpu.memory_space<vmem_shared>>)
        tpu.yield
      }) : () -> ()
      %mul3A_16 = arith.constant 640 : i32
      %mul3A_17 = arith.muli %arg1, %mul3A_16 : i32
      %add3A_18 = arith.constant 256 : i32
      %add3A_19 = arith.addi %mul3A_17, %add3A_18 : i32
      "tpu.region"() ({
        %run_scoped3A = tpu.sem_alloc : memref<!tpu.dma_semaphore, #tpu.memory_space<semaphore_mem>>
        %dma_start3A_66 = arith.constant 0 : i32
        %dma_start3A_67 = tpu.memref_slice %arg12[%add3A_19, %dma_start3A_66] : memref<10240x128xf32, #tpu.memory_space<vmem_shared>> -> memref<128x128xf32, #tpu.memory_space<vmem_shared>>
        %dma_start3A_68 = arith.constant 0 : i32
        %dma_start3A_69 = tpu.memref_slice %arg12[%add3A_19, %dma_start3A_68] : memref<10240x128xf32, #tpu.memory_space<vmem_shared>> -> memref<128x128xf32, #tpu.memory_space<vmem_shared>>
        tpu.enqueue_dma source(%arg10 : memref<128x128xf32, #tpu.memory_space<vmem>>) target(%dma_start3A_69 : memref<128x128xf32, #tpu.memory_space<vmem_shared>>) target_semaphore(%run_scoped3A : memref<!tpu.dma_semaphore, #tpu.memory_space<semaphore_mem>>)
        %dma_wait3A_70 = arith.constant 0 : i32
        %dma_wait3A_71 = tpu.memref_slice %arg12[%add3A_19, %dma_wait3A_70] : memref<10240x128xf32, #tpu.memory_space<vmem_shared>> -> memref<128x128xf32, #tpu.memory_space<vmem_shared>>
        %dma_wait3A_72 = arith.constant 0 : i32
        %dma_wait3A_73 = tpu.memref_slice %arg12[%add3A_19, %dma_wait3A_72] : memref<10240x128xf32, #tpu.memory_space<vmem_shared>> -> memref<128x128xf32, #tpu.memory_space<vmem_shared>>
        tpu.wait_dma2 semaphore(%run_scoped3A : memref<!tpu.dma_semaphore, #tpu.memory_space<semaphore_mem>>) src(%arg10 : memref<128x128xf32, #tpu.memory_space<vmem>>) dst(%dma_wait3A_73 : memref<128x128xf32, #tpu.memory_space<vmem_shared>>)
        tpu.yield
      }) : () -> ()
      %mul3A_20 = arith.constant 640 : i32
      %mul3A_21 = arith.muli %arg1, %mul3A_20 : i32
      %add3A_22 = arith.constant 384 : i32
      %add3A_23 = arith.addi %mul3A_21, %add3A_22 : i32
      "tpu.region"() ({
        %run_scoped3A = tpu.sem_alloc : memref<!tpu.dma_semaphore, #tpu.memory_space<semaphore_mem>>
        %dma_start3A_66 = arith.constant 0 : i32
        %dma_start3A_67 = tpu.memref_slice %arg12[%add3A_23, %dma_start3A_66] : memref<10240x128xf32, #tpu.memory_space<vmem_shared>> -> memref<128x128xf32, #tpu.memory_space<vmem_shared>>
        %dma_start3A_68 = arith.constant 0 : i32
        %dma_start3A_69 = tpu.memref_slice %arg12[%add3A_23, %dma_start3A_68] : memref<10240x128xf32, #tpu.memory_space<vmem_shared>> -> memref<128x128xf32, #tpu.memory_space<vmem_shared>>
        tpu.enqueue_dma source(%arg10 : memref<128x128xf32, #tpu.memory_space<vmem>>) target(%dma_start3A_69 : memref<128x128xf32, #tpu.memory_space<vmem_shared>>) target_semaphore(%run_scoped3A : memref<!tpu.dma_semaphore, #tpu.memory_space<semaphore_mem>>)
        %dma_wait3A_70 = arith.constant 0 : i32
        %dma_wait3A_71 = tpu.memref_slice %arg12[%add3A_23, %dma_wait3A_70] : memref<10240x128xf32, #tpu.memory_space<vmem_shared>> -> memref<128x128xf32, #tpu.memory_space<vmem_shared>>
        %dma_wait3A_72 = arith.constant 0 : i32
        %dma_wait3A_73 = tpu.memref_slice %arg12[%add3A_23, %dma_wait3A_72] : memref<10240x128xf32, #tpu.memory_space<vmem_shared>> -> memref<128x128xf32, #tpu.memory_space<vmem_shared>>
        tpu.wait_dma2 semaphore(%run_scoped3A : memref<!tpu.dma_semaphore, #tpu.memory_space<semaphore_mem>>) src(%arg10 : memref<128x128xf32, #tpu.memory_space<vmem>>) dst(%dma_wait3A_73 : memref<128x128xf32, #tpu.memory_space<vmem_shared>>)
        tpu.yield
      }) : () -> ()
      %mul3A_24 = arith.constant 640 : i32
      %mul3A_25 = arith.muli %arg1, %mul3A_24 : i32
      %add3A_26 = arith.constant 512 : i32
      %add3A_27 = arith.addi %mul3A_25, %add3A_26 : i32
      "tpu.region"() ({
        %run_scoped3A = tpu.sem_alloc : memref<!tpu.dma_semaphore, #tpu.memory_space<semaphore_mem>>
        %dma_start3A_66 = arith.constant 0 : i32
        %dma_start3A_67 = tpu.memref_slice %arg12[%add3A_27, %dma_start3A_66] : memref<10240x128xf32, #tpu.memory_space<vmem_shared>> -> memref<128x128xf32, #tpu.memory_space<vmem_shared>>
        %dma_start3A_68 = arith.constant 0 : i32
        %dma_start3A_69 = tpu.memref_slice %arg12[%add3A_27, %dma_start3A_68] : memref<10240x128xf32, #tpu.memory_space<vmem_shared>> -> memref<128x128xf32, #tpu.memory_space<vmem_shared>>
        tpu.enqueue_dma source(%arg10 : memref<128x128xf32, #tpu.memory_space<vmem>>) target(%dma_start3A_69 : memref<128x128xf32, #tpu.memory_space<vmem_shared>>) target_semaphore(%run_scoped3A : memref<!tpu.dma_semaphore, #tpu.memory_space<semaphore_mem>>)
        %dma_wait3A_70 = arith.constant 0 : i32
        %dma_wait3A_71 = tpu.memref_slice %arg12[%add3A_27, %dma_wait3A_70] : memref<10240x128xf32, #tpu.memory_space<vmem_shared>> -> memref<128x128xf32, #tpu.memory_space<vmem_shared>>
        %dma_wait3A_72 = arith.constant 0 : i32
        %dma_wait3A_73 = tpu.memref_slice %arg12[%add3A_27, %dma_wait3A_72] : memref<10240x128xf32, #tpu.memory_space<vmem_shared>> -> memref<128x128xf32, #tpu.memory_space<vmem_shared>>
        tpu.wait_dma2 semaphore(%run_scoped3A : memref<!tpu.dma_semaphore, #tpu.memory_space<semaphore_mem>>) src(%arg10 : memref<128x128xf32, #tpu.memory_space<vmem>>) dst(%dma_wait3A_73 : memref<128x128xf32, #tpu.memory_space<vmem_shared>>)
        tpu.yield
      }) : () -> ()
      %barrier3A = arith.constant 0 : index
      tpu.barrier barrier_id(%barrier3A)
      %add3A_28 = arith.constant 0 : i32
      %add3A_29 = arith.addi %mul3A_2, %add3A_28 : i32
      "tpu.region"() ({
        %run_scoped3A = tpu.sem_alloc : memref<!tpu.dma_semaphore, #tpu.memory_space<semaphore_mem>>
        %dma_start3A_66 = tpu.memref_slice %arg2[%add3A_29] : memref<323584xi32, #tpu.memory_space<hbm>> -> memref<128xi32, #tpu.memory_space<hbm>>
        %dma_start3A_67 = tpu.memref_slice %arg2[%add3A_29] : memref<323584xi32, #tpu.memory_space<hbm>> -> memref<128xi32, #tpu.memory_space<hbm>>
        tpu.enqueue_dma source(%dma_start3A_67 : memref<128xi32, #tpu.memory_space<hbm>>) target(%arg6 : memref<128xi32, #tpu.memory_space<vmem>>) target_semaphore(%run_scoped3A : memref<!tpu.dma_semaphore, #tpu.memory_space<semaphore_mem>>)
        %dma_wait3A_68 = tpu.memref_slice %arg2[%add3A_29] : memref<323584xi32, #tpu.memory_space<hbm>> -> memref<128xi32, #tpu.memory_space<hbm>>
        %dma_wait3A_69 = tpu.memref_slice %arg2[%add3A_29] : memref<323584xi32, #tpu.memory_space<hbm>> -> memref<128xi32, #tpu.memory_space<hbm>>
        tpu.wait_dma2 semaphore(%run_scoped3A : memref<!tpu.dma_semaphore, #tpu.memory_space<semaphore_mem>>) src(%dma_wait3A_69 : memref<128xi32, #tpu.memory_space<hbm>>) dst(%arg6 : memref<128xi32, #tpu.memory_space<vmem>>)
        tpu.yield
      }) : () -> ()
      "tpu.region"() ({
        %run_scoped3A = tpu.sem_alloc : memref<!tpu.dma_semaphore, #tpu.memory_space<semaphore_mem>>
        %dma_start3A_66 = tpu.memref_slice %arg3[%add3A_29] : memref<323584xi32, #tpu.memory_space<hbm>> -> memref<128xi32, #tpu.memory_space<hbm>>
        %dma_start3A_67 = tpu.memref_slice %arg3[%add3A_29] : memref<323584xi32, #tpu.memory_space<hbm>> -> memref<128xi32, #tpu.memory_space<hbm>>
        tpu.enqueue_dma source(%dma_start3A_67 : memref<128xi32, #tpu.memory_space<hbm>>) target(%arg8 : memref<128xi32, #tpu.memory_space<vmem>>) target_semaphore(%run_scoped3A : memref<!tpu.dma_semaphore, #tpu.memory_space<semaphore_mem>>)
        %dma_wait3A_68 = tpu.memref_slice %arg3[%add3A_29] : memref<323584xi32, #tpu.memory_space<hbm>> -> memref<128xi32, #tpu.memory_space<hbm>>
        %dma_wait3A_69 = tpu.memref_slice %arg3[%add3A_29] : memref<323584xi32, #tpu.memory_space<hbm>> -> memref<128xi32, #tpu.memory_space<hbm>>
        tpu.wait_dma2 semaphore(%run_scoped3A : memref<!tpu.dma_semaphore, #tpu.memory_space<semaphore_mem>>) src(%dma_wait3A_69 : memref<128xi32, #tpu.memory_space<hbm>>) dst(%arg8 : memref<128xi32, #tpu.memory_space<vmem>>)
        tpu.yield
      }) : () -> ()
      %dma_start3A = arith.constant 0 : i32
      %dma_start3A_30 = arith.constant 0 : i32
      %dma_start3A_31 = tpu.memref_slice %arg4[%dma_start3A, %dma_start3A_30] : memref<10000x128xf32, #tpu.memory_space<hbm>> -> memref<10000x128xf32, #tpu.memory_space<hbm>>
      tpu.enqueue_indirect_dma source(%dma_start3A_31 : memref<10000x128xf32, #tpu.memory_space<hbm>>) target(%arg10 : memref<128x128xf32, #tpu.memory_space<vmem>>) offsets(%arg6 : memref<128xi32, #tpu.memory_space<vmem>>) semaphore(%arg13 : memref<!tpu.dma_semaphore, #tpu.memory_space<semaphore_mem>>)
      %add3A_32 = arith.constant 128 : i32
      %add3A_33 = arith.addi %mul3A_2, %add3A_32 : i32
      "tpu.region"() ({
        %run_scoped3A = tpu.sem_alloc : memref<!tpu.dma_semaphore, #tpu.memory_space<semaphore_mem>>
        %dma_start3A_66 = tpu.memref_slice %arg2[%add3A_33] : memref<323584xi32, #tpu.memory_space<hbm>> -> memref<128xi32, #tpu.memory_space<hbm>>
        %dma_start3A_67 = tpu.memref_slice %arg2[%add3A_33] : memref<323584xi32, #tpu.memory_space<hbm>> -> memref<128xi32, #tpu.memory_space<hbm>>
        tpu.enqueue_dma source(%dma_start3A_67 : memref<128xi32, #tpu.memory_space<hbm>>) target(%arg7 : memref<128xi32, #tpu.memory_space<vmem>>) target_semaphore(%run_scoped3A : memref<!tpu.dma_semaphore, #tpu.memory_space<semaphore_mem>>)
        %dma_wait3A_68 = tpu.memref_slice %arg2[%add3A_33] : memref<323584xi32, #tpu.memory_space<hbm>> -> memref<128xi32, #tpu.memory_space<hbm>>
        %dma_wait3A_69 = tpu.memref_slice %arg2[%add3A_33] : memref<323584xi32, #tpu.memory_space<hbm>> -> memref<128xi32, #tpu.memory_space<hbm>>
        tpu.wait_dma2 semaphore(%run_scoped3A : memref<!tpu.dma_semaphore, #tpu.memory_space<semaphore_mem>>) src(%dma_wait3A_69 : memref<128xi32, #tpu.memory_space<hbm>>) dst(%arg7 : memref<128xi32, #tpu.memory_space<vmem>>)
        tpu.yield
      }) : () -> ()
      "tpu.region"() ({
        %run_scoped3A = tpu.sem_alloc : memref<!tpu.dma_semaphore, #tpu.memory_space<semaphore_mem>>
        %dma_start3A_66 = tpu.memref_slice %arg3[%add3A_33] : memref<323584xi32, #tpu.memory_space<hbm>> -> memref<128xi32, #tpu.memory_space<hbm>>
        %dma_start3A_67 = tpu.memref_slice %arg3[%add3A_33] : memref<323584xi32, #tpu.memory_space<hbm>> -> memref<128xi32, #tpu.memory_space<hbm>>
        tpu.enqueue_dma source(%dma_start3A_67 : memref<128xi32, #tpu.memory_space<hbm>>) target(%arg9 : memref<128xi32, #tpu.memory_space<vmem>>) target_semaphore(%run_scoped3A : memref<!tpu.dma_semaphore, #tpu.memory_space<semaphore_mem>>)
        %dma_wait3A_68 = tpu.memref_slice %arg3[%add3A_33] : memref<323584xi32, #tpu.memory_space<hbm>> -> memref<128xi32, #tpu.memory_space<hbm>>
        %dma_wait3A_69 = tpu.memref_slice %arg3[%add3A_33] : memref<323584xi32, #tpu.memory_space<hbm>> -> memref<128xi32, #tpu.memory_space<hbm>>
        tpu.wait_dma2 semaphore(%run_scoped3A : memref<!tpu.dma_semaphore, #tpu.memory_space<semaphore_mem>>) src(%dma_wait3A_69 : memref<128xi32, #tpu.memory_space<hbm>>) dst(%arg9 : memref<128xi32, #tpu.memory_space<vmem>>)
        tpu.yield
      }) : () -> ()
      %dma_start3A_34 = arith.constant 0 : i32
      %dma_start3A_35 = arith.constant 0 : i32
      %dma_start3A_36 = tpu.memref_slice %arg4[%dma_start3A_34, %dma_start3A_35] : memref<10000x128xf32, #tpu.memory_space<hbm>> -> memref<10000x128xf32, #tpu.memory_space<hbm>>
      tpu.enqueue_indirect_dma source(%dma_start3A_36 : memref<10000x128xf32, #tpu.memory_space<hbm>>) target(%arg11 : memref<128x128xf32, #tpu.memory_space<vmem>>) offsets(%arg7 : memref<128xi32, #tpu.memory_space<vmem>>) semaphore(%arg14 : memref<!tpu.dma_semaphore, #tpu.memory_space<semaphore_mem>>)
      %scan3A_37 = arith.constant 0 : i32
      %scan3A_38 = arith.constant 0 : i32
      %scan3A_39 = arith.constant 78 : i32
      %scan3A_40 = arith.addi %scan3A_38, %scan3A_39 : i32
      %scan3A_41 = arith.constant 1 : i32
      %scan3A_42 = scf.for %scan3A_66 = %scan3A_38 to %scan3A_40 step %scan3A_41 iter_args(%scan3A_67 = %scan3A_37) -> (i32)  : i32 {
        %mul3A_68 = arith.constant 2 : i32
        %mul3A_69 = arith.muli %mul3A_68, %scan3A_66 : i32
        %add3A_70 = arith.constant 0 : i32
        %add3A_71 = arith.addi %mul3A_69, %add3A_70 : i32
        %dma_wait3A_72 = arith.constant 0 : i32
        %dma_wait3A_73 = arith.constant 0 : i32
        %dma_wait3A_74 = tpu.memref_slice %arg4[%dma_wait3A_72, %dma_wait3A_73] : memref<10000x128xf32, #tpu.memory_space<hbm>> -> memref<10000x128xf32, #tpu.memory_space<hbm>>
        tpu.wait_indirect_dma semaphore(%arg13 : memref<!tpu.dma_semaphore, #tpu.memory_space<semaphore_mem>>) src(%dma_wait3A_74 : memref<10000x128xf32, #tpu.memory_space<hbm>>) dst(%arg10 : memref<128x128xf32, #tpu.memory_space<vmem>>)
        %dma_start3A_75 = arith.constant 0 : i32
        %dma_start3A_76 = arith.constant 0 : i32
        %dma_start3A_77 = tpu.memref_slice %arg12[%dma_start3A_75, %dma_start3A_76] : memref<10240x128xf32, #tpu.memory_space<vmem_shared>> -> memref<10240x128xf32, #tpu.memory_space<vmem_shared>>
        tpu.enqueue_indirect_dma source(%arg10 : memref<128x128xf32, #tpu.memory_space<vmem>>) target(%dma_start3A_77 : memref<10240x128xf32, #tpu.memory_space<vmem_shared>>) offsets(%arg8 : memref<128xi32, #tpu.memory_space<vmem>>) semaphore(%arg15 : memref<!tpu.dma_semaphore, #tpu.memory_space<semaphore_mem>>) {add = true}
        %add3A_78 = arith.constant 2 : i32
        %add3A_79 = arith.addi %add3A_71, %add3A_78 : i32
        %mul3A_80 = arith.constant 128 : i32
        %mul3A_81 = arith.muli %add3A_79, %mul3A_80 : i32
        %add3A_82 = arith.addi %mul3A_2, %mul3A_81 : i32
        "tpu.region"() ({
          %run_scoped3A = tpu.sem_alloc : memref<!tpu.dma_semaphore, #tpu.memory_space<semaphore_mem>>
          %dma_start3A_121 = tpu.memref_slice %arg2[%add3A_82] : memref<323584xi32, #tpu.memory_space<hbm>> -> memref<128xi32, #tpu.memory_space<hbm>>
          %dma_start3A_122 = tpu.memref_slice %arg2[%add3A_82] : memref<323584xi32, #tpu.memory_space<hbm>> -> memref<128xi32, #tpu.memory_space<hbm>>
          tpu.enqueue_dma source(%dma_start3A_122 : memref<128xi32, #tpu.memory_space<hbm>>) target(%arg6 : memref<128xi32, #tpu.memory_space<vmem>>) target_semaphore(%run_scoped3A : memref<!tpu.dma_semaphore, #tpu.memory_space<semaphore_mem>>)
          %dma_wait3A_123 = tpu.memref_slice %arg2[%add3A_82] : memref<323584xi32, #tpu.memory_space<hbm>> -> memref<128xi32, #tpu.memory_space<hbm>>
          %dma_wait3A_124 = tpu.memref_slice %arg2[%add3A_82] : memref<323584xi32, #tpu.memory_space<hbm>> -> memref<128xi32, #tpu.memory_space<hbm>>
          tpu.wait_dma2 semaphore(%run_scoped3A : memref<!tpu.dma_semaphore, #tpu.memory_space<semaphore_mem>>) src(%dma_wait3A_124 : memref<128xi32, #tpu.memory_space<hbm>>) dst(%arg6 : memref<128xi32, #tpu.memory_space<vmem>>)
          tpu.yield
        }) : () -> ()
        %dma_wait3A_83 = arith.constant 0 : i32
        %dma_wait3A_84 = arith.constant 0 : i32
        %dma_wait3A_85 = tpu.memref_slice %arg12[%dma_wait3A_83, %dma_wait3A_84] : memref<10240x128xf32, #tpu.memory_space<vmem_shared>> -> memref<10240x128xf32, #tpu.memory_space<vmem_shared>>
        tpu.wait_indirect_dma semaphore(%arg15 : memref<!tpu.dma_semaphore, #tpu.memory_space<semaphore_mem>>) src(%arg10 : memref<128x128xf32, #tpu.memory_space<vmem>>) dst(%dma_wait3A_85 : memref<10240x128xf32, #tpu.memory_space<vmem_shared>>)
        %add3A_86 = arith.constant 2 : i32
        %add3A_87 = arith.addi %add3A_71, %add3A_86 : i32
        %mul3A_88 = arith.constant 128 : i32
        %mul3A_89 = arith.muli %add3A_87, %mul3A_88 : i32
        %add3A_90 = arith.addi %mul3A_2, %mul3A_89 : i32
        "tpu.region"() ({
          %run_scoped3A = tpu.sem_alloc : memref<!tpu.dma_semaphore, #tpu.memory_space<semaphore_mem>>
          %dma_start3A_121 = tpu.memref_slice %arg3[%add3A_90] : memref<323584xi32, #tpu.memory_space<hbm>> -> memref<128xi32, #tpu.memory_space<hbm>>
          %dma_start3A_122 = tpu.memref_slice %arg3[%add3A_90] : memref<323584xi32, #tpu.memory_space<hbm>> -> memref<128xi32, #tpu.memory_space<hbm>>
          tpu.enqueue_dma source(%dma_start3A_122 : memref<128xi32, #tpu.memory_space<hbm>>) target(%arg8 : memref<128xi32, #tpu.memory_space<vmem>>) target_semaphore(%run_scoped3A : memref<!tpu.dma_semaphore, #tpu.memory_space<semaphore_mem>>)
          %dma_wait3A_123 = tpu.memref_slice %arg3[%add3A_90] : memref<323584xi32, #tpu.memory_space<hbm>> -> memref<128xi32, #tpu.memory_space<hbm>>
          %dma_wait3A_124 = tpu.memref_slice %arg3[%add3A_90] : memref<323584xi32, #tpu.memory_space<hbm>> -> memref<128xi32, #tpu.memory_space<hbm>>
          tpu.wait_dma2 semaphore(%run_scoped3A : memref<!tpu.dma_semaphore, #tpu.memory_space<semaphore_mem>>) src(%dma_wait3A_124 : memref<128xi32, #tpu.memory_space<hbm>>) dst(%arg8 : memref<128xi32, #tpu.memory_space<vmem>>)
          tpu.yield
        }) : () -> ()
        %dma_start3A_91 = arith.constant 0 : i32
        %dma_start3A_92 = arith.constant 0 : i32
        %dma_start3A_93 = tpu.memref_slice %arg4[%dma_start3A_91, %dma_start3A_92] : memref<10000x128xf32, #tpu.memory_space<hbm>> -> memref<10000x128xf32, #tpu.memory_space<hbm>>
        tpu.enqueue_indirect_dma source(%dma_start3A_93 : memref<10000x128xf32, #tpu.memory_space<hbm>>) target(%arg10 : memref<128x128xf32, #tpu.memory_space<vmem>>) offsets(%arg6 : memref<128xi32, #tpu.memory_space<vmem>>) semaphore(%arg13 : memref<!tpu.dma_semaphore, #tpu.memory_space<semaphore_mem>>)
        %mul3A_94 = arith.constant 2 : i32
        %mul3A_95 = arith.muli %mul3A_94, %scan3A_66 : i32
        %add3A_96 = arith.constant 1 : i32
        %add3A_97 = arith.addi %mul3A_95, %add3A_96 : i32
        %dma_wait3A_98 = arith.constant 0 : i32
        %dma_wait3A_99 = arith.constant 0 : i32
        %dma_wait3A_100 = tpu.memref_slice %arg4[%dma_wait3A_98, %dma_wait3A_99] : memref<10000x128xf32, #tpu.memory_space<hbm>> -> memref<10000x128xf32, #tpu.memory_space<hbm>>
        tpu.wait_indirect_dma semaphore(%arg14 : memref<!tpu.dma_semaphore, #tpu.memory_space<semaphore_mem>>) src(%dma_wait3A_100 : memref<10000x128xf32, #tpu.memory_space<hbm>>) dst(%arg11 : memref<128x128xf32, #tpu.memory_space<vmem>>)
        %dma_start3A_101 = arith.constant 0 : i32
        %dma_start3A_102 = arith.constant 0 : i32
        %dma_start3A_103 = tpu.memref_slice %arg12[%dma_start3A_101, %dma_start3A_102] : memref<10240x128xf32, #tpu.memory_space<vmem_shared>> -> memref<10240x128xf32, #tpu.memory_space<vmem_shared>>
        tpu.enqueue_indirect_dma source(%arg11 : memref<128x128xf32, #tpu.memory_space<vmem>>) target(%dma_start3A_103 : memref<10240x128xf32, #tpu.memory_space<vmem_shared>>) offsets(%arg9 : memref<128xi32, #tpu.memory_space<vmem>>) semaphore(%arg16 : memref<!tpu.dma_semaphore, #tpu.memory_space<semaphore_mem>>) {add = true}
        %add3A_104 = arith.constant 2 : i32
        %add3A_105 = arith.addi %add3A_97, %add3A_104 : i32
        %mul3A_106 = arith.constant 128 : i32
        %mul3A_107 = arith.muli %add3A_105, %mul3A_106 : i32
        %add3A_108 = arith.addi %mul3A_2, %mul3A_107 : i32
        "tpu.region"() ({
          %run_scoped3A = tpu.sem_alloc : memref<!tpu.dma_semaphore, #tpu.memory_space<semaphore_mem>>
          %dma_start3A_121 = tpu.memref_slice %arg2[%add3A_108] : memref<323584xi32, #tpu.memory_space<hbm>> -> memref<128xi32, #tpu.memory_space<hbm>>
          %dma_start3A_122 = tpu.memref_slice %arg2[%add3A_108] : memref<323584xi32, #tpu.memory_space<hbm>> -> memref<128xi32, #tpu.memory_space<hbm>>
          tpu.enqueue_dma source(%dma_start3A_122 : memref<128xi32, #tpu.memory_space<hbm>>) target(%arg7 : memref<128xi32, #tpu.memory_space<vmem>>) target_semaphore(%run_scoped3A : memref<!tpu.dma_semaphore, #tpu.memory_space<semaphore_mem>>)
          %dma_wait3A_123 = tpu.memref_slice %arg2[%add3A_108] : memref<323584xi32, #tpu.memory_space<hbm>> -> memref<128xi32, #tpu.memory_space<hbm>>
          %dma_wait3A_124 = tpu.memref_slice %arg2[%add3A_108] : memref<323584xi32, #tpu.memory_space<hbm>> -> memref<128xi32, #tpu.memory_space<hbm>>
          tpu.wait_dma2 semaphore(%run_scoped3A : memref<!tpu.dma_semaphore, #tpu.memory_space<semaphore_mem>>) src(%dma_wait3A_124 : memref<128xi32, #tpu.memory_space<hbm>>) dst(%arg7 : memref<128xi32, #tpu.memory_space<vmem>>)
          tpu.yield
        }) : () -> ()
        %dma_wait3A_109 = arith.constant 0 : i32
        %dma_wait3A_110 = arith.constant 0 : i32
        %dma_wait3A_111 = tpu.memref_slice %arg12[%dma_wait3A_109, %dma_wait3A_110] : memref<10240x128xf32, #tpu.memory_space<vmem_shared>> -> memref<10240x128xf32, #tpu.memory_space<vmem_shared>>
        tpu.wait_indirect_dma semaphore(%arg16 : memref<!tpu.dma_semaphore, #tpu.memory_space<semaphore_mem>>) src(%arg11 : memref<128x128xf32, #tpu.memory_space<vmem>>) dst(%dma_wait3A_111 : memref<10240x128xf32, #tpu.memory_space<vmem_shared>>)
        %add3A_112 = arith.constant 2 : i32
        %add3A_113 = arith.addi %add3A_97, %add3A_112 : i32
        %mul3A_114 = arith.constant 128 : i32
        %mul3A_115 = arith.muli %add3A_113, %mul3A_114 : i32
        %add3A_116 = arith.addi %mul3A_2, %mul3A_115 : i32
        "tpu.region"() ({
          %run_scoped3A = tpu.sem_alloc : memref<!tpu.dma_semaphore, #tpu.memory_space<semaphore_mem>>
          %dma_start3A_121 = tpu.memref_slice %arg3[%add3A_116] : memref<323584xi32, #tpu.memory_space<hbm>> -> memref<128xi32, #tpu.memory_space<hbm>>
          %dma_start3A_122 = tpu.memref_slice %arg3[%add3A_116] : memref<323584xi32, #tpu.memory_space<hbm>> -> memref<128xi32, #tpu.memory_space<hbm>>
          tpu.enqueue_dma source(%dma_start3A_122 : memref<128xi32, #tpu.memory_space<hbm>>) target(%arg9 : memref<128xi32, #tpu.memory_space<vmem>>) target_semaphore(%run_scoped3A : memref<!tpu.dma_semaphore, #tpu.memory_space<semaphore_mem>>)
          %dma_wait3A_123 = tpu.memref_slice %arg3[%add3A_116] : memref<323584xi32, #tpu.memory_space<hbm>> -> memref<128xi32, #tpu.memory_space<hbm>>
          %dma_wait3A_124 = tpu.memref_slice %arg3[%add3A_116] : memref<323584xi32, #tpu.memory_space<hbm>> -> memref<128xi32, #tpu.memory_space<hbm>>
          tpu.wait_dma2 semaphore(%run_scoped3A : memref<!tpu.dma_semaphore, #tpu.memory_space<semaphore_mem>>) src(%dma_wait3A_124 : memref<128xi32, #tpu.memory_space<hbm>>) dst(%arg9 : memref<128xi32, #tpu.memory_space<vmem>>)
          tpu.yield
        }) : () -> ()
        %dma_start3A_117 = arith.constant 0 : i32
        %dma_start3A_118 = arith.constant 0 : i32
        %dma_start3A_119 = tpu.memref_slice %arg4[%dma_start3A_117, %dma_start3A_118] : memref<10000x128xf32, #tpu.memory_space<hbm>> -> memref<10000x128xf32, #tpu.memory_space<hbm>>
        tpu.enqueue_indirect_dma source(%dma_start3A_119 : memref<10000x128xf32, #tpu.memory_space<hbm>>) target(%arg11 : memref<128x128xf32, #tpu.memory_space<vmem>>) offsets(%arg7 : memref<128xi32, #tpu.memory_space<vmem>>) semaphore(%arg14 : memref<!tpu.dma_semaphore, #tpu.memory_space<semaphore_mem>>)
        %scan3A_120 = arith.constant 0 : i32
        scf.yield %scan3A_120 : i32
      }
      %scan3A_43 = arith.constant 78 : i32
      %dma_wait3A = arith.constant 0 : i32
      %dma_wait3A_44 = arith.constant 0 : i32
      %dma_wait3A_45 = tpu.memref_slice %arg4[%dma_wait3A, %dma_wait3A_44] : memref<10000x128xf32, #tpu.memory_space<hbm>> -> memref<10000x128xf32, #tpu.memory_space<hbm>>
      tpu.wait_indirect_dma semaphore(%arg13 : memref<!tpu.dma_semaphore, #tpu.memory_space<semaphore_mem>>) src(%dma_wait3A_45 : memref<10000x128xf32, #tpu.memory_space<hbm>>) dst(%arg10 : memref<128x128xf32, #tpu.memory_space<vmem>>)
      %dma_start3A_46 = arith.constant 0 : i32
      %dma_start3A_47 = arith.constant 0 : i32
      %dma_start3A_48 = tpu.memref_slice %arg12[%dma_start3A_46, %dma_start3A_47] : memref<10240x128xf32, #tpu.memory_space<vmem_shared>> -> memref<10240x128xf32, #tpu.memory_space<vmem_shared>>
      tpu.enqueue_indirect_dma source(%arg10 : memref<128x128xf32, #tpu.memory_space<vmem>>) target(%dma_start3A_48 : memref<10240x128xf32, #tpu.memory_space<vmem_shared>>) offsets(%arg8 : memref<128xi32, #tpu.memory_space<vmem>>) semaphore(%arg15 : memref<!tpu.dma_semaphore, #tpu.memory_space<semaphore_mem>>) {add = true}
      %dma_wait3A_49 = arith.constant 0 : i32
      %dma_wait3A_50 = arith.constant 0 : i32
      %dma_wait3A_51 = tpu.memref_slice %arg12[%dma_wait3A_49, %dma_wait3A_50] : memref<10240x128xf32, #tpu.memory_space<vmem_shared>> -> memref<10240x128xf32, #tpu.memory_space<vmem_shared>>
      tpu.wait_indirect_dma semaphore(%arg15 : memref<!tpu.dma_semaphore, #tpu.memory_space<semaphore_mem>>) src(%arg10 : memref<128x128xf32, #tpu.memory_space<vmem>>) dst(%dma_wait3A_51 : memref<10240x128xf32, #tpu.memory_space<vmem_shared>>)
      %dma_wait3A_52 = arith.constant 0 : i32
      %dma_wait3A_53 = arith.constant 0 : i32
      %dma_wait3A_54 = tpu.memref_slice %arg4[%dma_wait3A_52, %dma_wait3A_53] : memref<10000x128xf32, #tpu.memory_space<hbm>> -> memref<10000x128xf32, #tpu.memory_space<hbm>>
      tpu.wait_indirect_dma semaphore(%arg14 : memref<!tpu.dma_semaphore, #tpu.memory_space<semaphore_mem>>) src(%dma_wait3A_54 : memref<10000x128xf32, #tpu.memory_space<hbm>>) dst(%arg11 : memref<128x128xf32, #tpu.memory_space<vmem>>)
      %dma_start3A_55 = arith.constant 0 : i32
      %dma_start3A_56 = arith.constant 0 : i32
      %dma_start3A_57 = tpu.memref_slice %arg12[%dma_start3A_55, %dma_start3A_56] : memref<10240x128xf32, #tpu.memory_space<vmem_shared>> -> memref<10240x128xf32, #tpu.memory_space<vmem_shared>>
      tpu.enqueue_indirect_dma source(%arg11 : memref<128x128xf32, #tpu.memory_space<vmem>>) target(%dma_start3A_57 : memref<10240x128xf32, #tpu.memory_space<vmem_shared>>) offsets(%arg9 : memref<128xi32, #tpu.memory_space<vmem>>) semaphore(%arg16 : memref<!tpu.dma_semaphore, #tpu.memory_space<semaphore_mem>>) {add = true}
      %dma_wait3A_58 = arith.constant 0 : i32
      %dma_wait3A_59 = arith.constant 0 : i32
      %dma_wait3A_60 = tpu.memref_slice %arg12[%dma_wait3A_58, %dma_wait3A_59] : memref<10240x128xf32, #tpu.memory_space<vmem_shared>> -> memref<10240x128xf32, #tpu.memory_space<vmem_shared>>
      tpu.wait_indirect_dma semaphore(%arg16 : memref<!tpu.dma_semaphore, #tpu.memory_space<semaphore_mem>>) src(%arg11 : memref<128x128xf32, #tpu.memory_space<vmem>>) dst(%dma_wait3A_60 : memref<10240x128xf32, #tpu.memory_space<vmem_shared>>)
      %barrier3A_61 = arith.constant 0 : index
      tpu.barrier barrier_id(%barrier3A_61)
      %mul3A_62 = arith.constant 640 : i32
      %mul3A_63 = arith.muli %arg1, %mul3A_62 : i32
      %mul3A_64 = arith.constant 640 : i32
      %mul3A_65 = arith.muli %arg1, %mul3A_64 : i32
      "tpu.region"() ({
        %run_scoped3A = tpu.sem_alloc : memref<!tpu.dma_semaphore, #tpu.memory_space<semaphore_mem>>
        %dma_start3A_66 = arith.constant 0 : i32
        %dma_start3A_67 = tpu.memref_slice %arg5[%mul3A_65, %dma_start3A_66] : memref<10240x128xf32, #tpu.memory_space<hbm>> -> memref<640x128xf32, #tpu.memory_space<hbm>>
        %dma_start3A_68 = arith.constant 0 : i32
        %dma_start3A_69 = tpu.memref_slice %arg12[%mul3A_63, %dma_start3A_68] : memref<10240x128xf32, #tpu.memory_space<vmem_shared>> -> memref<640x128xf32, #tpu.memory_space<vmem_shared>>
        tpu.enqueue_dma source(%dma_start3A_69 : memref<640x128xf32, #tpu.memory_space<vmem_shared>>) target(%dma_start3A_67 : memref<640x128xf32, #tpu.memory_space<hbm>>) target_semaphore(%run_scoped3A : memref<!tpu.dma_semaphore, #tpu.memory_space<semaphore_mem>>)
        %dma_wait3A_70 = arith.constant 0 : i32
        %dma_wait3A_71 = tpu.memref_slice %arg5[%mul3A_65, %dma_wait3A_70] : memref<10240x128xf32, #tpu.memory_space<hbm>> -> memref<640x128xf32, #tpu.memory_space<hbm>>
        %dma_wait3A_72 = arith.constant 0 : i32
        %dma_wait3A_73 = tpu.memref_slice %arg12[%mul3A_63, %dma_wait3A_72] : memref<10240x128xf32, #tpu.memory_space<vmem_shared>> -> memref<640x128xf32, #tpu.memory_space<vmem_shared>>
        tpu.wait_dma2 semaphore(%run_scoped3A : memref<!tpu.dma_semaphore, #tpu.memory_space<semaphore_mem>>) src(%dma_wait3A_73 : memref<640x128xf32, #tpu.memory_space<vmem_shared>>) dst(%dma_wait3A_71 : memref<640x128xf32, #tpu.memory_space<hbm>>)
        tpu.yield
      }) : () -> ()
    } else {
    }
    return
  }
}

#map = affine_map<(d0, d1) -> (0)>
module attributes {stable_mosaic.version = 14 : i64} {
  func.func @deg_kernel(%arg0: i32, %arg1: i32, %arg2: memref<323584xi32, #tpu.memory_space<hbm>>, %arg3: memref<20480xf32, #tpu.memory_space<hbm>>, %arg4: memref<1024xi32, #tpu.memory_space<vmem>>, %arg5: memref<10240xf32, #tpu.memory_space<vmem>>, %arg6: memref<640xf32, #tpu.memory_space<vmem>>, %arg7: memref<640xf32, #tpu.memory_space<vmem>>, %arg8: memref<163840xf32, #tpu.memory_space<vmem_shared>>) attributes {dimension_semantics = [#tpu.dimension_semantics<core_parallel>, #tpu.dimension_semantics<subcore_parallel>], iteration_bounds = array<i64: 2, 16>, scalar_prefetch = 0 : i64, scratch_operands = 5 : i64, tpu.core_type = #tpu.core_type<sc_vector_subcore>, window_params = [{transform_indices = #map}, {transform_indices = #map}]} {
    %mul3A = arith.constant 16 : i32
    %mul3A_0 = arith.muli %arg0, %mul3A : i32
    %add3A = arith.addi %mul3A_0, %arg1 : i32
    %mul3A_1 = arith.constant 10112 : i32
    %mul3A_2 = arith.muli %add3A, %mul3A_1 : i32
    %broadcast_in_dim3A = arith.constant 0.000000e+00 : f32
    %broadcast_in_dim3A_3 = vector.broadcast %broadcast_in_dim3A : f32 to vector<16xf32>
    %broadcast_in_dim3A_4 = arith.constant 1.000000e+00 : f32
    %broadcast_in_dim3A_5 = vector.broadcast %broadcast_in_dim3A_4 : f32 to vector<16xf32>
    %scan3A = arith.constant 0 : i32
    %scan3A_6 = arith.constant 0 : i32
    %scan3A_7 = arith.constant 640 : i32
    %scan3A_8 = arith.addi %scan3A_6, %scan3A_7 : i32
    %scan3A_9 = arith.constant 1 : i32
    %scan3A_10 = scf.for %scan3A_200 = %scan3A_6 to %scan3A_8 step %scan3A_9 iter_args(%scan3A_201 = %scan3A) -> (i32)  : i32 {
      %mul3A_202 = arith.constant 16 : i32
      %mul3A_203 = arith.muli %scan3A_200, %mul3A_202 : i32
      %swap3A = arith.index_cast %mul3A_203 : i32 to index
      %swap3A_204 = tpu.vector_load %arg5[%swap3A] {strides = array<i32>} : memref<10240xf32, #tpu.memory_space<vmem>>, vector<16xf32>,
      tpu.vector_store %arg5[%swap3A], %broadcast_in_dim3A_3 {strides = array<i32>} : memref<10240xf32, #tpu.memory_space<vmem>>, vector<16xf32>,
      %scan3A_205 = arith.constant 0 : i32
      scf.yield %scan3A_205 : i32
    }
    %scan3A_11 = arith.constant 640 : i32
    %scan3A_12 = arith.constant 0 : i32
    %scan3A_13 = arith.constant 0 : i32
    %scan3A_14 = arith.constant 9 : i32
    %scan3A_15 = arith.addi %scan3A_13, %scan3A_14 : i32
    %scan3A_16 = arith.constant 1 : i32
    %scan3A_17 = scf.for %scan3A_200 = %scan3A_13 to %scan3A_15 step %scan3A_16 iter_args(%scan3A_201 = %scan3A_12) -> (i32)  : i32 {
      %mul3A_202 = arith.constant 8 : i32
      %mul3A_203 = arith.muli %scan3A_200, %mul3A_202 : i32
      %mul3A_204 = arith.constant 128 : i32
      %mul3A_205 = arith.muli %mul3A_203, %mul3A_204 : i32
      %add3A_206 = arith.addi %mul3A_2, %mul3A_205 : i32
      "tpu.region"() ({
        %run_scoped3A = tpu.sem_alloc : memref<!tpu.dma_semaphore, #tpu.memory_space<semaphore_mem>>
        %dma_start3A = tpu.memref_slice %arg2[%add3A_206] : memref<323584xi32, #tpu.memory_space<hbm>> -> memref<1024xi32, #tpu.memory_space<hbm>>
        %dma_start3A_215 = tpu.memref_slice %arg2[%add3A_206] : memref<323584xi32, #tpu.memory_space<hbm>> -> memref<1024xi32, #tpu.memory_space<hbm>>
        tpu.enqueue_dma source(%dma_start3A_215 : memref<1024xi32, #tpu.memory_space<hbm>>) target(%arg4 : memref<1024xi32, #tpu.memory_space<vmem>>) target_semaphore(%run_scoped3A : memref<!tpu.dma_semaphore, #tpu.memory_space<semaphore_mem>>)
        %dma_wait3A = tpu.memref_slice %arg2[%add3A_206] : memref<323584xi32, #tpu.memory_space<hbm>> -> memref<1024xi32, #tpu.memory_space<hbm>>
        %dma_wait3A_216 = tpu.memref_slice %arg2[%add3A_206] : memref<323584xi32, #tpu.memory_space<hbm>> -> memref<1024xi32, #tpu.memory_space<hbm>>
        tpu.wait_dma2 semaphore(%run_scoped3A : memref<!tpu.dma_semaphore, #tpu.memory_space<semaphore_mem>>) src(%dma_wait3A_216 : memref<1024xi32, #tpu.memory_space<hbm>>) dst(%arg4 : memref<1024xi32, #tpu.memory_space<vmem>>)
        tpu.yield
      }) : () -> ()
      %scan3A_207 = arith.constant 0 : i32
      %scan3A_208 = arith.constant 0 : i32
      %scan3A_209 = arith.constant 64 : i32
      %scan3A_210 = arith.addi %scan3A_208, %scan3A_209 : i32
      %scan3A_211 = arith.constant 1 : i32
      %scan3A_212 = scf.for %scan3A_215 = %scan3A_208 to %scan3A_210 step %scan3A_211 iter_args(%scan3A_216 = %scan3A_207) -> (i32)  : i32 {
        %mul3A_217 = arith.constant 16 : i32
        %mul3A_218 = arith.muli %scan3A_215, %mul3A_217 : i32
        %get3A = arith.index_cast %mul3A_218 : i32 to index
        %get3A_219 = tpu.vector_load %arg4[%get3A] {strides = array<i32>} : memref<1024xi32, #tpu.memory_space<vmem>>, vector<16xi32>,
        tpu.vector_store_idx %arg5[%get3A_219], %broadcast_in_dim3A_5 {add = true} : memref<10240xf32, #tpu.memory_space<vmem>>[vector<16xi32>], vector<16xf32>,
        %scan3A_220 = arith.constant 0 : i32
        scf.yield %scan3A_220 : i32
      }
      %scan3A_213 = arith.constant 64 : i32
      %scan3A_214 = arith.constant 0 : i32
      scf.yield %scan3A_214 : i32
    }
    %scan3A_18 = arith.constant 9 : i32
    %scan3A_19 = arith.constant 0 : i32
    %scan3A_20 = arith.constant 0 : i32
    %scan3A_21 = arith.constant 7 : i32
    %scan3A_22 = arith.addi %scan3A_20, %scan3A_21 : i32
    %scan3A_23 = arith.constant 1 : i32
    %scan3A_24 = scf.for %scan3A_200 = %scan3A_20 to %scan3A_22 step %scan3A_23 iter_args(%scan3A_201 = %scan3A_19) -> (i32)  : i32 {
      %add3A_202 = arith.constant 9216 : i32
      %add3A_203 = arith.addi %mul3A_2, %add3A_202 : i32
      %mul3A_204 = arith.constant 128 : i32
      %mul3A_205 = arith.muli %scan3A_200, %mul3A_204 : i32
      %add3A_206 = arith.addi %add3A_203, %mul3A_205 : i32
      "tpu.region"() ({
        %run_scoped3A = tpu.sem_alloc : memref<!tpu.dma_semaphore, #tpu.memory_space<semaphore_mem>>
        %dma_start3A = arith.constant 0 : i32
        %dma_start3A_215 = tpu.memref_slice %arg4[%dma_start3A] : memref<1024xi32, #tpu.memory_space<vmem>> -> memref<128xi32, #tpu.memory_space<vmem>>
        %dma_start3A_216 = tpu.memref_slice %arg2[%add3A_206] : memref<323584xi32, #tpu.memory_space<hbm>> -> memref<128xi32, #tpu.memory_space<hbm>>
        %dma_start3A_217 = arith.constant 0 : i32
        %dma_start3A_218 = tpu.memref_slice %arg4[%dma_start3A_217] : memref<1024xi32, #tpu.memory_space<vmem>> -> memref<128xi32, #tpu.memory_space<vmem>>
        %dma_start3A_219 = tpu.memref_slice %arg2[%add3A_206] : memref<323584xi32, #tpu.memory_space<hbm>> -> memref<128xi32, #tpu.memory_space<hbm>>
        tpu.enqueue_dma source(%dma_start3A_219 : memref<128xi32, #tpu.memory_space<hbm>>) target(%dma_start3A_218 : memref<128xi32, #tpu.memory_space<vmem>>) target_semaphore(%run_scoped3A : memref<!tpu.dma_semaphore, #tpu.memory_space<semaphore_mem>>)
        %dma_wait3A = arith.constant 0 : i32
        %dma_wait3A_220 = tpu.memref_slice %arg4[%dma_wait3A] : memref<1024xi32, #tpu.memory_space<vmem>> -> memref<128xi32, #tpu.memory_space<vmem>>
        %dma_wait3A_221 = tpu.memref_slice %arg2[%add3A_206] : memref<323584xi32, #tpu.memory_space<hbm>> -> memref<128xi32, #tpu.memory_space<hbm>>
        %dma_wait3A_222 = arith.constant 0 : i32
        %dma_wait3A_223 = tpu.memref_slice %arg4[%dma_wait3A_222] : memref<1024xi32, #tpu.memory_space<vmem>> -> memref<128xi32, #tpu.memory_space<vmem>>
        %dma_wait3A_224 = tpu.memref_slice %arg2[%add3A_206] : memref<323584xi32, #tpu.memory_space<hbm>> -> memref<128xi32, #tpu.memory_space<hbm>>
        tpu.wait_dma2 semaphore(%run_scoped3A : memref<!tpu.dma_semaphore, #tpu.memory_space<semaphore_mem>>) src(%dma_wait3A_224 : memref<128xi32, #tpu.memory_space<hbm>>) dst(%dma_wait3A_223 : memref<128xi32, #tpu.memory_space<vmem>>)
        tpu.yield
      }) : () -> ()
      %scan3A_207 = arith.constant 0 : i32
      %scan3A_208 = arith.constant 0 : i32
      %scan3A_209 = arith.constant 8 : i32
      %scan3A_210 = arith.addi %scan3A_208, %scan3A_209 : i32
      %scan3A_211 = arith.constant 1 : i32
      %scan3A_212 = scf.for %scan3A_215 = %scan3A_208 to %scan3A_210 step %scan3A_211 iter_args(%scan3A_216 = %scan3A_207) -> (i32)  : i32 {
        %mul3A_217 = arith.constant 16 : i32
        %mul3A_218 = arith.muli %scan3A_215, %mul3A_217 : i32
        %get3A = arith.index_cast %mul3A_218 : i32 to index
        %get3A_219 = tpu.vector_load %arg4[%get3A] {strides = array<i32>} : memref<1024xi32, #tpu.memory_space<vmem>>, vector<16xi32>,
        tpu.vector_store_idx %arg5[%get3A_219], %broadcast_in_dim3A_5 {add = true} : memref<10240xf32, #tpu.memory_space<vmem>>[vector<16xi32>], vector<16xf32>,
        %scan3A_220 = arith.constant 0 : i32
        scf.yield %scan3A_220 : i32
      }
      %scan3A_213 = arith.constant 8 : i32
      %scan3A_214 = arith.constant 0 : i32
      scf.yield %scan3A_214 : i32
    }
    %scan3A_25 = arith.constant 7 : i32
    %mul3A_26 = arith.constant 10240 : i32
    %mul3A_27 = arith.muli %arg1, %mul3A_26 : i32
    "tpu.region"() ({
      %run_scoped3A = tpu.sem_alloc : memref<!tpu.dma_semaphore, #tpu.memory_space<semaphore_mem>>
      %dma_start3A = tpu.memref_slice %arg8[%mul3A_27] : memref<163840xf32, #tpu.memory_space<vmem_shared>> -> memref<10240xf32, #tpu.memory_space<vmem_shared>>
      %dma_start3A_200 = tpu.memref_slice %arg8[%mul3A_27] : memref<163840xf32, #tpu.memory_space<vmem_shared>> -> memref<10240xf32, #tpu.memory_space<vmem_shared>>
      tpu.enqueue_dma source(%arg5 : memref<10240xf32, #tpu.memory_space<vmem>>) target(%dma_start3A_200 : memref<10240xf32, #tpu.memory_space<vmem_shared>>) target_semaphore(%run_scoped3A : memref<!tpu.dma_semaphore, #tpu.memory_space<semaphore_mem>>)
      %dma_wait3A = tpu.memref_slice %arg8[%mul3A_27] : memref<163840xf32, #tpu.memory_space<vmem_shared>> -> memref<10240xf32, #tpu.memory_space<vmem_shared>>
      %dma_wait3A_201 = tpu.memref_slice %arg8[%mul3A_27] : memref<163840xf32, #tpu.memory_space<vmem_shared>> -> memref<10240xf32, #tpu.memory_space<vmem_shared>>
      tpu.wait_dma2 semaphore(%run_scoped3A : memref<!tpu.dma_semaphore, #tpu.memory_space<semaphore_mem>>) src(%arg5 : memref<10240xf32, #tpu.memory_space<vmem>>) dst(%dma_wait3A_201 : memref<10240xf32, #tpu.memory_space<vmem_shared>>)
      tpu.yield
    }) : () -> ()
    %barrier3A = arith.constant 0 : index
    tpu.barrier barrier_id(%barrier3A)
    %mul3A_28 = arith.constant 640 : i32
    %mul3A_29 = arith.muli %arg1, %mul3A_28 : i32
    "tpu.region"() ({
      %run_scoped3A = tpu.sem_alloc : memref<!tpu.dma_semaphore, #tpu.memory_space<semaphore_mem>>
      %dma_start3A = tpu.memref_slice %arg8[%mul3A_29] : memref<163840xf32, #tpu.memory_space<vmem_shared>> -> memref<640xf32, #tpu.memory_space<vmem_shared>>
      %dma_start3A_200 = tpu.memref_slice %arg8[%mul3A_29] : memref<163840xf32, #tpu.memory_space<vmem_shared>> -> memref<640xf32, #tpu.memory_space<vmem_shared>>
      tpu.enqueue_dma source(%dma_start3A_200 : memref<640xf32, #tpu.memory_space<vmem_shared>>) target(%arg6 : memref<640xf32, #tpu.memory_space<vmem>>) target_semaphore(%run_scoped3A : memref<!tpu.dma_semaphore, #tpu.memory_space<semaphore_mem>>)
      %dma_wait3A = tpu.memref_slice %arg8[%mul3A_29] : memref<163840xf32, #tpu.memory_space<vmem_shared>> -> memref<640xf32, #tpu.memory_space<vmem_shared>>
      %dma_wait3A_201 = tpu.memref_slice %arg8[%mul3A_29] : memref<163840xf32, #tpu.memory_space<vmem_shared>> -> memref<640xf32, #tpu.memory_space<vmem_shared>>
      tpu.wait_dma2 semaphore(%run_scoped3A : memref<!tpu.dma_semaphore, #tpu.memory_space<semaphore_mem>>) src(%dma_wait3A_201 : memref<640xf32, #tpu.memory_space<vmem_shared>>) dst(%arg6 : memref<640xf32, #tpu.memory_space<vmem>>)
      tpu.yield
    }) : () -> ()
    %mul3A_30 = arith.constant 640 : i32
    %mul3A_31 = arith.muli %arg1, %mul3A_30 : i32
    %add3A_32 = arith.constant 10240 : i32
    %add3A_33 = arith.addi %add3A_32, %mul3A_31 : i32
    "tpu.region"() ({
      %run_scoped3A = tpu.sem_alloc : memref<!tpu.dma_semaphore, #tpu.memory_space<semaphore_mem>>
      %dma_start3A = tpu.memref_slice %arg8[%add3A_33] : memref<163840xf32, #tpu.memory_space<vmem_shared>> -> memref<640xf32, #tpu.memory_space<vmem_shared>>
      %dma_start3A_200 = tpu.memref_slice %arg8[%add3A_33] : memref<163840xf32, #tpu.memory_space<vmem_shared>> -> memref<640xf32, #tpu.memory_space<vmem_shared>>
      tpu.enqueue_dma source(%dma_start3A_200 : memref<640xf32, #tpu.memory_space<vmem_shared>>) target(%arg7 : memref<640xf32, #tpu.memory_space<vmem>>) target_semaphore(%run_scoped3A : memref<!tpu.dma_semaphore, #tpu.memory_space<semaphore_mem>>)
      %dma_wait3A = tpu.memref_slice %arg8[%add3A_33] : memref<163840xf32, #tpu.memory_space<vmem_shared>> -> memref<640xf32, #tpu.memory_space<vmem_shared>>
      %dma_wait3A_201 = tpu.memref_slice %arg8[%add3A_33] : memref<163840xf32, #tpu.memory_space<vmem_shared>> -> memref<640xf32, #tpu.memory_space<vmem_shared>>
      tpu.wait_dma2 semaphore(%run_scoped3A : memref<!tpu.dma_semaphore, #tpu.memory_space<semaphore_mem>>) src(%dma_wait3A_201 : memref<640xf32, #tpu.memory_space<vmem_shared>>) dst(%arg7 : memref<640xf32, #tpu.memory_space<vmem>>)
      tpu.yield
    }) : () -> ()
    %scan3A_34 = arith.constant 0 : i32
    %scan3A_35 = arith.constant 0 : i32
    %scan3A_36 = arith.constant 40 : i32
    %scan3A_37 = arith.addi %scan3A_35, %scan3A_36 : i32
    %scan3A_38 = arith.constant 1 : i32
    %scan3A_39 = scf.for %scan3A_200 = %scan3A_35 to %scan3A_37 step %scan3A_38 iter_args(%scan3A_201 = %scan3A_34) -> (i32)  : i32 {
      %mul3A_202 = arith.constant 16 : i32
      %mul3A_203 = arith.muli %scan3A_200, %mul3A_202 : i32
      %get3A = arith.index_cast %mul3A_203 : i32 to index
      %get3A_204 = tpu.vector_load %arg6[%get3A] {strides = array<i32>} : memref<640xf32, #tpu.memory_space<vmem>>, vector<16xf32>,
      %mul3A_205 = arith.constant 16 : i32
      %mul3A_206 = arith.muli %scan3A_200, %mul3A_205 : i32
      %get3A_207 = arith.index_cast %mul3A_206 : i32 to index
      %get3A_208 = tpu.vector_load %arg7[%get3A_207] {strides = array<i32>} : memref<640xf32, #tpu.memory_space<vmem>>, vector<16xf32>,
      %add3A_209 = arith.addf %get3A_204, %get3A_208 : vector<16xf32>
      %mul3A_210 = arith.constant 16 : i32
      %mul3A_211 = arith.muli %scan3A_200, %mul3A_210 : i32
      %swap3A = arith.index_cast %mul3A_211 : i32 to index
      %swap3A_212 = tpu.vector_load %arg6[%swap3A] {strides = array<i32>} : memref<640xf32, #tpu.memory_space<vmem>>, vector<16xf32>,
      tpu.vector_store %arg6[%swap3A], %add3A_209 {strides = array<i32>} : memref<640xf32, #tpu.memory_space<vmem>>, vector<16xf32>,
      %scan3A_213 = arith.constant 0 : i32
      scf.yield %scan3A_213 : i32
    }
    %scan3A_40 = arith.constant 40 : i32
    %mul3A_41 = arith.constant 640 : i32
    %mul3A_42 = arith.muli %arg1, %mul3A_41 : i32
    %add3A_43 = arith.constant 20480 : i32
    %add3A_44 = arith.addi %add3A_43, %mul3A_42 : i32
    "tpu.region"() ({
      %run_scoped3A = tpu.sem_alloc : memref<!tpu.dma_semaphore, #tpu.memory_space<semaphore_mem>>
      %dma_start3A = tpu.memref_slice %arg8[%add3A_44] : memref<163840xf32, #tpu.memory_space<vmem_shared>> -> memref<640xf32, #tpu.memory_space<vmem_shared>>
      %dma_start3A_200 = tpu.memref_slice %arg8[%add3A_44] : memref<163840xf32, #tpu.memory_space<vmem_shared>> -> memref<640xf32, #tpu.memory_space<vmem_shared>>
      tpu.enqueue_dma source(%dma_start3A_200 : memref<640xf32, #tpu.memory_space<vmem_shared>>) target(%arg7 : memref<640xf32, #tpu.memory_space<vmem>>) target_semaphore(%run_scoped3A : memref<!tpu.dma_semaphore, #tpu.memory_space<semaphore_mem>>)
      %dma_wait3A = tpu.memref_slice %arg8[%add3A_44] : memref<163840xf32, #tpu.memory_space<vmem_shared>> -> memref<640xf32, #tpu.memory_space<vmem_shared>>
      %dma_wait3A_201 = tpu.memref_slice %arg8[%add3A_44] : memref<163840xf32, #tpu.memory_space<vmem_shared>> -> memref<640xf32, #tpu.memory_space<vmem_shared>>
      tpu.wait_dma2 semaphore(%run_scoped3A : memref<!tpu.dma_semaphore, #tpu.memory_space<semaphore_mem>>) src(%dma_wait3A_201 : memref<640xf32, #tpu.memory_space<vmem_shared>>) dst(%arg7 : memref<640xf32, #tpu.memory_space<vmem>>)
      tpu.yield
    }) : () -> ()
    %scan3A_45 = arith.constant 0 : i32
    %scan3A_46 = arith.constant 0 : i32
    %scan3A_47 = arith.constant 40 : i32
    %scan3A_48 = arith.addi %scan3A_46, %scan3A_47 : i32
    %scan3A_49 = arith.constant 1 : i32
    %scan3A_50 = scf.for %scan3A_200 = %scan3A_46 to %scan3A_48 step %scan3A_49 iter_args(%scan3A_201 = %scan3A_45) -> (i32)  : i32 {
      %mul3A_202 = arith.constant 16 : i32
      %mul3A_203 = arith.muli %scan3A_200, %mul3A_202 : i32
      %get3A = arith.index_cast %mul3A_203 : i32 to index
      %get3A_204 = tpu.vector_load %arg6[%get3A] {strides = array<i32>} : memref<640xf32, #tpu.memory_space<vmem>>, vector<16xf32>,
      %mul3A_205 = arith.constant 16 : i32
      %mul3A_206 = arith.muli %scan3A_200, %mul3A_205 : i32
      %get3A_207 = arith.index_cast %mul3A_206 : i32 to index
      %get3A_208 = tpu.vector_load %arg7[%get3A_207] {strides = array<i32>} : memref<640xf32, #tpu.memory_space<vmem>>, vector<16xf32>,
      %add3A_209 = arith.addf %get3A_204, %get3A_208 : vector<16xf32>
      %mul3A_210 = arith.constant 16 : i32
      %mul3A_211 = arith.muli %scan3A_200, %mul3A_210 : i32
      %swap3A = arith.index_cast %mul3A_211 : i32 to index
      %swap3A_212 = tpu.vector_load %arg6[%swap3A] {strides = array<i32>} : memref<640xf32, #tpu.memory_space<vmem>>, vector<16xf32>,
      tpu.vector_store %arg6[%swap3A], %add3A_209 {strides = array<i32>} : memref<640xf32, #tpu.memory_space<vmem>>, vector<16xf32>,
      %scan3A_213 = arith.constant 0 : i32
      scf.yield %scan3A_213 : i32
    }
    %scan3A_51 = arith.constant 40 : i32
    %mul3A_52 = arith.constant 640 : i32
    %mul3A_53 = arith.muli %arg1, %mul3A_52 : i32
    %add3A_54 = arith.constant 30720 : i32
    %add3A_55 = arith.addi %add3A_54, %mul3A_53 : i32
    "tpu.region"() ({
      %run_scoped3A = tpu.sem_alloc : memref<!tpu.dma_semaphore, #tpu.memory_space<semaphore_mem>>
      %dma_start3A = tpu.memref_slice %arg8[%add3A_55] : memref<163840xf32, #tpu.memory_space<vmem_shared>> -> memref<640xf32, #tpu.memory_space<vmem_shared>>
      %dma_start3A_200 = tpu.memref_slice %arg8[%add3A_55] : memref<163840xf32, #tpu.memory_space<vmem_shared>> -> memref<640xf32, #tpu.memory_space<vmem_shared>>
      tpu.enqueue_dma source(%dma_start3A_200 : memref<640xf32, #tpu.memory_space<vmem_shared>>) target(%arg7 : memref<640xf32, #tpu.memory_space<vmem>>) target_semaphore(%run_scoped3A : memref<!tpu.dma_semaphore, #tpu.memory_space<semaphore_mem>>)
      %dma_wait3A = tpu.memref_slice %arg8[%add3A_55] : memref<163840xf32, #tpu.memory_space<vmem_shared>> -> memref<640xf32, #tpu.memory_space<vmem_shared>>
      %dma_wait3A_201 = tpu.memref_slice %arg8[%add3A_55] : memref<163840xf32, #tpu.memory_space<vmem_shared>> -> memref<640xf32, #tpu.memory_space<vmem_shared>>
      tpu.wait_dma2 semaphore(%run_scoped3A : memref<!tpu.dma_semaphore, #tpu.memory_space<semaphore_mem>>) src(%dma_wait3A_201 : memref<640xf32, #tpu.memory_space<vmem_shared>>) dst(%arg7 : memref<640xf32, #tpu.memory_space<vmem>>)
      tpu.yield
    }) : () -> ()
    %scan3A_56 = arith.constant 0 : i32
    %scan3A_57 = arith.constant 0 : i32
    %scan3A_58 = arith.constant 40 : i32
    %scan3A_59 = arith.addi %scan3A_57, %scan3A_58 : i32
    %scan3A_60 = arith.constant 1 : i32
    %scan3A_61 = scf.for %scan3A_200 = %scan3A_57 to %scan3A_59 step %scan3A_60 iter_args(%scan3A_201 = %scan3A_56) -> (i32)  : i32 {
      %mul3A_202 = arith.constant 16 : i32
      %mul3A_203 = arith.muli %scan3A_200, %mul3A_202 : i32
      %get3A = arith.index_cast %mul3A_203 : i32 to index
      %get3A_204 = tpu.vector_load %arg6[%get3A] {strides = array<i32>} : memref<640xf32, #tpu.memory_space<vmem>>, vector<16xf32>,
      %mul3A_205 = arith.constant 16 : i32
      %mul3A_206 = arith.muli %scan3A_200, %mul3A_205 : i32
      %get3A_207 = arith.index_cast %mul3A_206 : i32 to index
      %get3A_208 = tpu.vector_load %arg7[%get3A_207] {strides = array<i32>} : memref<640xf32, #tpu.memory_space<vmem>>, vector<16xf32>,
      %add3A_209 = arith.addf %get3A_204, %get3A_208 : vector<16xf32>
      %mul3A_210 = arith.constant 16 : i32
      %mul3A_211 = arith.muli %scan3A_200, %mul3A_210 : i32
      %swap3A = arith.index_cast %mul3A_211 : i32 to index
      %swap3A_212 = tpu.vector_load %arg6[%swap3A] {strides = array<i32>} : memref<640xf32, #tpu.memory_space<vmem>>, vector<16xf32>,
      tpu.vector_store %arg6[%swap3A], %add3A_209 {strides = array<i32>} : memref<640xf32, #tpu.memory_space<vmem>>, vector<16xf32>,
      %scan3A_213 = arith.constant 0 : i32
      scf.yield %scan3A_213 : i32
    }
    %scan3A_62 = arith.constant 40 : i32
    %mul3A_63 = arith.constant 640 : i32
    %mul3A_64 = arith.muli %arg1, %mul3A_63 : i32
    %add3A_65 = arith.constant 40960 : i32
    %add3A_66 = arith.addi %add3A_65, %mul3A_64 : i32
    "tpu.region"() ({
      %run_scoped3A = tpu.sem_alloc : memref<!tpu.dma_semaphore, #tpu.memory_space<semaphore_mem>>
      %dma_start3A = tpu.memref_slice %arg8[%add3A_66] : memref<163840xf32, #tpu.memory_space<vmem_shared>> -> memref<640xf32, #tpu.memory_space<vmem_shared>>
      %dma_start3A_200 = tpu.memref_slice %arg8[%add3A_66] : memref<163840xf32, #tpu.memory_space<vmem_shared>> -> memref<640xf32, #tpu.memory_space<vmem_shared>>
      tpu.enqueue_dma source(%dma_start3A_200 : memref<640xf32, #tpu.memory_space<vmem_shared>>) target(%arg7 : memref<640xf32, #tpu.memory_space<vmem>>) target_semaphore(%run_scoped3A : memref<!tpu.dma_semaphore, #tpu.memory_space<semaphore_mem>>)
      %dma_wait3A = tpu.memref_slice %arg8[%add3A_66] : memref<163840xf32, #tpu.memory_space<vmem_shared>> -> memref<640xf32, #tpu.memory_space<vmem_shared>>
      %dma_wait3A_201 = tpu.memref_slice %arg8[%add3A_66] : memref<163840xf32, #tpu.memory_space<vmem_shared>> -> memref<640xf32, #tpu.memory_space<vmem_shared>>
      tpu.wait_dma2 semaphore(%run_scoped3A : memref<!tpu.dma_semaphore, #tpu.memory_space<semaphore_mem>>) src(%dma_wait3A_201 : memref<640xf32, #tpu.memory_space<vmem_shared>>) dst(%arg7 : memref<640xf32, #tpu.memory_space<vmem>>)
      tpu.yield
    }) : () -> ()
    %scan3A_67 = arith.constant 0 : i32
    %scan3A_68 = arith.constant 0 : i32
    %scan3A_69 = arith.constant 40 : i32
    %scan3A_70 = arith.addi %scan3A_68, %scan3A_69 : i32
    %scan3A_71 = arith.constant 1 : i32
    %scan3A_72 = scf.for %scan3A_200 = %scan3A_68 to %scan3A_70 step %scan3A_71 iter_args(%scan3A_201 = %scan3A_67) -> (i32)  : i32 {
      %mul3A_202 = arith.constant 16 : i32
      %mul3A_203 = arith.muli %scan3A_200, %mul3A_202 : i32
      %get3A = arith.index_cast %mul3A_203 : i32 to index
      %get3A_204 = tpu.vector_load %arg6[%get3A] {strides = array<i32>} : memref<640xf32, #tpu.memory_space<vmem>>, vector<16xf32>,
      %mul3A_205 = arith.constant 16 : i32
      %mul3A_206 = arith.muli %scan3A_200, %mul3A_205 : i32
      %get3A_207 = arith.index_cast %mul3A_206 : i32 to index
      %get3A_208 = tpu.vector_load %arg7[%get3A_207] {strides = array<i32>} : memref<640xf32, #tpu.memory_space<vmem>>, vector<16xf32>,
      %add3A_209 = arith.addf %get3A_204, %get3A_208 : vector<16xf32>
      %mul3A_210 = arith.constant 16 : i32
      %mul3A_211 = arith.muli %scan3A_200, %mul3A_210 : i32
      %swap3A = arith.index_cast %mul3A_211 : i32 to index
      %swap3A_212 = tpu.vector_load %arg6[%swap3A] {strides = array<i32>} : memref<640xf32, #tpu.memory_space<vmem>>, vector<16xf32>,
      tpu.vector_store %arg6[%swap3A], %add3A_209 {strides = array<i32>} : memref<640xf32, #tpu.memory_space<vmem>>, vector<16xf32>,
      %scan3A_213 = arith.constant 0 : i32
      scf.yield %scan3A_213 : i32
    }
    %scan3A_73 = arith.constant 40 : i32
    %mul3A_74 = arith.constant 640 : i32
    %mul3A_75 = arith.muli %arg1, %mul3A_74 : i32
    %add3A_76 = arith.constant 51200 : i32
    %add3A_77 = arith.addi %add3A_76, %mul3A_75 : i32
    "tpu.region"() ({
      %run_scoped3A = tpu.sem_alloc : memref<!tpu.dma_semaphore, #tpu.memory_space<semaphore_mem>>
      %dma_start3A = tpu.memref_slice %arg8[%add3A_77] : memref<163840xf32, #tpu.memory_space<vmem_shared>> -> memref<640xf32, #tpu.memory_space<vmem_shared>>
      %dma_start3A_200 = tpu.memref_slice %arg8[%add3A_77] : memref<163840xf32, #tpu.memory_space<vmem_shared>> -> memref<640xf32, #tpu.memory_space<vmem_shared>>
      tpu.enqueue_dma source(%dma_start3A_200 : memref<640xf32, #tpu.memory_space<vmem_shared>>) target(%arg7 : memref<640xf32, #tpu.memory_space<vmem>>) target_semaphore(%run_scoped3A : memref<!tpu.dma_semaphore, #tpu.memory_space<semaphore_mem>>)
      %dma_wait3A = tpu.memref_slice %arg8[%add3A_77] : memref<163840xf32, #tpu.memory_space<vmem_shared>> -> memref<640xf32, #tpu.memory_space<vmem_shared>>
      %dma_wait3A_201 = tpu.memref_slice %arg8[%add3A_77] : memref<163840xf32, #tpu.memory_space<vmem_shared>> -> memref<640xf32, #tpu.memory_space<vmem_shared>>
      tpu.wait_dma2 semaphore(%run_scoped3A : memref<!tpu.dma_semaphore, #tpu.memory_space<semaphore_mem>>) src(%dma_wait3A_201 : memref<640xf32, #tpu.memory_space<vmem_shared>>) dst(%arg7 : memref<640xf32, #tpu.memory_space<vmem>>)
      tpu.yield
    }) : () -> ()
    %scan3A_78 = arith.constant 0 : i32
    %scan3A_79 = arith.constant 0 : i32
    %scan3A_80 = arith.constant 40 : i32
    %scan3A_81 = arith.addi %scan3A_79, %scan3A_80 : i32
    %scan3A_82 = arith.constant 1 : i32
    %scan3A_83 = scf.for %scan3A_200 = %scan3A_79 to %scan3A_81 step %scan3A_82 iter_args(%scan3A_201 = %scan3A_78) -> (i32)  : i32 {
      %mul3A_202 = arith.constant 16 : i32
      %mul3A_203 = arith.muli %scan3A_200, %mul3A_202 : i32
      %get3A = arith.index_cast %mul3A_203 : i32 to index
      %get3A_204 = tpu.vector_load %arg6[%get3A] {strides = array<i32>} : memref<640xf32, #tpu.memory_space<vmem>>, vector<16xf32>,
      %mul3A_205 = arith.constant 16 : i32
      %mul3A_206 = arith.muli %scan3A_200, %mul3A_205 : i32
      %get3A_207 = arith.index_cast %mul3A_206 : i32 to index
      %get3A_208 = tpu.vector_load %arg7[%get3A_207] {strides = array<i32>} : memref<640xf32, #tpu.memory_space<vmem>>, vector<16xf32>,
      %add3A_209 = arith.addf %get3A_204, %get3A_208 : vector<16xf32>
      %mul3A_210 = arith.constant 16 : i32
      %mul3A_211 = arith.muli %scan3A_200, %mul3A_210 : i32
      %swap3A = arith.index_cast %mul3A_211 : i32 to index
      %swap3A_212 = tpu.vector_load %arg6[%swap3A] {strides = array<i32>} : memref<640xf32, #tpu.memory_space<vmem>>, vector<16xf32>,
      tpu.vector_store %arg6[%swap3A], %add3A_209 {strides = array<i32>} : memref<640xf32, #tpu.memory_space<vmem>>, vector<16xf32>,
      %scan3A_213 = arith.constant 0 : i32
      scf.yield %scan3A_213 : i32
    }
    %scan3A_84 = arith.constant 40 : i32
    %mul3A_85 = arith.constant 640 : i32
    %mul3A_86 = arith.muli %arg1, %mul3A_85 : i32
    %add3A_87 = arith.constant 61440 : i32
    %add3A_88 = arith.addi %add3A_87, %mul3A_86 : i32
    "tpu.region"() ({
      %run_scoped3A = tpu.sem_alloc : memref<!tpu.dma_semaphore, #tpu.memory_space<semaphore_mem>>
      %dma_start3A = tpu.memref_slice %arg8[%add3A_88] : memref<163840xf32, #tpu.memory_space<vmem_shared>> -> memref<640xf32, #tpu.memory_space<vmem_shared>>
      %dma_start3A_200 = tpu.memref_slice %arg8[%add3A_88] : memref<163840xf32, #tpu.memory_space<vmem_shared>> -> memref<640xf32, #tpu.memory_space<vmem_shared>>
      tpu.enqueue_dma source(%dma_start3A_200 : memref<640xf32, #tpu.memory_space<vmem_shared>>) target(%arg7 : memref<640xf32, #tpu.memory_space<vmem>>) target_semaphore(%run_scoped3A : memref<!tpu.dma_semaphore, #tpu.memory_space<semaphore_mem>>)
      %dma_wait3A = tpu.memref_slice %arg8[%add3A_88] : memref<163840xf32, #tpu.memory_space<vmem_shared>> -> memref<640xf32, #tpu.memory_space<vmem_shared>>
      %dma_wait3A_201 = tpu.memref_slice %arg8[%add3A_88] : memref<163840xf32, #tpu.memory_space<vmem_shared>> -> memref<640xf32, #tpu.memory_space<vmem_shared>>
      tpu.wait_dma2 semaphore(%run_scoped3A : memref<!tpu.dma_semaphore, #tpu.memory_space<semaphore_mem>>) src(%dma_wait3A_201 : memref<640xf32, #tpu.memory_space<vmem_shared>>) dst(%arg7 : memref<640xf32, #tpu.memory_space<vmem>>)
      tpu.yield
    }) : () -> ()
    %scan3A_89 = arith.constant 0 : i32
    %scan3A_90 = arith.constant 0 : i32
    %scan3A_91 = arith.constant 40 : i32
    %scan3A_92 = arith.addi %scan3A_90, %scan3A_91 : i32
    %scan3A_93 = arith.constant 1 : i32
    %scan3A_94 = scf.for %scan3A_200 = %scan3A_90 to %scan3A_92 step %scan3A_93 iter_args(%scan3A_201 = %scan3A_89) -> (i32)  : i32 {
      %mul3A_202 = arith.constant 16 : i32
      %mul3A_203 = arith.muli %scan3A_200, %mul3A_202 : i32
      %get3A = arith.index_cast %mul3A_203 : i32 to index
      %get3A_204 = tpu.vector_load %arg6[%get3A] {strides = array<i32>} : memref<640xf32, #tpu.memory_space<vmem>>, vector<16xf32>,
      %mul3A_205 = arith.constant 16 : i32
      %mul3A_206 = arith.muli %scan3A_200, %mul3A_205 : i32
      %get3A_207 = arith.index_cast %mul3A_206 : i32 to index
      %get3A_208 = tpu.vector_load %arg7[%get3A_207] {strides = array<i32>} : memref<640xf32, #tpu.memory_space<vmem>>, vector<16xf32>,
      %add3A_209 = arith.addf %get3A_204, %get3A_208 : vector<16xf32>
      %mul3A_210 = arith.constant 16 : i32
      %mul3A_211 = arith.muli %scan3A_200, %mul3A_210 : i32
      %swap3A = arith.index_cast %mul3A_211 : i32 to index
      %swap3A_212 = tpu.vector_load %arg6[%swap3A] {strides = array<i32>} : memref<640xf32, #tpu.memory_space<vmem>>, vector<16xf32>,
      tpu.vector_store %arg6[%swap3A], %add3A_209 {strides = array<i32>} : memref<640xf32, #tpu.memory_space<vmem>>, vector<16xf32>,
      %scan3A_213 = arith.constant 0 : i32
      scf.yield %scan3A_213 : i32
    }
    %scan3A_95 = arith.constant 40 : i32
    %mul3A_96 = arith.constant 640 : i32
    %mul3A_97 = arith.muli %arg1, %mul3A_96 : i32
    %add3A_98 = arith.constant 71680 : i32
    %add3A_99 = arith.addi %add3A_98, %mul3A_97 : i32
    "tpu.region"() ({
      %run_scoped3A = tpu.sem_alloc : memref<!tpu.dma_semaphore, #tpu.memory_space<semaphore_mem>>
      %dma_start3A = tpu.memref_slice %arg8[%add3A_99] : memref<163840xf32, #tpu.memory_space<vmem_shared>> -> memref<640xf32, #tpu.memory_space<vmem_shared>>
      %dma_start3A_200 = tpu.memref_slice %arg8[%add3A_99] : memref<163840xf32, #tpu.memory_space<vmem_shared>> -> memref<640xf32, #tpu.memory_space<vmem_shared>>
      tpu.enqueue_dma source(%dma_start3A_200 : memref<640xf32, #tpu.memory_space<vmem_shared>>) target(%arg7 : memref<640xf32, #tpu.memory_space<vmem>>) target_semaphore(%run_scoped3A : memref<!tpu.dma_semaphore, #tpu.memory_space<semaphore_mem>>)
      %dma_wait3A = tpu.memref_slice %arg8[%add3A_99] : memref<163840xf32, #tpu.memory_space<vmem_shared>> -> memref<640xf32, #tpu.memory_space<vmem_shared>>
      %dma_wait3A_201 = tpu.memref_slice %arg8[%add3A_99] : memref<163840xf32, #tpu.memory_space<vmem_shared>> -> memref<640xf32, #tpu.memory_space<vmem_shared>>
      tpu.wait_dma2 semaphore(%run_scoped3A : memref<!tpu.dma_semaphore, #tpu.memory_space<semaphore_mem>>) src(%dma_wait3A_201 : memref<640xf32, #tpu.memory_space<vmem_shared>>) dst(%arg7 : memref<640xf32, #tpu.memory_space<vmem>>)
      tpu.yield
    }) : () -> ()
    %scan3A_100 = arith.constant 0 : i32
    %scan3A_101 = arith.constant 0 : i32
    %scan3A_102 = arith.constant 40 : i32
    %scan3A_103 = arith.addi %scan3A_101, %scan3A_102 : i32
    %scan3A_104 = arith.constant 1 : i32
    %scan3A_105 = scf.for %scan3A_200 = %scan3A_101 to %scan3A_103 step %scan3A_104 iter_args(%scan3A_201 = %scan3A_100) -> (i32)  : i32 {
      %mul3A_202 = arith.constant 16 : i32
      %mul3A_203 = arith.muli %scan3A_200, %mul3A_202 : i32
      %get3A = arith.index_cast %mul3A_203 : i32 to index
      %get3A_204 = tpu.vector_load %arg6[%get3A] {strides = array<i32>} : memref<640xf32, #tpu.memory_space<vmem>>, vector<16xf32>,
      %mul3A_205 = arith.constant 16 : i32
      %mul3A_206 = arith.muli %scan3A_200, %mul3A_205 : i32
      %get3A_207 = arith.index_cast %mul3A_206 : i32 to index
      %get3A_208 = tpu.vector_load %arg7[%get3A_207] {strides = array<i32>} : memref<640xf32, #tpu.memory_space<vmem>>, vector<16xf32>,
      %add3A_209 = arith.addf %get3A_204, %get3A_208 : vector<16xf32>
      %mul3A_210 = arith.constant 16 : i32
      %mul3A_211 = arith.muli %scan3A_200, %mul3A_210 : i32
      %swap3A = arith.index_cast %mul3A_211 : i32 to index
      %swap3A_212 = tpu.vector_load %arg6[%swap3A] {strides = array<i32>} : memref<640xf32, #tpu.memory_space<vmem>>, vector<16xf32>,
      tpu.vector_store %arg6[%swap3A], %add3A_209 {strides = array<i32>} : memref<640xf32, #tpu.memory_space<vmem>>, vector<16xf32>,
      %scan3A_213 = arith.constant 0 : i32
      scf.yield %scan3A_213 : i32
    }
    %scan3A_106 = arith.constant 40 : i32
    %mul3A_107 = arith.constant 640 : i32
    %mul3A_108 = arith.muli %arg1, %mul3A_107 : i32
    %add3A_109 = arith.constant 81920 : i32
    %add3A_110 = arith.addi %add3A_109, %mul3A_108 : i32
    "tpu.region"() ({
      %run_scoped3A = tpu.sem_alloc : memref<!tpu.dma_semaphore, #tpu.memory_space<semaphore_mem>>
      %dma_start3A = tpu.memref_slice %arg8[%add3A_110] : memref<163840xf32, #tpu.memory_space<vmem_shared>> -> memref<640xf32, #tpu.memory_space<vmem_shared>>
      %dma_start3A_200 = tpu.memref_slice %arg8[%add3A_110] : memref<163840xf32, #tpu.memory_space<vmem_shared>> -> memref<640xf32, #tpu.memory_space<vmem_shared>>
      tpu.enqueue_dma source(%dma_start3A_200 : memref<640xf32, #tpu.memory_space<vmem_shared>>) target(%arg7 : memref<640xf32, #tpu.memory_space<vmem>>) target_semaphore(%run_scoped3A : memref<!tpu.dma_semaphore, #tpu.memory_space<semaphore_mem>>)
      %dma_wait3A = tpu.memref_slice %arg8[%add3A_110] : memref<163840xf32, #tpu.memory_space<vmem_shared>> -> memref<640xf32, #tpu.memory_space<vmem_shared>>
      %dma_wait3A_201 = tpu.memref_slice %arg8[%add3A_110] : memref<163840xf32, #tpu.memory_space<vmem_shared>> -> memref<640xf32, #tpu.memory_space<vmem_shared>>
      tpu.wait_dma2 semaphore(%run_scoped3A : memref<!tpu.dma_semaphore, #tpu.memory_space<semaphore_mem>>) src(%dma_wait3A_201 : memref<640xf32, #tpu.memory_space<vmem_shared>>) dst(%arg7 : memref<640xf32, #tpu.memory_space<vmem>>)
      tpu.yield
    }) : () -> ()
    %scan3A_111 = arith.constant 0 : i32
    %scan3A_112 = arith.constant 0 : i32
    %scan3A_113 = arith.constant 40 : i32
    %scan3A_114 = arith.addi %scan3A_112, %scan3A_113 : i32
    %scan3A_115 = arith.constant 1 : i32
    %scan3A_116 = scf.for %scan3A_200 = %scan3A_112 to %scan3A_114 step %scan3A_115 iter_args(%scan3A_201 = %scan3A_111) -> (i32)  : i32 {
      %mul3A_202 = arith.constant 16 : i32
      %mul3A_203 = arith.muli %scan3A_200, %mul3A_202 : i32
      %get3A = arith.index_cast %mul3A_203 : i32 to index
      %get3A_204 = tpu.vector_load %arg6[%get3A] {strides = array<i32>} : memref<640xf32, #tpu.memory_space<vmem>>, vector<16xf32>,
      %mul3A_205 = arith.constant 16 : i32
      %mul3A_206 = arith.muli %scan3A_200, %mul3A_205 : i32
      %get3A_207 = arith.index_cast %mul3A_206 : i32 to index
      %get3A_208 = tpu.vector_load %arg7[%get3A_207] {strides = array<i32>} : memref<640xf32, #tpu.memory_space<vmem>>, vector<16xf32>,
      %add3A_209 = arith.addf %get3A_204, %get3A_208 : vector<16xf32>
      %mul3A_210 = arith.constant 16 : i32
      %mul3A_211 = arith.muli %scan3A_200, %mul3A_210 : i32
      %swap3A = arith.index_cast %mul3A_211 : i32 to index
      %swap3A_212 = tpu.vector_load %arg6[%swap3A] {strides = array<i32>} : memref<640xf32, #tpu.memory_space<vmem>>, vector<16xf32>,
      tpu.vector_store %arg6[%swap3A], %add3A_209 {strides = array<i32>} : memref<640xf32, #tpu.memory_space<vmem>>, vector<16xf32>,
      %scan3A_213 = arith.constant 0 : i32
      scf.yield %scan3A_213 : i32
    }
    %scan3A_117 = arith.constant 40 : i32
    %mul3A_118 = arith.constant 640 : i32
    %mul3A_119 = arith.muli %arg1, %mul3A_118 : i32
    %add3A_120 = arith.constant 92160 : i32
    %add3A_121 = arith.addi %add3A_120, %mul3A_119 : i32
    "tpu.region"() ({
      %run_scoped3A = tpu.sem_alloc : memref<!tpu.dma_semaphore, #tpu.memory_space<semaphore_mem>>
      %dma_start3A = tpu.memref_slice %arg8[%add3A_121] : memref<163840xf32, #tpu.memory_space<vmem_shared>> -> memref<640xf32, #tpu.memory_space<vmem_shared>>
      %dma_start3A_200 = tpu.memref_slice %arg8[%add3A_121] : memref<163840xf32, #tpu.memory_space<vmem_shared>> -> memref<640xf32, #tpu.memory_space<vmem_shared>>
      tpu.enqueue_dma source(%dma_start3A_200 : memref<640xf32, #tpu.memory_space<vmem_shared>>) target(%arg7 : memref<640xf32, #tpu.memory_space<vmem>>) target_semaphore(%run_scoped3A : memref<!tpu.dma_semaphore, #tpu.memory_space<semaphore_mem>>)
      %dma_wait3A = tpu.memref_slice %arg8[%add3A_121] : memref<163840xf32, #tpu.memory_space<vmem_shared>> -> memref<640xf32, #tpu.memory_space<vmem_shared>>
      %dma_wait3A_201 = tpu.memref_slice %arg8[%add3A_121] : memref<163840xf32, #tpu.memory_space<vmem_shared>> -> memref<640xf32, #tpu.memory_space<vmem_shared>>
      tpu.wait_dma2 semaphore(%run_scoped3A : memref<!tpu.dma_semaphore, #tpu.memory_space<semaphore_mem>>) src(%dma_wait3A_201 : memref<640xf32, #tpu.memory_space<vmem_shared>>) dst(%arg7 : memref<640xf32, #tpu.memory_space<vmem>>)
      tpu.yield
    }) : () -> ()
    %scan3A_122 = arith.constant 0 : i32
    %scan3A_123 = arith.constant 0 : i32
    %scan3A_124 = arith.constant 40 : i32
    %scan3A_125 = arith.addi %scan3A_123, %scan3A_124 : i32
    %scan3A_126 = arith.constant 1 : i32
    %scan3A_127 = scf.for %scan3A_200 = %scan3A_123 to %scan3A_125 step %scan3A_126 iter_args(%scan3A_201 = %scan3A_122) -> (i32)  : i32 {
      %mul3A_202 = arith.constant 16 : i32
      %mul3A_203 = arith.muli %scan3A_200, %mul3A_202 : i32
      %get3A = arith.index_cast %mul3A_203 : i32 to index
      %get3A_204 = tpu.vector_load %arg6[%get3A] {strides = array<i32>} : memref<640xf32, #tpu.memory_space<vmem>>, vector<16xf32>,
      %mul3A_205 = arith.constant 16 : i32
      %mul3A_206 = arith.muli %scan3A_200, %mul3A_205 : i32
      %get3A_207 = arith.index_cast %mul3A_206 : i32 to index
      %get3A_208 = tpu.vector_load %arg7[%get3A_207] {strides = array<i32>} : memref<640xf32, #tpu.memory_space<vmem>>, vector<16xf32>,
      %add3A_209 = arith.addf %get3A_204, %get3A_208 : vector<16xf32>
      %mul3A_210 = arith.constant 16 : i32
      %mul3A_211 = arith.muli %scan3A_200, %mul3A_210 : i32
      %swap3A = arith.index_cast %mul3A_211 : i32 to index
      %swap3A_212 = tpu.vector_load %arg6[%swap3A] {strides = array<i32>} : memref<640xf32, #tpu.memory_space<vmem>>, vector<16xf32>,
      tpu.vector_store %arg6[%swap3A], %add3A_209 {strides = array<i32>} : memref<640xf32, #tpu.memory_space<vmem>>, vector<16xf32>,
      %scan3A_213 = arith.constant 0 : i32
      scf.yield %scan3A_213 : i32
    }
    %scan3A_128 = arith.constant 40 : i32
    %mul3A_129 = arith.constant 640 : i32
    %mul3A_130 = arith.muli %arg1, %mul3A_129 : i32
    %add3A_131 = arith.constant 102400 : i32
    %add3A_132 = arith.addi %add3A_131, %mul3A_130 : i32
    "tpu.region"() ({
      %run_scoped3A = tpu.sem_alloc : memref<!tpu.dma_semaphore, #tpu.memory_space<semaphore_mem>>
      %dma_start3A = tpu.memref_slice %arg8[%add3A_132] : memref<163840xf32, #tpu.memory_space<vmem_shared>> -> memref<640xf32, #tpu.memory_space<vmem_shared>>
      %dma_start3A_200 = tpu.memref_slice %arg8[%add3A_132] : memref<163840xf32, #tpu.memory_space<vmem_shared>> -> memref<640xf32, #tpu.memory_space<vmem_shared>>
      tpu.enqueue_dma source(%dma_start3A_200 : memref<640xf32, #tpu.memory_space<vmem_shared>>) target(%arg7 : memref<640xf32, #tpu.memory_space<vmem>>) target_semaphore(%run_scoped3A : memref<!tpu.dma_semaphore, #tpu.memory_space<semaphore_mem>>)
      %dma_wait3A = tpu.memref_slice %arg8[%add3A_132] : memref<163840xf32, #tpu.memory_space<vmem_shared>> -> memref<640xf32, #tpu.memory_space<vmem_shared>>
      %dma_wait3A_201 = tpu.memref_slice %arg8[%add3A_132] : memref<163840xf32, #tpu.memory_space<vmem_shared>> -> memref<640xf32, #tpu.memory_space<vmem_shared>>
      tpu.wait_dma2 semaphore(%run_scoped3A : memref<!tpu.dma_semaphore, #tpu.memory_space<semaphore_mem>>) src(%dma_wait3A_201 : memref<640xf32, #tpu.memory_space<vmem_shared>>) dst(%arg7 : memref<640xf32, #tpu.memory_space<vmem>>)
      tpu.yield
    }) : () -> ()
    %scan3A_133 = arith.constant 0 : i32
    %scan3A_134 = arith.constant 0 : i32
    %scan3A_135 = arith.constant 40 : i32
    %scan3A_136 = arith.addi %scan3A_134, %scan3A_135 : i32
    %scan3A_137 = arith.constant 1 : i32
    %scan3A_138 = scf.for %scan3A_200 = %scan3A_134 to %scan3A_136 step %scan3A_137 iter_args(%scan3A_201 = %scan3A_133) -> (i32)  : i32 {
      %mul3A_202 = arith.constant 16 : i32
      %mul3A_203 = arith.muli %scan3A_200, %mul3A_202 : i32
      %get3A = arith.index_cast %mul3A_203 : i32 to index
      %get3A_204 = tpu.vector_load %arg6[%get3A] {strides = array<i32>} : memref<640xf32, #tpu.memory_space<vmem>>, vector<16xf32>,
      %mul3A_205 = arith.constant 16 : i32
      %mul3A_206 = arith.muli %scan3A_200, %mul3A_205 : i32
      %get3A_207 = arith.index_cast %mul3A_206 : i32 to index
      %get3A_208 = tpu.vector_load %arg7[%get3A_207] {strides = array<i32>} : memref<640xf32, #tpu.memory_space<vmem>>, vector<16xf32>,
      %add3A_209 = arith.addf %get3A_204, %get3A_208 : vector<16xf32>
      %mul3A_210 = arith.constant 16 : i32
      %mul3A_211 = arith.muli %scan3A_200, %mul3A_210 : i32
      %swap3A = arith.index_cast %mul3A_211 : i32 to index
      %swap3A_212 = tpu.vector_load %arg6[%swap3A] {strides = array<i32>} : memref<640xf32, #tpu.memory_space<vmem>>, vector<16xf32>,
      tpu.vector_store %arg6[%swap3A], %add3A_209 {strides = array<i32>} : memref<640xf32, #tpu.memory_space<vmem>>, vector<16xf32>,
      %scan3A_213 = arith.constant 0 : i32
      scf.yield %scan3A_213 : i32
    }
    %scan3A_139 = arith.constant 40 : i32
    %mul3A_140 = arith.constant 640 : i32
    %mul3A_141 = arith.muli %arg1, %mul3A_140 : i32
    %add3A_142 = arith.constant 112640 : i32
    %add3A_143 = arith.addi %add3A_142, %mul3A_141 : i32
    "tpu.region"() ({
      %run_scoped3A = tpu.sem_alloc : memref<!tpu.dma_semaphore, #tpu.memory_space<semaphore_mem>>
      %dma_start3A = tpu.memref_slice %arg8[%add3A_143] : memref<163840xf32, #tpu.memory_space<vmem_shared>> -> memref<640xf32, #tpu.memory_space<vmem_shared>>
      %dma_start3A_200 = tpu.memref_slice %arg8[%add3A_143] : memref<163840xf32, #tpu.memory_space<vmem_shared>> -> memref<640xf32, #tpu.memory_space<vmem_shared>>
      tpu.enqueue_dma source(%dma_start3A_200 : memref<640xf32, #tpu.memory_space<vmem_shared>>) target(%arg7 : memref<640xf32, #tpu.memory_space<vmem>>) target_semaphore(%run_scoped3A : memref<!tpu.dma_semaphore, #tpu.memory_space<semaphore_mem>>)
      %dma_wait3A = tpu.memref_slice %arg8[%add3A_143] : memref<163840xf32, #tpu.memory_space<vmem_shared>> -> memref<640xf32, #tpu.memory_space<vmem_shared>>
      %dma_wait3A_201 = tpu.memref_slice %arg8[%add3A_143] : memref<163840xf32, #tpu.memory_space<vmem_shared>> -> memref<640xf32, #tpu.memory_space<vmem_shared>>
      tpu.wait_dma2 semaphore(%run_scoped3A : memref<!tpu.dma_semaphore, #tpu.memory_space<semaphore_mem>>) src(%dma_wait3A_201 : memref<640xf32, #tpu.memory_space<vmem_shared>>) dst(%arg7 : memref<640xf32, #tpu.memory_space<vmem>>)
      tpu.yield
    }) : () -> ()
    %scan3A_144 = arith.constant 0 : i32
    %scan3A_145 = arith.constant 0 : i32
    %scan3A_146 = arith.constant 40 : i32
    %scan3A_147 = arith.addi %scan3A_145, %scan3A_146 : i32
    %scan3A_148 = arith.constant 1 : i32
    %scan3A_149 = scf.for %scan3A_200 = %scan3A_145 to %scan3A_147 step %scan3A_148 iter_args(%scan3A_201 = %scan3A_144) -> (i32)  : i32 {
      %mul3A_202 = arith.constant 16 : i32
      %mul3A_203 = arith.muli %scan3A_200, %mul3A_202 : i32
      %get3A = arith.index_cast %mul3A_203 : i32 to index
      %get3A_204 = tpu.vector_load %arg6[%get3A] {strides = array<i32>} : memref<640xf32, #tpu.memory_space<vmem>>, vector<16xf32>,
      %mul3A_205 = arith.constant 16 : i32
      %mul3A_206 = arith.muli %scan3A_200, %mul3A_205 : i32
      %get3A_207 = arith.index_cast %mul3A_206 : i32 to index
      %get3A_208 = tpu.vector_load %arg7[%get3A_207] {strides = array<i32>} : memref<640xf32, #tpu.memory_space<vmem>>, vector<16xf32>,
      %add3A_209 = arith.addf %get3A_204, %get3A_208 : vector<16xf32>
      %mul3A_210 = arith.constant 16 : i32
      %mul3A_211 = arith.muli %scan3A_200, %mul3A_210 : i32
      %swap3A = arith.index_cast %mul3A_211 : i32 to index
      %swap3A_212 = tpu.vector_load %arg6[%swap3A] {strides = array<i32>} : memref<640xf32, #tpu.memory_space<vmem>>, vector<16xf32>,
      tpu.vector_store %arg6[%swap3A], %add3A_209 {strides = array<i32>} : memref<640xf32, #tpu.memory_space<vmem>>, vector<16xf32>,
      %scan3A_213 = arith.constant 0 : i32
      scf.yield %scan3A_213 : i32
    }
    %scan3A_150 = arith.constant 40 : i32
    %mul3A_151 = arith.constant 640 : i32
    %mul3A_152 = arith.muli %arg1, %mul3A_151 : i32
    %add3A_153 = arith.constant 122880 : i32
    %add3A_154 = arith.addi %add3A_153, %mul3A_152 : i32
    "tpu.region"() ({
      %run_scoped3A = tpu.sem_alloc : memref<!tpu.dma_semaphore, #tpu.memory_space<semaphore_mem>>
      %dma_start3A = tpu.memref_slice %arg8[%add3A_154] : memref<163840xf32, #tpu.memory_space<vmem_shared>> -> memref<640xf32, #tpu.memory_space<vmem_shared>>
      %dma_start3A_200 = tpu.memref_slice %arg8[%add3A_154] : memref<163840xf32, #tpu.memory_space<vmem_shared>> -> memref<640xf32, #tpu.memory_space<vmem_shared>>
      tpu.enqueue_dma source(%dma_start3A_200 : memref<640xf32, #tpu.memory_space<vmem_shared>>) target(%arg7 : memref<640xf32, #tpu.memory_space<vmem>>) target_semaphore(%run_scoped3A : memref<!tpu.dma_semaphore, #tpu.memory_space<semaphore_mem>>)
      %dma_wait3A = tpu.memref_slice %arg8[%add3A_154] : memref<163840xf32, #tpu.memory_space<vmem_shared>> -> memref<640xf32, #tpu.memory_space<vmem_shared>>
      %dma_wait3A_201 = tpu.memref_slice %arg8[%add3A_154] : memref<163840xf32, #tpu.memory_space<vmem_shared>> -> memref<640xf32, #tpu.memory_space<vmem_shared>>
      tpu.wait_dma2 semaphore(%run_scoped3A : memref<!tpu.dma_semaphore, #tpu.memory_space<semaphore_mem>>) src(%dma_wait3A_201 : memref<640xf32, #tpu.memory_space<vmem_shared>>) dst(%arg7 : memref<640xf32, #tpu.memory_space<vmem>>)
      tpu.yield
    }) : () -> ()
    %scan3A_155 = arith.constant 0 : i32
    %scan3A_156 = arith.constant 0 : i32
    %scan3A_157 = arith.constant 40 : i32
    %scan3A_158 = arith.addi %scan3A_156, %scan3A_157 : i32
    %scan3A_159 = arith.constant 1 : i32
    %scan3A_160 = scf.for %scan3A_200 = %scan3A_156 to %scan3A_158 step %scan3A_159 iter_args(%scan3A_201 = %scan3A_155) -> (i32)  : i32 {
      %mul3A_202 = arith.constant 16 : i32
      %mul3A_203 = arith.muli %scan3A_200, %mul3A_202 : i32
      %get3A = arith.index_cast %mul3A_203 : i32 to index
      %get3A_204 = tpu.vector_load %arg6[%get3A] {strides = array<i32>} : memref<640xf32, #tpu.memory_space<vmem>>, vector<16xf32>,
      %mul3A_205 = arith.constant 16 : i32
      %mul3A_206 = arith.muli %scan3A_200, %mul3A_205 : i32
      %get3A_207 = arith.index_cast %mul3A_206 : i32 to index
      %get3A_208 = tpu.vector_load %arg7[%get3A_207] {strides = array<i32>} : memref<640xf32, #tpu.memory_space<vmem>>, vector<16xf32>,
      %add3A_209 = arith.addf %get3A_204, %get3A_208 : vector<16xf32>
      %mul3A_210 = arith.constant 16 : i32
      %mul3A_211 = arith.muli %scan3A_200, %mul3A_210 : i32
      %swap3A = arith.index_cast %mul3A_211 : i32 to index
      %swap3A_212 = tpu.vector_load %arg6[%swap3A] {strides = array<i32>} : memref<640xf32, #tpu.memory_space<vmem>>, vector<16xf32>,
      tpu.vector_store %arg6[%swap3A], %add3A_209 {strides = array<i32>} : memref<640xf32, #tpu.memory_space<vmem>>, vector<16xf32>,
      %scan3A_213 = arith.constant 0 : i32
      scf.yield %scan3A_213 : i32
    }
    %scan3A_161 = arith.constant 40 : i32
    %mul3A_162 = arith.constant 640 : i32
    %mul3A_163 = arith.muli %arg1, %mul3A_162 : i32
    %add3A_164 = arith.constant 133120 : i32
    %add3A_165 = arith.addi %add3A_164, %mul3A_163 : i32
    "tpu.region"() ({
      %run_scoped3A = tpu.sem_alloc : memref<!tpu.dma_semaphore, #tpu.memory_space<semaphore_mem>>
      %dma_start3A = tpu.memref_slice %arg8[%add3A_165] : memref<163840xf32, #tpu.memory_space<vmem_shared>> -> memref<640xf32, #tpu.memory_space<vmem_shared>>
      %dma_start3A_200 = tpu.memref_slice %arg8[%add3A_165] : memref<163840xf32, #tpu.memory_space<vmem_shared>> -> memref<640xf32, #tpu.memory_space<vmem_shared>>
      tpu.enqueue_dma source(%dma_start3A_200 : memref<640xf32, #tpu.memory_space<vmem_shared>>) target(%arg7 : memref<640xf32, #tpu.memory_space<vmem>>) target_semaphore(%run_scoped3A : memref<!tpu.dma_semaphore, #tpu.memory_space<semaphore_mem>>)
      %dma_wait3A = tpu.memref_slice %arg8[%add3A_165] : memref<163840xf32, #tpu.memory_space<vmem_shared>> -> memref<640xf32, #tpu.memory_space<vmem_shared>>
      %dma_wait3A_201 = tpu.memref_slice %arg8[%add3A_165] : memref<163840xf32, #tpu.memory_space<vmem_shared>> -> memref<640xf32, #tpu.memory_space<vmem_shared>>
      tpu.wait_dma2 semaphore(%run_scoped3A : memref<!tpu.dma_semaphore, #tpu.memory_space<semaphore_mem>>) src(%dma_wait3A_201 : memref<640xf32, #tpu.memory_space<vmem_shared>>) dst(%arg7 : memref<640xf32, #tpu.memory_space<vmem>>)
      tpu.yield
    }) : () -> ()
    %scan3A_166 = arith.constant 0 : i32
    %scan3A_167 = arith.constant 0 : i32
    %scan3A_168 = arith.constant 40 : i32
    %scan3A_169 = arith.addi %scan3A_167, %scan3A_168 : i32
    %scan3A_170 = arith.constant 1 : i32
    %scan3A_171 = scf.for %scan3A_200 = %scan3A_167 to %scan3A_169 step %scan3A_170 iter_args(%scan3A_201 = %scan3A_166) -> (i32)  : i32 {
      %mul3A_202 = arith.constant 16 : i32
      %mul3A_203 = arith.muli %scan3A_200, %mul3A_202 : i32
      %get3A = arith.index_cast %mul3A_203 : i32 to index
      %get3A_204 = tpu.vector_load %arg6[%get3A] {strides = array<i32>} : memref<640xf32, #tpu.memory_space<vmem>>, vector<16xf32>,
      %mul3A_205 = arith.constant 16 : i32
      %mul3A_206 = arith.muli %scan3A_200, %mul3A_205 : i32
      %get3A_207 = arith.index_cast %mul3A_206 : i32 to index
      %get3A_208 = tpu.vector_load %arg7[%get3A_207] {strides = array<i32>} : memref<640xf32, #tpu.memory_space<vmem>>, vector<16xf32>,
      %add3A_209 = arith.addf %get3A_204, %get3A_208 : vector<16xf32>
      %mul3A_210 = arith.constant 16 : i32
      %mul3A_211 = arith.muli %scan3A_200, %mul3A_210 : i32
      %swap3A = arith.index_cast %mul3A_211 : i32 to index
      %swap3A_212 = tpu.vector_load %arg6[%swap3A] {strides = array<i32>} : memref<640xf32, #tpu.memory_space<vmem>>, vector<16xf32>,
      tpu.vector_store %arg6[%swap3A], %add3A_209 {strides = array<i32>} : memref<640xf32, #tpu.memory_space<vmem>>, vector<16xf32>,
      %scan3A_213 = arith.constant 0 : i32
      scf.yield %scan3A_213 : i32
    }
    %scan3A_172 = arith.constant 40 : i32
    %mul3A_173 = arith.constant 640 : i32
    %mul3A_174 = arith.muli %arg1, %mul3A_173 : i32
    %add3A_175 = arith.constant 143360 : i32
    %add3A_176 = arith.addi %add3A_175, %mul3A_174 : i32
    "tpu.region"() ({
      %run_scoped3A = tpu.sem_alloc : memref<!tpu.dma_semaphore, #tpu.memory_space<semaphore_mem>>
      %dma_start3A = tpu.memref_slice %arg8[%add3A_176] : memref<163840xf32, #tpu.memory_space<vmem_shared>> -> memref<640xf32, #tpu.memory_space<vmem_shared>>
      %dma_start3A_200 = tpu.memref_slice %arg8[%add3A_176] : memref<163840xf32, #tpu.memory_space<vmem_shared>> -> memref<640xf32, #tpu.memory_space<vmem_shared>>
      tpu.enqueue_dma source(%dma_start3A_200 : memref<640xf32, #tpu.memory_space<vmem_shared>>) target(%arg7 : memref<640xf32, #tpu.memory_space<vmem>>) target_semaphore(%run_scoped3A : memref<!tpu.dma_semaphore, #tpu.memory_space<semaphore_mem>>)
      %dma_wait3A = tpu.memref_slice %arg8[%add3A_176] : memref<163840xf32, #tpu.memory_space<vmem_shared>> -> memref<640xf32, #tpu.memory_space<vmem_shared>>
      %dma_wait3A_201 = tpu.memref_slice %arg8[%add3A_176] : memref<163840xf32, #tpu.memory_space<vmem_shared>> -> memref<640xf32, #tpu.memory_space<vmem_shared>>
      tpu.wait_dma2 semaphore(%run_scoped3A : memref<!tpu.dma_semaphore, #tpu.memory_space<semaphore_mem>>) src(%dma_wait3A_201 : memref<640xf32, #tpu.memory_space<vmem_shared>>) dst(%arg7 : memref<640xf32, #tpu.memory_space<vmem>>)
      tpu.yield
    }) : () -> ()
    %scan3A_177 = arith.constant 0 : i32
    %scan3A_178 = arith.constant 0 : i32
    %scan3A_179 = arith.constant 40 : i32
    %scan3A_180 = arith.addi %scan3A_178, %scan3A_179 : i32
    %scan3A_181 = arith.constant 1 : i32
    %scan3A_182 = scf.for %scan3A_200 = %scan3A_178 to %scan3A_180 step %scan3A_181 iter_args(%scan3A_201 = %scan3A_177) -> (i32)  : i32 {
      %mul3A_202 = arith.constant 16 : i32
      %mul3A_203 = arith.muli %scan3A_200, %mul3A_202 : i32
      %get3A = arith.index_cast %mul3A_203 : i32 to index
      %get3A_204 = tpu.vector_load %arg6[%get3A] {strides = array<i32>} : memref<640xf32, #tpu.memory_space<vmem>>, vector<16xf32>,
      %mul3A_205 = arith.constant 16 : i32
      %mul3A_206 = arith.muli %scan3A_200, %mul3A_205 : i32
      %get3A_207 = arith.index_cast %mul3A_206 : i32 to index
      %get3A_208 = tpu.vector_load %arg7[%get3A_207] {strides = array<i32>} : memref<640xf32, #tpu.memory_space<vmem>>, vector<16xf32>,
      %add3A_209 = arith.addf %get3A_204, %get3A_208 : vector<16xf32>
      %mul3A_210 = arith.constant 16 : i32
      %mul3A_211 = arith.muli %scan3A_200, %mul3A_210 : i32
      %swap3A = arith.index_cast %mul3A_211 : i32 to index
      %swap3A_212 = tpu.vector_load %arg6[%swap3A] {strides = array<i32>} : memref<640xf32, #tpu.memory_space<vmem>>, vector<16xf32>,
      tpu.vector_store %arg6[%swap3A], %add3A_209 {strides = array<i32>} : memref<640xf32, #tpu.memory_space<vmem>>, vector<16xf32>,
      %scan3A_213 = arith.constant 0 : i32
      scf.yield %scan3A_213 : i32
    }
    %scan3A_183 = arith.constant 40 : i32
    %mul3A_184 = arith.constant 640 : i32
    %mul3A_185 = arith.muli %arg1, %mul3A_184 : i32
    %add3A_186 = arith.constant 153600 : i32
    %add3A_187 = arith.addi %add3A_186, %mul3A_185 : i32
    "tpu.region"() ({
      %run_scoped3A = tpu.sem_alloc : memref<!tpu.dma_semaphore, #tpu.memory_space<semaphore_mem>>
      %dma_start3A = tpu.memref_slice %arg8[%add3A_187] : memref<163840xf32, #tpu.memory_space<vmem_shared>> -> memref<640xf32, #tpu.memory_space<vmem_shared>>
      %dma_start3A_200 = tpu.memref_slice %arg8[%add3A_187] : memref<163840xf32, #tpu.memory_space<vmem_shared>> -> memref<640xf32, #tpu.memory_space<vmem_shared>>
      tpu.enqueue_dma source(%dma_start3A_200 : memref<640xf32, #tpu.memory_space<vmem_shared>>) target(%arg7 : memref<640xf32, #tpu.memory_space<vmem>>) target_semaphore(%run_scoped3A : memref<!tpu.dma_semaphore, #tpu.memory_space<semaphore_mem>>)
      %dma_wait3A = tpu.memref_slice %arg8[%add3A_187] : memref<163840xf32, #tpu.memory_space<vmem_shared>> -> memref<640xf32, #tpu.memory_space<vmem_shared>>
      %dma_wait3A_201 = tpu.memref_slice %arg8[%add3A_187] : memref<163840xf32, #tpu.memory_space<vmem_shared>> -> memref<640xf32, #tpu.memory_space<vmem_shared>>
      tpu.wait_dma2 semaphore(%run_scoped3A : memref<!tpu.dma_semaphore, #tpu.memory_space<semaphore_mem>>) src(%dma_wait3A_201 : memref<640xf32, #tpu.memory_space<vmem_shared>>) dst(%arg7 : memref<640xf32, #tpu.memory_space<vmem>>)
      tpu.yield
    }) : () -> ()
    %scan3A_188 = arith.constant 0 : i32
    %scan3A_189 = arith.constant 0 : i32
    %scan3A_190 = arith.constant 40 : i32
    %scan3A_191 = arith.addi %scan3A_189, %scan3A_190 : i32
    %scan3A_192 = arith.constant 1 : i32
    %scan3A_193 = scf.for %scan3A_200 = %scan3A_189 to %scan3A_191 step %scan3A_192 iter_args(%scan3A_201 = %scan3A_188) -> (i32)  : i32 {
      %mul3A_202 = arith.constant 16 : i32
      %mul3A_203 = arith.muli %scan3A_200, %mul3A_202 : i32
      %get3A = arith.index_cast %mul3A_203 : i32 to index
      %get3A_204 = tpu.vector_load %arg6[%get3A] {strides = array<i32>} : memref<640xf32, #tpu.memory_space<vmem>>, vector<16xf32>,
      %mul3A_205 = arith.constant 16 : i32
      %mul3A_206 = arith.muli %scan3A_200, %mul3A_205 : i32
      %get3A_207 = arith.index_cast %mul3A_206 : i32 to index
      %get3A_208 = tpu.vector_load %arg7[%get3A_207] {strides = array<i32>} : memref<640xf32, #tpu.memory_space<vmem>>, vector<16xf32>,
      %add3A_209 = arith.addf %get3A_204, %get3A_208 : vector<16xf32>
      %mul3A_210 = arith.constant 16 : i32
      %mul3A_211 = arith.muli %scan3A_200, %mul3A_210 : i32
      %swap3A = arith.index_cast %mul3A_211 : i32 to index
      %swap3A_212 = tpu.vector_load %arg6[%swap3A] {strides = array<i32>} : memref<640xf32, #tpu.memory_space<vmem>>, vector<16xf32>,
      tpu.vector_store %arg6[%swap3A], %add3A_209 {strides = array<i32>} : memref<640xf32, #tpu.memory_space<vmem>>, vector<16xf32>,
      %scan3A_213 = arith.constant 0 : i32
      scf.yield %scan3A_213 : i32
    }
    %scan3A_194 = arith.constant 40 : i32
    %mul3A_195 = arith.constant 10240 : i32
    %mul3A_196 = arith.muli %arg0, %mul3A_195 : i32
    %mul3A_197 = arith.constant 640 : i32
    %mul3A_198 = arith.muli %arg1, %mul3A_197 : i32
    %add3A_199 = arith.addi %mul3A_196, %mul3A_198 : i32
    "tpu.region"() ({
      %run_scoped3A = tpu.sem_alloc : memref<!tpu.dma_semaphore, #tpu.memory_space<semaphore_mem>>
      %dma_start3A = tpu.memref_slice %arg3[%add3A_199] : memref<20480xf32, #tpu.memory_space<hbm>> -> memref<640xf32, #tpu.memory_space<hbm>>
      %dma_start3A_200 = tpu.memref_slice %arg3[%add3A_199] : memref<20480xf32, #tpu.memory_space<hbm>> -> memref<640xf32, #tpu.memory_space<hbm>>
      tpu.enqueue_dma source(%arg6 : memref<640xf32, #tpu.memory_space<vmem>>) target(%dma_start3A_200 : memref<640xf32, #tpu.memory_space<hbm>>) target_semaphore(%run_scoped3A : memref<!tpu.dma_semaphore, #tpu.memory_space<semaphore_mem>>)
      %dma_wait3A = tpu.memref_slice %arg3[%add3A_199] : memref<20480xf32, #tpu.memory_space<hbm>> -> memref<640xf32, #tpu.memory_space<hbm>>
      %dma_wait3A_201 = tpu.memref_slice %arg3[%add3A_199] : memref<20480xf32, #tpu.memory_space<hbm>> -> memref<640xf32, #tpu.memory_space<hbm>>
      tpu.wait_dma2 semaphore(%run_scoped3A : memref<!tpu.dma_semaphore, #tpu.memory_space<semaphore_mem>>) src(%arg6 : memref<640xf32, #tpu.memory_space<vmem>>) dst(%dma_wait3A_201 : memref<640xf32, #tpu.memory_space<hbm>>)
      tpu.yield
    }) : () -> ()
    return
  }
}

#map = affine_map<(d0, d1) -> (0)>
#map1 = affine_map<(d0, d1) -> (0, 0)>
module attributes {stable_mosaic.version = 14 : i64} {
  func.func @agg_kernel(%arg0: i32, %arg1: i32, %arg2: memref<323584xi32, #tpu.memory_space<hbm>>, %arg3: memref<323584xi32, #tpu.memory_space<hbm>>, %arg4: memref<10000x128xf32, #tpu.memory_space<hbm>>, %arg5: memref<10240x128xf32, #tpu.memory_space<hbm>>, %arg6: memref<128xi32, #tpu.memory_space<vmem>>, %arg7: memref<128xi32, #tpu.memory_space<vmem>>, %arg8: memref<128xi32, #tpu.memory_space<vmem>>, %arg9: memref<128xi32, #tpu.memory_space<vmem>>, %arg10: memref<128x128xf32, #tpu.memory_space<vmem>>, %arg11: memref<128x128xf32, #tpu.memory_space<vmem>>, %arg12: memref<10240x128xf32, #tpu.memory_space<vmem_shared>>, %arg13: memref<!tpu.dma_semaphore, #tpu.memory_space<semaphore_mem>>, %arg14: memref<!tpu.dma_semaphore, #tpu.memory_space<semaphore_mem>>, %arg15: memref<!tpu.dma_semaphore, #tpu.memory_space<semaphore_mem>>, %arg16: memref<!tpu.dma_semaphore, #tpu.memory_space<semaphore_mem>>) attributes {dimension_semantics = [#tpu.dimension_semantics<core_parallel>, #tpu.dimension_semantics<subcore_parallel>], iteration_bounds = array<i64: 2, 16>, scalar_prefetch = 0 : i64, scratch_operands = 11 : i64, tpu.core_type = #tpu.core_type<sc_vector_subcore>, window_params = [{transform_indices = #map}, {transform_indices = #map}, {transform_indices = #map1}, {transform_indices = #map1}]} {
    %eq3A = arith.constant 0 : i32
    %eq3A_0 = arith.cmpi eq, %arg0, %eq3A : i32
    %convert_element_type3A = arith.extui %eq3A_0 : i1 to i32
    %cond3A = arith.constant 0 : i32
    %cond3A_1 = arith.cmpi ne, %convert_element_type3A, %cond3A : i32
    scf.if %cond3A_1 {
      %mul3A = arith.constant 20224 : i32
      %mul3A_2 = arith.muli %arg1, %mul3A : i32
      %scan3A = arith.constant 0 : i32
      %scan3A_3 = arith.constant 0 : i32
      %scan3A_4 = arith.constant 128 : i32
      %scan3A_5 = arith.addi %scan3A_3, %scan3A_4 : i32
      %scan3A_6 = arith.constant 1 : i32
      %scan3A_7 = scf.for %scan3A_66 = %scan3A_3 to %scan3A_5 step %scan3A_6 iter_args(%scan3A_67 = %scan3A) -> (i32)  : i32 {
        %broadcast_in_dim3A = arith.constant 0.000000e+00 : f32
        %broadcast_in_dim3A_68 = vector.broadcast %broadcast_in_dim3A : f32 to vector<16xf32>
        %swap3A = arith.index_cast %scan3A_66 : i32 to index
        %swap3A_69 = arith.constant 0 : index
        %swap3A_70 = tpu.vector_load %arg10[%swap3A, %swap3A_69] {strides = array<i32>} : memref<128x128xf32, #tpu.memory_space<vmem>>, vector<1x16xf32>,
        %swap3A_71 = vector.shape_cast %swap3A_70 : vector<1x16xf32> to vector<16xf32>
        %swap3A_72 = vector.shape_cast %broadcast_in_dim3A_68 : vector<16xf32> to vector<1x16xf32>
        tpu.vector_store %arg10[%swap3A, %swap3A_69], %swap3A_72 {strides = array<i32>} : memref<128x128xf32, #tpu.memory_space<vmem>>, vector<1x16xf32>,
        %broadcast_in_dim3A_73 = arith.constant 0.000000e+00 : f32
        %broadcast_in_dim3A_74 = vector.broadcast %broadcast_in_dim3A_73 : f32 to vector<16xf32>
        %swap3A_75 = arith.index_cast %scan3A_66 : i32 to index
        %swap3A_76 = arith.constant 16 : index
        %swap3A_77 = tpu.vector_load %arg10[%swap3A_75, %swap3A_76] {strides = array<i32>} : memref<128x128xf32, #tpu.memory_space<vmem>>, vector<1x16xf32>,
        %swap3A_78 = vector.shape_cast %swap3A_77 : vector<1x16xf32> to vector<16xf32>
        %swap3A_79 = vector.shape_cast %broadcast_in_dim3A_74 : vector<16xf32> to vector<1x16xf32>
        tpu.vector_store %arg10[%swap3A_75, %swap3A_76], %swap3A_79 {strides = array<i32>} : memref<128x128xf32, #tpu.memory_space<vmem>>, vector<1x16xf32>,
        %broadcast_in_dim3A_80 = arith.constant 0.000000e+00 : f32
        %broadcast_in_dim3A_81 = vector.broadcast %broadcast_in_dim3A_80 : f32 to vector<16xf32>
        %swap3A_82 = arith.index_cast %scan3A_66 : i32 to index
        %swap3A_83 = arith.constant 32 : index
        %swap3A_84 = tpu.vector_load %arg10[%swap3A_82, %swap3A_83] {strides = array<i32>} : memref<128x128xf32, #tpu.memory_space<vmem>>, vector<1x16xf32>,
        %swap3A_85 = vector.shape_cast %swap3A_84 : vector<1x16xf32> to vector<16xf32>
        %swap3A_86 = vector.shape_cast %broadcast_in_dim3A_81 : vector<16xf32> to vector<1x16xf32>
        tpu.vector_store %arg10[%swap3A_82, %swap3A_83], %swap3A_86 {strides = array<i32>} : memref<128x128xf32, #tpu.memory_space<vmem>>, vector<1x16xf32>,
        %broadcast_in_dim3A_87 = arith.constant 0.000000e+00 : f32
        %broadcast_in_dim3A_88 = vector.broadcast %broadcast_in_dim3A_87 : f32 to vector<16xf32>
        %swap3A_89 = arith.index_cast %scan3A_66 : i32 to index
        %swap3A_90 = arith.constant 48 : index
        %swap3A_91 = tpu.vector_load %arg10[%swap3A_89, %swap3A_90] {strides = array<i32>} : memref<128x128xf32, #tpu.memory_space<vmem>>, vector<1x16xf32>,
        %swap3A_92 = vector.shape_cast %swap3A_91 : vector<1x16xf32> to vector<16xf32>
        %swap3A_93 = vector.shape_cast %broadcast_in_dim3A_88 : vector<16xf32> to vector<1x16xf32>
        tpu.vector_store %arg10[%swap3A_89, %swap3A_90], %swap3A_93 {strides = array<i32>} : memref<128x128xf32, #tpu.memory_space<vmem>>, vector<1x16xf32>,
        %broadcast_in_dim3A_94 = arith.constant 0.000000e+00 : f32
        %broadcast_in_dim3A_95 = vector.broadcast %broadcast_in_dim3A_94 : f32 to vector<16xf32>
        %swap3A_96 = arith.index_cast %scan3A_66 : i32 to index
        %swap3A_97 = arith.constant 64 : index
        %swap3A_98 = tpu.vector_load %arg10[%swap3A_96, %swap3A_97] {strides = array<i32>} : memref<128x128xf32, #tpu.memory_space<vmem>>, vector<1x16xf32>,
        %swap3A_99 = vector.shape_cast %swap3A_98 : vector<1x16xf32> to vector<16xf32>
        %swap3A_100 = vector.shape_cast %broadcast_in_dim3A_95 : vector<16xf32> to vector<1x16xf32>
        tpu.vector_store %arg10[%swap3A_96, %swap3A_97], %swap3A_100 {strides = array<i32>} : memref<128x128xf32, #tpu.memory_space<vmem>>, vector<1x16xf32>,
        %broadcast_in_dim3A_101 = arith.constant 0.000000e+00 : f32
        %broadcast_in_dim3A_102 = vector.broadcast %broadcast_in_dim3A_101 : f32 to vector<16xf32>
        %swap3A_103 = arith.index_cast %scan3A_66 : i32 to index
        %swap3A_104 = arith.constant 80 : index
        %swap3A_105 = tpu.vector_load %arg10[%swap3A_103, %swap3A_104] {strides = array<i32>} : memref<128x128xf32, #tpu.memory_space<vmem>>, vector<1x16xf32>,
        %swap3A_106 = vector.shape_cast %swap3A_105 : vector<1x16xf32> to vector<16xf32>
        %swap3A_107 = vector.shape_cast %broadcast_in_dim3A_102 : vector<16xf32> to vector<1x16xf32>
        tpu.vector_store %arg10[%swap3A_103, %swap3A_104], %swap3A_107 {strides = array<i32>} : memref<128x128xf32, #tpu.memory_space<vmem>>, vector<1x16xf32>,
        %broadcast_in_dim3A_108 = arith.constant 0.000000e+00 : f32
        %broadcast_in_dim3A_109 = vector.broadcast %broadcast_in_dim3A_108 : f32 to vector<16xf32>
        %swap3A_110 = arith.index_cast %scan3A_66 : i32 to index
        %swap3A_111 = arith.constant 96 : index
        %swap3A_112 = tpu.vector_load %arg10[%swap3A_110, %swap3A_111] {strides = array<i32>} : memref<128x128xf32, #tpu.memory_space<vmem>>, vector<1x16xf32>,
        %swap3A_113 = vector.shape_cast %swap3A_112 : vector<1x16xf32> to vector<16xf32>
        %swap3A_114 = vector.shape_cast %broadcast_in_dim3A_109 : vector<16xf32> to vector<1x16xf32>
        tpu.vector_store %arg10[%swap3A_110, %swap3A_111], %swap3A_114 {strides = array<i32>} : memref<128x128xf32, #tpu.memory_space<vmem>>, vector<1x16xf32>,
        %broadcast_in_dim3A_115 = arith.constant 0.000000e+00 : f32
        %broadcast_in_dim3A_116 = vector.broadcast %broadcast_in_dim3A_115 : f32 to vector<16xf32>
        %swap3A_117 = arith.index_cast %scan3A_66 : i32 to index
        %swap3A_118 = arith.constant 112 : index
        %swap3A_119 = tpu.vector_load %arg10[%swap3A_117, %swap3A_118] {strides = array<i32>} : memref<128x128xf32, #tpu.memory_space<vmem>>, vector<1x16xf32>,
        %swap3A_120 = vector.shape_cast %swap3A_119 : vector<1x16xf32> to vector<16xf32>
        %swap3A_121 = vector.shape_cast %broadcast_in_dim3A_116 : vector<16xf32> to vector<1x16xf32>
        tpu.vector_store %arg10[%swap3A_117, %swap3A_118], %swap3A_121 {strides = array<i32>} : memref<128x128xf32, #tpu.memory_space<vmem>>, vector<1x16xf32>,
        %scan3A_122 = arith.constant 0 : i32
        scf.yield %scan3A_122 : i32
      }
      %scan3A_8 = arith.constant 128 : i32
      %mul3A_9 = arith.constant 640 : i32
      %mul3A_10 = arith.muli %arg1, %mul3A_9 : i32
      %add3A = arith.constant 0 : i32
      %add3A_11 = arith.addi %mul3A_10, %add3A : i32
      "tpu.region"() ({
        %run_scoped3A = tpu.sem_alloc : memref<!tpu.dma_semaphore, #tpu.memory_space<semaphore_mem>>
        %dma_start3A_66 = arith.constant 0 : i32
        %dma_start3A_67 = tpu.memref_slice %arg12[%add3A_11, %dma_start3A_66] : memref<10240x128xf32, #tpu.memory_space<vmem_shared>> -> memref<128x128xf32, #tpu.memory_space<vmem_shared>>
        %dma_start3A_68 = arith.constant 0 : i32
        %dma_start3A_69 = tpu.memref_slice %arg12[%add3A_11, %dma_start3A_68] : memref<10240x128xf32, #tpu.memory_space<vmem_shared>> -> memref<128x128xf32, #tpu.memory_space<vmem_shared>>
        tpu.enqueue_dma source(%arg10 : memref<128x128xf32, #tpu.memory_space<vmem>>) target(%dma_start3A_69 : memref<128x128xf32, #tpu.memory_space<vmem_shared>>) target_semaphore(%run_scoped3A : memref<!tpu.dma_semaphore, #tpu.memory_space<semaphore_mem>>)
        %dma_wait3A_70 = arith.constant 0 : i32
        %dma_wait3A_71 = tpu.memref_slice %arg12[%add3A_11, %dma_wait3A_70] : memref<10240x128xf32, #tpu.memory_space<vmem_shared>> -> memref<128x128xf32, #tpu.memory_space<vmem_shared>>
        %dma_wait3A_72 = arith.constant 0 : i32
        %dma_wait3A_73 = tpu.memref_slice %arg12[%add3A_11, %dma_wait3A_72] : memref<10240x128xf32, #tpu.memory_space<vmem_shared>> -> memref<128x128xf32, #tpu.memory_space<vmem_shared>>
        tpu.wait_dma2 semaphore(%run_scoped3A : memref<!tpu.dma_semaphore, #tpu.memory_space<semaphore_mem>>) src(%arg10 : memref<128x128xf32, #tpu.memory_space<vmem>>) dst(%dma_wait3A_73 : memref<128x128xf32, #tpu.memory_space<vmem_shared>>)
        tpu.yield
      }) : () -> ()
      %mul3A_12 = arith.constant 640 : i32
      %mul3A_13 = arith.muli %arg1, %mul3A_12 : i32
      %add3A_14 = arith.constant 128 : i32
      %add3A_15 = arith.addi %mul3A_13, %add3A_14 : i32
      "tpu.region"() ({
        %run_scoped3A = tpu.sem_alloc : memref<!tpu.dma_semaphore, #tpu.memory_space<semaphore_mem>>
        %dma_start3A_66 = arith.constant 0 : i32
        %dma_start3A_67 = tpu.memref_slice %arg12[%add3A_15, %dma_start3A_66] : memref<10240x128xf32, #tpu.memory_space<vmem_shared>> -> memref<128x128xf32, #tpu.memory_space<vmem_shared>>
        %dma_start3A_68 = arith.constant 0 : i32
        %dma_start3A_69 = tpu.memref_slice %arg12[%add3A_15, %dma_start3A_68] : memref<10240x128xf32, #tpu.memory_space<vmem_shared>> -> memref<128x128xf32, #tpu.memory_space<vmem_shared>>
        tpu.enqueue_dma source(%arg10 : memref<128x128xf32, #tpu.memory_space<vmem>>) target(%dma_start3A_69 : memref<128x128xf32, #tpu.memory_space<vmem_shared>>) target_semaphore(%run_scoped3A : memref<!tpu.dma_semaphore, #tpu.memory_space<semaphore_mem>>)
        %dma_wait3A_70 = arith.constant 0 : i32
        %dma_wait3A_71 = tpu.memref_slice %arg12[%add3A_15, %dma_wait3A_70] : memref<10240x128xf32, #tpu.memory_space<vmem_shared>> -> memref<128x128xf32, #tpu.memory_space<vmem_shared>>
        %dma_wait3A_72 = arith.constant 0 : i32
        %dma_wait3A_73 = tpu.memref_slice %arg12[%add3A_15, %dma_wait3A_72] : memref<10240x128xf32, #tpu.memory_space<vmem_shared>> -> memref<128x128xf32, #tpu.memory_space<vmem_shared>>
        tpu.wait_dma2 semaphore(%run_scoped3A : memref<!tpu.dma_semaphore, #tpu.memory_space<semaphore_mem>>) src(%arg10 : memref<128x128xf32, #tpu.memory_space<vmem>>) dst(%dma_wait3A_73 : memref<128x128xf32, #tpu.memory_space<vmem_shared>>)
        tpu.yield
      }) : () -> ()
      %mul3A_16 = arith.constant 640 : i32
      %mul3A_17 = arith.muli %arg1, %mul3A_16 : i32
      %add3A_18 = arith.constant 256 : i32
      %add3A_19 = arith.addi %mul3A_17, %add3A_18 : i32
      "tpu.region"() ({
        %run_scoped3A = tpu.sem_alloc : memref<!tpu.dma_semaphore, #tpu.memory_space<semaphore_mem>>
        %dma_start3A_66 = arith.constant 0 : i32
        %dma_start3A_67 = tpu.memref_slice %arg12[%add3A_19, %dma_start3A_66] : memref<10240x128xf32, #tpu.memory_space<vmem_shared>> -> memref<128x128xf32, #tpu.memory_space<vmem_shared>>
        %dma_start3A_68 = arith.constant 0 : i32
        %dma_start3A_69 = tpu.memref_slice %arg12[%add3A_19, %dma_start3A_68] : memref<10240x128xf32, #tpu.memory_space<vmem_shared>> -> memref<128x128xf32, #tpu.memory_space<vmem_shared>>
        tpu.enqueue_dma source(%arg10 : memref<128x128xf32, #tpu.memory_space<vmem>>) target(%dma_start3A_69 : memref<128x128xf32, #tpu.memory_space<vmem_shared>>) target_semaphore(%run_scoped3A : memref<!tpu.dma_semaphore, #tpu.memory_space<semaphore_mem>>)
        %dma_wait3A_70 = arith.constant 0 : i32
        %dma_wait3A_71 = tpu.memref_slice %arg12[%add3A_19, %dma_wait3A_70] : memref<10240x128xf32, #tpu.memory_space<vmem_shared>> -> memref<128x128xf32, #tpu.memory_space<vmem_shared>>
        %dma_wait3A_72 = arith.constant 0 : i32
        %dma_wait3A_73 = tpu.memref_slice %arg12[%add3A_19, %dma_wait3A_72] : memref<10240x128xf32, #tpu.memory_space<vmem_shared>> -> memref<128x128xf32, #tpu.memory_space<vmem_shared>>
        tpu.wait_dma2 semaphore(%run_scoped3A : memref<!tpu.dma_semaphore, #tpu.memory_space<semaphore_mem>>) src(%arg10 : memref<128x128xf32, #tpu.memory_space<vmem>>) dst(%dma_wait3A_73 : memref<128x128xf32, #tpu.memory_space<vmem_shared>>)
        tpu.yield
      }) : () -> ()
      %mul3A_20 = arith.constant 640 : i32
      %mul3A_21 = arith.muli %arg1, %mul3A_20 : i32
      %add3A_22 = arith.constant 384 : i32
      %add3A_23 = arith.addi %mul3A_21, %add3A_22 : i32
      "tpu.region"() ({
        %run_scoped3A = tpu.sem_alloc : memref<!tpu.dma_semaphore, #tpu.memory_space<semaphore_mem>>
        %dma_start3A_66 = arith.constant 0 : i32
        %dma_start3A_67 = tpu.memref_slice %arg12[%add3A_23, %dma_start3A_66] : memref<10240x128xf32, #tpu.memory_space<vmem_shared>> -> memref<128x128xf32, #tpu.memory_space<vmem_shared>>
        %dma_start3A_68 = arith.constant 0 : i32
        %dma_start3A_69 = tpu.memref_slice %arg12[%add3A_23, %dma_start3A_68] : memref<10240x128xf32, #tpu.memory_space<vmem_shared>> -> memref<128x128xf32, #tpu.memory_space<vmem_shared>>
        tpu.enqueue_dma source(%arg10 : memref<128x128xf32, #tpu.memory_space<vmem>>) target(%dma_start3A_69 : memref<128x128xf32, #tpu.memory_space<vmem_shared>>) target_semaphore(%run_scoped3A : memref<!tpu.dma_semaphore, #tpu.memory_space<semaphore_mem>>)
        %dma_wait3A_70 = arith.constant 0 : i32
        %dma_wait3A_71 = tpu.memref_slice %arg12[%add3A_23, %dma_wait3A_70] : memref<10240x128xf32, #tpu.memory_space<vmem_shared>> -> memref<128x128xf32, #tpu.memory_space<vmem_shared>>
        %dma_wait3A_72 = arith.constant 0 : i32
        %dma_wait3A_73 = tpu.memref_slice %arg12[%add3A_23, %dma_wait3A_72] : memref<10240x128xf32, #tpu.memory_space<vmem_shared>> -> memref<128x128xf32, #tpu.memory_space<vmem_shared>>
        tpu.wait_dma2 semaphore(%run_scoped3A : memref<!tpu.dma_semaphore, #tpu.memory_space<semaphore_mem>>) src(%arg10 : memref<128x128xf32, #tpu.memory_space<vmem>>) dst(%dma_wait3A_73 : memref<128x128xf32, #tpu.memory_space<vmem_shared>>)
        tpu.yield
      }) : () -> ()
      %mul3A_24 = arith.constant 640 : i32
      %mul3A_25 = arith.muli %arg1, %mul3A_24 : i32
      %add3A_26 = arith.constant 512 : i32
      %add3A_27 = arith.addi %mul3A_25, %add3A_26 : i32
      "tpu.region"() ({
        %run_scoped3A = tpu.sem_alloc : memref<!tpu.dma_semaphore, #tpu.memory_space<semaphore_mem>>
        %dma_start3A_66 = arith.constant 0 : i32
        %dma_start3A_67 = tpu.memref_slice %arg12[%add3A_27, %dma_start3A_66] : memref<10240x128xf32, #tpu.memory_space<vmem_shared>> -> memref<128x128xf32, #tpu.memory_space<vmem_shared>>
        %dma_start3A_68 = arith.constant 0 : i32
        %dma_start3A_69 = tpu.memref_slice %arg12[%add3A_27, %dma_start3A_68] : memref<10240x128xf32, #tpu.memory_space<vmem_shared>> -> memref<128x128xf32, #tpu.memory_space<vmem_shared>>
        tpu.enqueue_dma source(%arg10 : memref<128x128xf32, #tpu.memory_space<vmem>>) target(%dma_start3A_69 : memref<128x128xf32, #tpu.memory_space<vmem_shared>>) target_semaphore(%run_scoped3A : memref<!tpu.dma_semaphore, #tpu.memory_space<semaphore_mem>>)
        %dma_wait3A_70 = arith.constant 0 : i32
        %dma_wait3A_71 = tpu.memref_slice %arg12[%add3A_27, %dma_wait3A_70] : memref<10240x128xf32, #tpu.memory_space<vmem_shared>> -> memref<128x128xf32, #tpu.memory_space<vmem_shared>>
        %dma_wait3A_72 = arith.constant 0 : i32
        %dma_wait3A_73 = tpu.memref_slice %arg12[%add3A_27, %dma_wait3A_72] : memref<10240x128xf32, #tpu.memory_space<vmem_shared>> -> memref<128x128xf32, #tpu.memory_space<vmem_shared>>
        tpu.wait_dma2 semaphore(%run_scoped3A : memref<!tpu.dma_semaphore, #tpu.memory_space<semaphore_mem>>) src(%arg10 : memref<128x128xf32, #tpu.memory_space<vmem>>) dst(%dma_wait3A_73 : memref<128x128xf32, #tpu.memory_space<vmem_shared>>)
        tpu.yield
      }) : () -> ()
      %barrier3A = arith.constant 0 : index
      tpu.barrier barrier_id(%barrier3A)
      %add3A_28 = arith.constant 0 : i32
      %add3A_29 = arith.addi %mul3A_2, %add3A_28 : i32
      "tpu.region"() ({
        %run_scoped3A = tpu.sem_alloc : memref<!tpu.dma_semaphore, #tpu.memory_space<semaphore_mem>>
        %dma_start3A_66 = tpu.memref_slice %arg2[%add3A_29] : memref<323584xi32, #tpu.memory_space<hbm>> -> memref<128xi32, #tpu.memory_space<hbm>>
        %dma_start3A_67 = tpu.memref_slice %arg2[%add3A_29] : memref<323584xi32, #tpu.memory_space<hbm>> -> memref<128xi32, #tpu.memory_space<hbm>>
        tpu.enqueue_dma source(%dma_start3A_67 : memref<128xi32, #tpu.memory_space<hbm>>) target(%arg6 : memref<128xi32, #tpu.memory_space<vmem>>) target_semaphore(%run_scoped3A : memref<!tpu.dma_semaphore, #tpu.memory_space<semaphore_mem>>)
        %dma_wait3A_68 = tpu.memref_slice %arg2[%add3A_29] : memref<323584xi32, #tpu.memory_space<hbm>> -> memref<128xi32, #tpu.memory_space<hbm>>
        %dma_wait3A_69 = tpu.memref_slice %arg2[%add3A_29] : memref<323584xi32, #tpu.memory_space<hbm>> -> memref<128xi32, #tpu.memory_space<hbm>>
        tpu.wait_dma2 semaphore(%run_scoped3A : memref<!tpu.dma_semaphore, #tpu.memory_space<semaphore_mem>>) src(%dma_wait3A_69 : memref<128xi32, #tpu.memory_space<hbm>>) dst(%arg6 : memref<128xi32, #tpu.memory_space<vmem>>)
        tpu.yield
      }) : () -> ()
      "tpu.region"() ({
        %run_scoped3A = tpu.sem_alloc : memref<!tpu.dma_semaphore, #tpu.memory_space<semaphore_mem>>
        %dma_start3A_66 = tpu.memref_slice %arg3[%add3A_29] : memref<323584xi32, #tpu.memory_space<hbm>> -> memref<128xi32, #tpu.memory_space<hbm>>
        %dma_start3A_67 = tpu.memref_slice %arg3[%add3A_29] : memref<323584xi32, #tpu.memory_space<hbm>> -> memref<128xi32, #tpu.memory_space<hbm>>
        tpu.enqueue_dma source(%dma_start3A_67 : memref<128xi32, #tpu.memory_space<hbm>>) target(%arg8 : memref<128xi32, #tpu.memory_space<vmem>>) target_semaphore(%run_scoped3A : memref<!tpu.dma_semaphore, #tpu.memory_space<semaphore_mem>>)
        %dma_wait3A_68 = tpu.memref_slice %arg3[%add3A_29] : memref<323584xi32, #tpu.memory_space<hbm>> -> memref<128xi32, #tpu.memory_space<hbm>>
        %dma_wait3A_69 = tpu.memref_slice %arg3[%add3A_29] : memref<323584xi32, #tpu.memory_space<hbm>> -> memref<128xi32, #tpu.memory_space<hbm>>
        tpu.wait_dma2 semaphore(%run_scoped3A : memref<!tpu.dma_semaphore, #tpu.memory_space<semaphore_mem>>) src(%dma_wait3A_69 : memref<128xi32, #tpu.memory_space<hbm>>) dst(%arg8 : memref<128xi32, #tpu.memory_space<vmem>>)
        tpu.yield
      }) : () -> ()
      %dma_start3A = arith.constant 0 : i32
      %dma_start3A_30 = arith.constant 0 : i32
      %dma_start3A_31 = tpu.memref_slice %arg4[%dma_start3A, %dma_start3A_30] : memref<10000x128xf32, #tpu.memory_space<hbm>> -> memref<10000x128xf32, #tpu.memory_space<hbm>>
      tpu.enqueue_indirect_dma source(%dma_start3A_31 : memref<10000x128xf32, #tpu.memory_space<hbm>>) target(%arg10 : memref<128x128xf32, #tpu.memory_space<vmem>>) offsets(%arg6 : memref<128xi32, #tpu.memory_space<vmem>>) semaphore(%arg13 : memref<!tpu.dma_semaphore, #tpu.memory_space<semaphore_mem>>)
      %add3A_32 = arith.constant 128 : i32
      %add3A_33 = arith.addi %mul3A_2, %add3A_32 : i32
      "tpu.region"() ({
        %run_scoped3A = tpu.sem_alloc : memref<!tpu.dma_semaphore, #tpu.memory_space<semaphore_mem>>
        %dma_start3A_66 = tpu.memref_slice %arg2[%add3A_33] : memref<323584xi32, #tpu.memory_space<hbm>> -> memref<128xi32, #tpu.memory_space<hbm>>
        %dma_start3A_67 = tpu.memref_slice %arg2[%add3A_33] : memref<323584xi32, #tpu.memory_space<hbm>> -> memref<128xi32, #tpu.memory_space<hbm>>
        tpu.enqueue_dma source(%dma_start3A_67 : memref<128xi32, #tpu.memory_space<hbm>>) target(%arg7 : memref<128xi32, #tpu.memory_space<vmem>>) target_semaphore(%run_scoped3A : memref<!tpu.dma_semaphore, #tpu.memory_space<semaphore_mem>>)
        %dma_wait3A_68 = tpu.memref_slice %arg2[%add3A_33] : memref<323584xi32, #tpu.memory_space<hbm>> -> memref<128xi32, #tpu.memory_space<hbm>>
        %dma_wait3A_69 = tpu.memref_slice %arg2[%add3A_33] : memref<323584xi32, #tpu.memory_space<hbm>> -> memref<128xi32, #tpu.memory_space<hbm>>
        tpu.wait_dma2 semaphore(%run_scoped3A : memref<!tpu.dma_semaphore, #tpu.memory_space<semaphore_mem>>) src(%dma_wait3A_69 : memref<128xi32, #tpu.memory_space<hbm>>) dst(%arg7 : memref<128xi32, #tpu.memory_space<vmem>>)
        tpu.yield
      }) : () -> ()
      "tpu.region"() ({
        %run_scoped3A = tpu.sem_alloc : memref<!tpu.dma_semaphore, #tpu.memory_space<semaphore_mem>>
        %dma_start3A_66 = tpu.memref_slice %arg3[%add3A_33] : memref<323584xi32, #tpu.memory_space<hbm>> -> memref<128xi32, #tpu.memory_space<hbm>>
        %dma_start3A_67 = tpu.memref_slice %arg3[%add3A_33] : memref<323584xi32, #tpu.memory_space<hbm>> -> memref<128xi32, #tpu.memory_space<hbm>>
        tpu.enqueue_dma source(%dma_start3A_67 : memref<128xi32, #tpu.memory_space<hbm>>) target(%arg9 : memref<128xi32, #tpu.memory_space<vmem>>) target_semaphore(%run_scoped3A : memref<!tpu.dma_semaphore, #tpu.memory_space<semaphore_mem>>)
        %dma_wait3A_68 = tpu.memref_slice %arg3[%add3A_33] : memref<323584xi32, #tpu.memory_space<hbm>> -> memref<128xi32, #tpu.memory_space<hbm>>
        %dma_wait3A_69 = tpu.memref_slice %arg3[%add3A_33] : memref<323584xi32, #tpu.memory_space<hbm>> -> memref<128xi32, #tpu.memory_space<hbm>>
        tpu.wait_dma2 semaphore(%run_scoped3A : memref<!tpu.dma_semaphore, #tpu.memory_space<semaphore_mem>>) src(%dma_wait3A_69 : memref<128xi32, #tpu.memory_space<hbm>>) dst(%arg9 : memref<128xi32, #tpu.memory_space<vmem>>)
        tpu.yield
      }) : () -> ()
      %dma_start3A_34 = arith.constant 0 : i32
      %dma_start3A_35 = arith.constant 0 : i32
      %dma_start3A_36 = tpu.memref_slice %arg4[%dma_start3A_34, %dma_start3A_35] : memref<10000x128xf32, #tpu.memory_space<hbm>> -> memref<10000x128xf32, #tpu.memory_space<hbm>>
      tpu.enqueue_indirect_dma source(%dma_start3A_36 : memref<10000x128xf32, #tpu.memory_space<hbm>>) target(%arg11 : memref<128x128xf32, #tpu.memory_space<vmem>>) offsets(%arg7 : memref<128xi32, #tpu.memory_space<vmem>>) semaphore(%arg14 : memref<!tpu.dma_semaphore, #tpu.memory_space<semaphore_mem>>)
      %scan3A_37 = arith.constant 0 : i32
      %scan3A_38 = arith.constant 0 : i32
      %scan3A_39 = arith.constant 78 : i32
      %scan3A_40 = arith.addi %scan3A_38, %scan3A_39 : i32
      %scan3A_41 = arith.constant 1 : i32
      %scan3A_42 = scf.for %scan3A_66 = %scan3A_38 to %scan3A_40 step %scan3A_41 iter_args(%scan3A_67 = %scan3A_37) -> (i32)  : i32 {
        %mul3A_68 = arith.constant 2 : i32
        %mul3A_69 = arith.muli %mul3A_68, %scan3A_66 : i32
        %add3A_70 = arith.constant 0 : i32
        %add3A_71 = arith.addi %mul3A_69, %add3A_70 : i32
        %dma_wait3A_72 = arith.constant 0 : i32
        %dma_wait3A_73 = arith.constant 0 : i32
        %dma_wait3A_74 = tpu.memref_slice %arg4[%dma_wait3A_72, %dma_wait3A_73] : memref<10000x128xf32, #tpu.memory_space<hbm>> -> memref<10000x128xf32, #tpu.memory_space<hbm>>
        tpu.wait_indirect_dma semaphore(%arg13 : memref<!tpu.dma_semaphore, #tpu.memory_space<semaphore_mem>>) src(%dma_wait3A_74 : memref<10000x128xf32, #tpu.memory_space<hbm>>) dst(%arg10 : memref<128x128xf32, #tpu.memory_space<vmem>>)
        %dma_start3A_75 = arith.constant 0 : i32
        %dma_start3A_76 = arith.constant 0 : i32
        %dma_start3A_77 = tpu.memref_slice %arg12[%dma_start3A_75, %dma_start3A_76] : memref<10240x128xf32, #tpu.memory_space<vmem_shared>> -> memref<10240x128xf32, #tpu.memory_space<vmem_shared>>
        tpu.enqueue_indirect_dma source(%arg10 : memref<128x128xf32, #tpu.memory_space<vmem>>) target(%dma_start3A_77 : memref<10240x128xf32, #tpu.memory_space<vmem_shared>>) offsets(%arg8 : memref<128xi32, #tpu.memory_space<vmem>>) semaphore(%arg15 : memref<!tpu.dma_semaphore, #tpu.memory_space<semaphore_mem>>) {add = true}
        %add3A_78 = arith.constant 2 : i32
        %add3A_79 = arith.addi %add3A_71, %add3A_78 : i32
        %mul3A_80 = arith.constant 128 : i32
        %mul3A_81 = arith.muli %add3A_79, %mul3A_80 : i32
        %add3A_82 = arith.addi %mul3A_2, %mul3A_81 : i32
        "tpu.region"() ({
          %run_scoped3A = tpu.sem_alloc : memref<!tpu.dma_semaphore, #tpu.memory_space<semaphore_mem>>
          %dma_start3A_121 = tpu.memref_slice %arg2[%add3A_82] : memref<323584xi32, #tpu.memory_space<hbm>> -> memref<128xi32, #tpu.memory_space<hbm>>
          %dma_start3A_122 = tpu.memref_slice %arg2[%add3A_82] : memref<323584xi32, #tpu.memory_space<hbm>> -> memref<128xi32, #tpu.memory_space<hbm>>
          tpu.enqueue_dma source(%dma_start3A_122 : memref<128xi32, #tpu.memory_space<hbm>>) target(%arg6 : memref<128xi32, #tpu.memory_space<vmem>>) target_semaphore(%run_scoped3A : memref<!tpu.dma_semaphore, #tpu.memory_space<semaphore_mem>>)
          %dma_wait3A_123 = tpu.memref_slice %arg2[%add3A_82] : memref<323584xi32, #tpu.memory_space<hbm>> -> memref<128xi32, #tpu.memory_space<hbm>>
          %dma_wait3A_124 = tpu.memref_slice %arg2[%add3A_82] : memref<323584xi32, #tpu.memory_space<hbm>> -> memref<128xi32, #tpu.memory_space<hbm>>
          tpu.wait_dma2 semaphore(%run_scoped3A : memref<!tpu.dma_semaphore, #tpu.memory_space<semaphore_mem>>) src(%dma_wait3A_124 : memref<128xi32, #tpu.memory_space<hbm>>) dst(%arg6 : memref<128xi32, #tpu.memory_space<vmem>>)
          tpu.yield
        }) : () -> ()
        %dma_wait3A_83 = arith.constant 0 : i32
        %dma_wait3A_84 = arith.constant 0 : i32
        %dma_wait3A_85 = tpu.memref_slice %arg12[%dma_wait3A_83, %dma_wait3A_84] : memref<10240x128xf32, #tpu.memory_space<vmem_shared>> -> memref<10240x128xf32, #tpu.memory_space<vmem_shared>>
        tpu.wait_indirect_dma semaphore(%arg15 : memref<!tpu.dma_semaphore, #tpu.memory_space<semaphore_mem>>) src(%arg10 : memref<128x128xf32, #tpu.memory_space<vmem>>) dst(%dma_wait3A_85 : memref<10240x128xf32, #tpu.memory_space<vmem_shared>>)
        %add3A_86 = arith.constant 2 : i32
        %add3A_87 = arith.addi %add3A_71, %add3A_86 : i32
        %mul3A_88 = arith.constant 128 : i32
        %mul3A_89 = arith.muli %add3A_87, %mul3A_88 : i32
        %add3A_90 = arith.addi %mul3A_2, %mul3A_89 : i32
        "tpu.region"() ({
          %run_scoped3A = tpu.sem_alloc : memref<!tpu.dma_semaphore, #tpu.memory_space<semaphore_mem>>
          %dma_start3A_121 = tpu.memref_slice %arg3[%add3A_90] : memref<323584xi32, #tpu.memory_space<hbm>> -> memref<128xi32, #tpu.memory_space<hbm>>
          %dma_start3A_122 = tpu.memref_slice %arg3[%add3A_90] : memref<323584xi32, #tpu.memory_space<hbm>> -> memref<128xi32, #tpu.memory_space<hbm>>
          tpu.enqueue_dma source(%dma_start3A_122 : memref<128xi32, #tpu.memory_space<hbm>>) target(%arg8 : memref<128xi32, #tpu.memory_space<vmem>>) target_semaphore(%run_scoped3A : memref<!tpu.dma_semaphore, #tpu.memory_space<semaphore_mem>>)
          %dma_wait3A_123 = tpu.memref_slice %arg3[%add3A_90] : memref<323584xi32, #tpu.memory_space<hbm>> -> memref<128xi32, #tpu.memory_space<hbm>>
          %dma_wait3A_124 = tpu.memref_slice %arg3[%add3A_90] : memref<323584xi32, #tpu.memory_space<hbm>> -> memref<128xi32, #tpu.memory_space<hbm>>
          tpu.wait_dma2 semaphore(%run_scoped3A : memref<!tpu.dma_semaphore, #tpu.memory_space<semaphore_mem>>) src(%dma_wait3A_124 : memref<128xi32, #tpu.memory_space<hbm>>) dst(%arg8 : memref<128xi32, #tpu.memory_space<vmem>>)
          tpu.yield
        }) : () -> ()
        %dma_start3A_91 = arith.constant 0 : i32
        %dma_start3A_92 = arith.constant 0 : i32
        %dma_start3A_93 = tpu.memref_slice %arg4[%dma_start3A_91, %dma_start3A_92] : memref<10000x128xf32, #tpu.memory_space<hbm>> -> memref<10000x128xf32, #tpu.memory_space<hbm>>
        tpu.enqueue_indirect_dma source(%dma_start3A_93 : memref<10000x128xf32, #tpu.memory_space<hbm>>) target(%arg10 : memref<128x128xf32, #tpu.memory_space<vmem>>) offsets(%arg6 : memref<128xi32, #tpu.memory_space<vmem>>) semaphore(%arg13 : memref<!tpu.dma_semaphore, #tpu.memory_space<semaphore_mem>>)
        %mul3A_94 = arith.constant 2 : i32
        %mul3A_95 = arith.muli %mul3A_94, %scan3A_66 : i32
        %add3A_96 = arith.constant 1 : i32
        %add3A_97 = arith.addi %mul3A_95, %add3A_96 : i32
        %dma_wait3A_98 = arith.constant 0 : i32
        %dma_wait3A_99 = arith.constant 0 : i32
        %dma_wait3A_100 = tpu.memref_slice %arg4[%dma_wait3A_98, %dma_wait3A_99] : memref<10000x128xf32, #tpu.memory_space<hbm>> -> memref<10000x128xf32, #tpu.memory_space<hbm>>
        tpu.wait_indirect_dma semaphore(%arg14 : memref<!tpu.dma_semaphore, #tpu.memory_space<semaphore_mem>>) src(%dma_wait3A_100 : memref<10000x128xf32, #tpu.memory_space<hbm>>) dst(%arg11 : memref<128x128xf32, #tpu.memory_space<vmem>>)
        %dma_start3A_101 = arith.constant 0 : i32
        %dma_start3A_102 = arith.constant 0 : i32
        %dma_start3A_103 = tpu.memref_slice %arg12[%dma_start3A_101, %dma_start3A_102] : memref<10240x128xf32, #tpu.memory_space<vmem_shared>> -> memref<10240x128xf32, #tpu.memory_space<vmem_shared>>
        tpu.enqueue_indirect_dma source(%arg11 : memref<128x128xf32, #tpu.memory_space<vmem>>) target(%dma_start3A_103 : memref<10240x128xf32, #tpu.memory_space<vmem_shared>>) offsets(%arg9 : memref<128xi32, #tpu.memory_space<vmem>>) semaphore(%arg16 : memref<!tpu.dma_semaphore, #tpu.memory_space<semaphore_mem>>) {add = true}
        %add3A_104 = arith.constant 2 : i32
        %add3A_105 = arith.addi %add3A_97, %add3A_104 : i32
        %mul3A_106 = arith.constant 128 : i32
        %mul3A_107 = arith.muli %add3A_105, %mul3A_106 : i32
        %add3A_108 = arith.addi %mul3A_2, %mul3A_107 : i32
        "tpu.region"() ({
          %run_scoped3A = tpu.sem_alloc : memref<!tpu.dma_semaphore, #tpu.memory_space<semaphore_mem>>
          %dma_start3A_121 = tpu.memref_slice %arg2[%add3A_108] : memref<323584xi32, #tpu.memory_space<hbm>> -> memref<128xi32, #tpu.memory_space<hbm>>
          %dma_start3A_122 = tpu.memref_slice %arg2[%add3A_108] : memref<323584xi32, #tpu.memory_space<hbm>> -> memref<128xi32, #tpu.memory_space<hbm>>
          tpu.enqueue_dma source(%dma_start3A_122 : memref<128xi32, #tpu.memory_space<hbm>>) target(%arg7 : memref<128xi32, #tpu.memory_space<vmem>>) target_semaphore(%run_scoped3A : memref<!tpu.dma_semaphore, #tpu.memory_space<semaphore_mem>>)
          %dma_wait3A_123 = tpu.memref_slice %arg2[%add3A_108] : memref<323584xi32, #tpu.memory_space<hbm>> -> memref<128xi32, #tpu.memory_space<hbm>>
          %dma_wait3A_124 = tpu.memref_slice %arg2[%add3A_108] : memref<323584xi32, #tpu.memory_space<hbm>> -> memref<128xi32, #tpu.memory_space<hbm>>
          tpu.wait_dma2 semaphore(%run_scoped3A : memref<!tpu.dma_semaphore, #tpu.memory_space<semaphore_mem>>) src(%dma_wait3A_124 : memref<128xi32, #tpu.memory_space<hbm>>) dst(%arg7 : memref<128xi32, #tpu.memory_space<vmem>>)
          tpu.yield
        }) : () -> ()
        %dma_wait3A_109 = arith.constant 0 : i32
        %dma_wait3A_110 = arith.constant 0 : i32
        %dma_wait3A_111 = tpu.memref_slice %arg12[%dma_wait3A_109, %dma_wait3A_110] : memref<10240x128xf32, #tpu.memory_space<vmem_shared>> -> memref<10240x128xf32, #tpu.memory_space<vmem_shared>>
        tpu.wait_indirect_dma semaphore(%arg16 : memref<!tpu.dma_semaphore, #tpu.memory_space<semaphore_mem>>) src(%arg11 : memref<128x128xf32, #tpu.memory_space<vmem>>) dst(%dma_wait3A_111 : memref<10240x128xf32, #tpu.memory_space<vmem_shared>>)
        %add3A_112 = arith.constant 2 : i32
        %add3A_113 = arith.addi %add3A_97, %add3A_112 : i32
        %mul3A_114 = arith.constant 128 : i32
        %mul3A_115 = arith.muli %add3A_113, %mul3A_114 : i32
        %add3A_116 = arith.addi %mul3A_2, %mul3A_115 : i32
        "tpu.region"() ({
          %run_scoped3A = tpu.sem_alloc : memref<!tpu.dma_semaphore, #tpu.memory_space<semaphore_mem>>
          %dma_start3A_121 = tpu.memref_slice %arg3[%add3A_116] : memref<323584xi32, #tpu.memory_space<hbm>> -> memref<128xi32, #tpu.memory_space<hbm>>
          %dma_start3A_122 = tpu.memref_slice %arg3[%add3A_116] : memref<323584xi32, #tpu.memory_space<hbm>> -> memref<128xi32, #tpu.memory_space<hbm>>
          tpu.enqueue_dma source(%dma_start3A_122 : memref<128xi32, #tpu.memory_space<hbm>>) target(%arg9 : memref<128xi32, #tpu.memory_space<vmem>>) target_semaphore(%run_scoped3A : memref<!tpu.dma_semaphore, #tpu.memory_space<semaphore_mem>>)
          %dma_wait3A_123 = tpu.memref_slice %arg3[%add3A_116] : memref<323584xi32, #tpu.memory_space<hbm>> -> memref<128xi32, #tpu.memory_space<hbm>>
          %dma_wait3A_124 = tpu.memref_slice %arg3[%add3A_116] : memref<323584xi32, #tpu.memory_space<hbm>> -> memref<128xi32, #tpu.memory_space<hbm>>
          tpu.wait_dma2 semaphore(%run_scoped3A : memref<!tpu.dma_semaphore, #tpu.memory_space<semaphore_mem>>) src(%dma_wait3A_124 : memref<128xi32, #tpu.memory_space<hbm>>) dst(%arg9 : memref<128xi32, #tpu.memory_space<vmem>>)
          tpu.yield
        }) : () -> ()
        %dma_start3A_117 = arith.constant 0 : i32
        %dma_start3A_118 = arith.constant 0 : i32
        %dma_start3A_119 = tpu.memref_slice %arg4[%dma_start3A_117, %dma_start3A_118] : memref<10000x128xf32, #tpu.memory_space<hbm>> -> memref<10000x128xf32, #tpu.memory_space<hbm>>
        tpu.enqueue_indirect_dma source(%dma_start3A_119 : memref<10000x128xf32, #tpu.memory_space<hbm>>) target(%arg11 : memref<128x128xf32, #tpu.memory_space<vmem>>) offsets(%arg7 : memref<128xi32, #tpu.memory_space<vmem>>) semaphore(%arg14 : memref<!tpu.dma_semaphore, #tpu.memory_space<semaphore_mem>>)
        %scan3A_120 = arith.constant 0 : i32
        scf.yield %scan3A_120 : i32
      }
      %scan3A_43 = arith.constant 78 : i32
      %dma_wait3A = arith.constant 0 : i32
      %dma_wait3A_44 = arith.constant 0 : i32
      %dma_wait3A_45 = tpu.memref_slice %arg4[%dma_wait3A, %dma_wait3A_44] : memref<10000x128xf32, #tpu.memory_space<hbm>> -> memref<10000x128xf32, #tpu.memory_space<hbm>>
      tpu.wait_indirect_dma semaphore(%arg13 : memref<!tpu.dma_semaphore, #tpu.memory_space<semaphore_mem>>) src(%dma_wait3A_45 : memref<10000x128xf32, #tpu.memory_space<hbm>>) dst(%arg10 : memref<128x128xf32, #tpu.memory_space<vmem>>)
      %dma_start3A_46 = arith.constant 0 : i32
      %dma_start3A_47 = arith.constant 0 : i32
      %dma_start3A_48 = tpu.memref_slice %arg12[%dma_start3A_46, %dma_start3A_47] : memref<10240x128xf32, #tpu.memory_space<vmem_shared>> -> memref<10240x128xf32, #tpu.memory_space<vmem_shared>>
      tpu.enqueue_indirect_dma source(%arg10 : memref<128x128xf32, #tpu.memory_space<vmem>>) target(%dma_start3A_48 : memref<10240x128xf32, #tpu.memory_space<vmem_shared>>) offsets(%arg8 : memref<128xi32, #tpu.memory_space<vmem>>) semaphore(%arg15 : memref<!tpu.dma_semaphore, #tpu.memory_space<semaphore_mem>>) {add = true}
      %dma_wait3A_49 = arith.constant 0 : i32
      %dma_wait3A_50 = arith.constant 0 : i32
      %dma_wait3A_51 = tpu.memref_slice %arg12[%dma_wait3A_49, %dma_wait3A_50] : memref<10240x128xf32, #tpu.memory_space<vmem_shared>> -> memref<10240x128xf32, #tpu.memory_space<vmem_shared>>
      tpu.wait_indirect_dma semaphore(%arg15 : memref<!tpu.dma_semaphore, #tpu.memory_space<semaphore_mem>>) src(%arg10 : memref<128x128xf32, #tpu.memory_space<vmem>>) dst(%dma_wait3A_51 : memref<10240x128xf32, #tpu.memory_space<vmem_shared>>)
      %dma_wait3A_52 = arith.constant 0 : i32
      %dma_wait3A_53 = arith.constant 0 : i32
      %dma_wait3A_54 = tpu.memref_slice %arg4[%dma_wait3A_52, %dma_wait3A_53] : memref<10000x128xf32, #tpu.memory_space<hbm>> -> memref<10000x128xf32, #tpu.memory_space<hbm>>
      tpu.wait_indirect_dma semaphore(%arg14 : memref<!tpu.dma_semaphore, #tpu.memory_space<semaphore_mem>>) src(%dma_wait3A_54 : memref<10000x128xf32, #tpu.memory_space<hbm>>) dst(%arg11 : memref<128x128xf32, #tpu.memory_space<vmem>>)
      %dma_start3A_55 = arith.constant 0 : i32
      %dma_start3A_56 = arith.constant 0 : i32
      %dma_start3A_57 = tpu.memref_slice %arg12[%dma_start3A_55, %dma_start3A_56] : memref<10240x128xf32, #tpu.memory_space<vmem_shared>> -> memref<10240x128xf32, #tpu.memory_space<vmem_shared>>
      tpu.enqueue_indirect_dma source(%arg11 : memref<128x128xf32, #tpu.memory_space<vmem>>) target(%dma_start3A_57 : memref<10240x128xf32, #tpu.memory_space<vmem_shared>>) offsets(%arg9 : memref<128xi32, #tpu.memory_space<vmem>>) semaphore(%arg16 : memref<!tpu.dma_semaphore, #tpu.memory_space<semaphore_mem>>) {add = true}
      %dma_wait3A_58 = arith.constant 0 : i32
      %dma_wait3A_59 = arith.constant 0 : i32
      %dma_wait3A_60 = tpu.memref_slice %arg12[%dma_wait3A_58, %dma_wait3A_59] : memref<10240x128xf32, #tpu.memory_space<vmem_shared>> -> memref<10240x128xf32, #tpu.memory_space<vmem_shared>>
      tpu.wait_indirect_dma semaphore(%arg16 : memref<!tpu.dma_semaphore, #tpu.memory_space<semaphore_mem>>) src(%arg11 : memref<128x128xf32, #tpu.memory_space<vmem>>) dst(%dma_wait3A_60 : memref<10240x128xf32, #tpu.memory_space<vmem_shared>>)
      %barrier3A_61 = arith.constant 0 : index
      tpu.barrier barrier_id(%barrier3A_61)
      %mul3A_62 = arith.constant 640 : i32
      %mul3A_63 = arith.muli %arg1, %mul3A_62 : i32
      %mul3A_64 = arith.constant 640 : i32
      %mul3A_65 = arith.muli %arg1, %mul3A_64 : i32
      "tpu.region"() ({
        %run_scoped3A = tpu.sem_alloc : memref<!tpu.dma_semaphore, #tpu.memory_space<semaphore_mem>>
        %dma_start3A_66 = arith.constant 0 : i32
        %dma_start3A_67 = tpu.memref_slice %arg5[%mul3A_65, %dma_start3A_66] : memref<10240x128xf32, #tpu.memory_space<hbm>> -> memref<640x128xf32, #tpu.memory_space<hbm>>
        %dma_start3A_68 = arith.constant 0 : i32
        %dma_start3A_69 = tpu.memref_slice %arg12[%mul3A_63, %dma_start3A_68] : memref<10240x128xf32, #tpu.memory_space<vmem_shared>> -> memref<640x128xf32, #tpu.memory_space<vmem_shared>>
        tpu.enqueue_dma source(%dma_start3A_69 : memref<640x128xf32, #tpu.memory_space<vmem_shared>>) target(%dma_start3A_67 : memref<640x128xf32, #tpu.memory_space<hbm>>) target_semaphore(%run_scoped3A : memref<!tpu.dma_semaphore, #tpu.memory_space<semaphore_mem>>)
        %dma_wait3A_70 = arith.constant 0 : i32
        %dma_wait3A_71 = tpu.memref_slice %arg5[%mul3A_65, %dma_wait3A_70] : memref<10240x128xf32, #tpu.memory_space<hbm>> -> memref<640x128xf32, #tpu.memory_space<hbm>>
        %dma_wait3A_72 = arith.constant 0 : i32
        %dma_wait3A_73 = tpu.memref_slice %arg12[%mul3A_63, %dma_wait3A_72] : memref<10240x128xf32, #tpu.memory_space<vmem_shared>> -> memref<640x128xf32, #tpu.memory_space<vmem_shared>>
        tpu.wait_dma2 semaphore(%run_scoped3A : memref<!tpu.dma_semaphore, #tpu.memory_space<semaphore_mem>>) src(%dma_wait3A_73 : memref<640x128xf32, #tpu.memory_space<vmem_shared>>) dst(%dma_wait3A_71 : memref<640x128xf32, #tpu.memory_space<hbm>>)
        tpu.yield
      }) : () -> ()
    } else {
    }
    return
  }
}

module attributes {stable_mosaic.version = 14 : i64} {
  func.func @body(%arg0: memref<10000x128xf32, #tpu.memory_space<vmem>>, %arg1: memref<128xf32, #tpu.memory_space<vmem>>, %arg2: memref<128xf32, #tpu.memory_space<vmem>>, %arg3: memref<128x128xf32, #tpu.memory_space<vmem>>, %arg4: memref<20480xf32, #tpu.memory_space<vmem>>, %arg5: memref<10000x128xf32, #tpu.memory_space<vmem>>, %arg6: memref<10240x1xf32, #tpu.memory_space<vmem>>) attributes {dimension_semantics = [], scalar_prefetch = 0 : i64, scratch_operands = 0 : i64, tpu.core_type = #tpu.core_type<tc>} {
    %get3A = arith.constant 0 : index
    %get3A_0 = arith.constant 0 : index
    %get3A_1 = vector.load %arg0[%get3A, %get3A_0] : memref<10000x128xf32, #tpu.memory_space<vmem>>, vector<10000x128xf32>
    %reduce_sum3A = arith.constant dense<0.000000e+00> : vector<128xf32>
    %reduce_sum3A_2 = vector.multi_reduction <add>, %get3A_1, %reduce_sum3A [0] : vector<10000x128xf32> to vector<128xf32>
    %broadcast_in_dim3A = vector.shape_cast %reduce_sum3A_2 : vector<128xf32> to vector<1x128xf32>
    %div3A = arith.constant 1.000000e+04 : f32
    %div3A_3 = vector.broadcast %div3A : f32 to vector<1x128xf32>
    %div3A_4 = arith.divf %broadcast_in_dim3A, %div3A_3 : vector<1x128xf32>
    %sub3A = vector.broadcast %div3A_4 : vector<1x128xf32> to vector<10000x128xf32>
    %sub3A_5 = arith.subf %get3A_1, %sub3A : vector<10000x128xf32>
    %mul3A = arith.mulf %sub3A_5, %sub3A_5 : vector<10000x128xf32>
    %reduce_sum3A_6 = arith.constant dense<0.000000e+00> : vector<128xf32>
    %reduce_sum3A_7 = vector.multi_reduction <add>, %mul3A, %reduce_sum3A_6 [0] : vector<10000x128xf32> to vector<128xf32>
    %broadcast_in_dim3A_8 = vector.shape_cast %reduce_sum3A_7 : vector<128xf32> to vector<1x128xf32>
    %div3A_9 = arith.constant 1.000000e+04 : f32
    %div3A_10 = vector.broadcast %div3A_9 : f32 to vector<1x128xf32>
    %div3A_11 = arith.divf %broadcast_in_dim3A_8, %div3A_10 : vector<1x128xf32>
    %add3A = arith.constant 9.99999974E-6 : f32
    %add3A_12 = vector.broadcast %add3A : f32 to vector<1x128xf32>
    %add3A_13 = arith.addf %div3A_11, %add3A_12 : vector<1x128xf32>
    %rsqrt3A = math.rsqrt %add3A_13 : vector<1x128xf32>
    %mul3A_14 = vector.broadcast %rsqrt3A : vector<1x128xf32> to vector<10000x128xf32>
    %mul3A_15 = arith.mulf %sub3A_5, %mul3A_14 : vector<10000x128xf32>
    %get3A_16 = arith.constant 0 : index
    %get3A_17 = vector.load %arg1[%get3A_16] : memref<128xf32, #tpu.memory_space<vmem>>, vector<128xf32>
    %broadcast_in_dim3A_18 = vector.shape_cast %get3A_17 : vector<128xf32> to vector<1x128xf32>
    %mul3A_19 = vector.broadcast %broadcast_in_dim3A_18 : vector<1x128xf32> to vector<10000x128xf32>
    %mul3A_20 = arith.mulf %mul3A_15, %mul3A_19 : vector<10000x128xf32>
    %get3A_21 = arith.constant 0 : index
    %get3A_22 = vector.load %arg2[%get3A_21] : memref<128xf32, #tpu.memory_space<vmem>>, vector<128xf32>
    %broadcast_in_dim3A_23 = vector.shape_cast %get3A_22 : vector<128xf32> to vector<1x128xf32>
    %add3A_24 = vector.broadcast %broadcast_in_dim3A_23 : vector<1x128xf32> to vector<10000x128xf32>
    %add3A_25 = arith.addf %mul3A_20, %add3A_24 : vector<10000x128xf32>
    %get3A_26 = arith.constant 0 : index
    %get3A_27 = vector.load %arg4[%get3A_26] : memref<20480xf32, #tpu.memory_space<vmem>>, vector<10240xf32>
    %get3A_28 = arith.constant 10240 : index
    %get3A_29 = vector.load %arg4[%get3A_28] : memref<20480xf32, #tpu.memory_space<vmem>>, vector<10240xf32>
    %add3A_30 = arith.addf %get3A_27, %get3A_29 : vector<10240xf32>
    %reshape3A = vector.shape_cast %add3A_30 : vector<10240xf32> to vector<10240x1xf32>
    %add3A_31 = arith.constant 1.000000e+00 : f32
    %add3A_32 = vector.broadcast %add3A_31 : f32 to vector<10240x1xf32>
    %add3A_33 = arith.addf %reshape3A, %add3A_32 : vector<10240x1xf32>
    %rsqrt3A_34 = math.rsqrt %add3A_33 : vector<10240x1xf32>
    %swap3A = arith.constant 0 : index
    %swap3A_35 = arith.constant 0 : index
    %swap3A_36 = vector.load %arg6[%swap3A, %swap3A_35] : memref<10240x1xf32, #tpu.memory_space<vmem>>, vector<10240x1xf32>
    tpu.vector_store %arg6[%swap3A, %swap3A_35], %rsqrt3A_34 {strides = array<i32>} : memref<10240x1xf32, #tpu.memory_space<vmem>>, vector<10240x1xf32>,
    %get3A_37 = arith.constant 0 : index
    %get3A_38 = arith.constant 0 : index
    %get3A_39 = vector.load %arg3[%get3A_37, %get3A_38] : memref<128x128xf32, #tpu.memory_space<vmem>>, vector<128x128xf32>
    %dot_general3A = arith.constant dense<0.000000e+00> : vector<10000x128xf32>
    %dot_general3A_40 = tpu.matmul %add3A_25, %get3A_39, %dot_general3A {dimension_numbers = #tpu.dot_dimension_numbers<[1], [0], [0], [1], [0, 0, 1, 1], [], []>, transpose_lhs_hint = false} : vector<10000x128xf32>, vector<128x128xf32>, vector<10000x128xf32> -> vector<10000x128xf32>
    %slice3A = vector.extract_strided_slice %rsqrt3A_34 {offsets = [0, 0], sizes = [10000, 1], strides = [1, 1]} : vector<10240x1xf32> to vector<10000x1xf32>
    %mul3A_41 = vector.broadcast %slice3A : vector<10000x1xf32> to vector<10000x128xf32>
    %mul3A_42 = arith.mulf %dot_general3A_40, %mul3A_41 : vector<10000x128xf32>
    %swap3A_43 = arith.constant 0 : index
    %swap3A_44 = arith.constant 0 : index
    %swap3A_45 = vector.load %arg5[%swap3A_43, %swap3A_44] : memref<10000x128xf32, #tpu.memory_space<vmem>>, vector<10000x128xf32>
    tpu.vector_store %arg5[%swap3A_43, %swap3A_44], %mul3A_42 {strides = array<i32>} : memref<10000x128xf32, #tpu.memory_space<vmem>>, vector<10000x128xf32>,
    return
  }
}

module attributes {stable_mosaic.version = 14 : i64} {
  func.func @body(%arg0: memref<10240x128xf32, #tpu.memory_space<vmem>>, %arg1: memref<10000x128xf32, #tpu.memory_space<vmem>>, %arg2: memref<10240x1xf32, #tpu.memory_space<vmem>>, %arg3: memref<128xf32, #tpu.memory_space<vmem>>, %arg4: memref<128x128xf32, #tpu.memory_space<vmem>>, %arg5: memref<10000x128xf32, #tpu.memory_space<vmem>>) attributes {dimension_semantics = [], scalar_prefetch = 0 : i64, scratch_operands = 0 : i64, tpu.core_type = #tpu.core_type<tc>} {
    %get3A = arith.constant 0 : index
    %get3A_0 = arith.constant 0 : index
    %get3A_1 = vector.load %arg2[%get3A, %get3A_0] : memref<10240x1xf32, #tpu.memory_space<vmem>>, vector<10240x1xf32>
    %slice3A = vector.extract_strided_slice %get3A_1 {offsets = [0, 0], sizes = [10000, 1], strides = [1, 1]} : vector<10240x1xf32> to vector<10000x1xf32>
    %get3A_2 = arith.constant 0 : index
    %get3A_3 = arith.constant 0 : index
    %get3A_4 = vector.load %arg0[%get3A_2, %get3A_3] : memref<10240x128xf32, #tpu.memory_space<vmem>>, vector<10000x128xf32>
    %get3A_5 = arith.constant 0 : index
    %get3A_6 = arith.constant 0 : index
    %get3A_7 = vector.load %arg1[%get3A_5, %get3A_6] : memref<10000x128xf32, #tpu.memory_space<vmem>>, vector<10000x128xf32>
    %add3A = arith.addf %get3A_4, %get3A_7 : vector<10000x128xf32>
    %mul3A = vector.broadcast %slice3A : vector<10000x1xf32> to vector<10000x128xf32>
    %mul3A_8 = arith.mulf %add3A, %mul3A : vector<10000x128xf32>
    %get3A_9 = arith.constant 0 : index
    %get3A_10 = vector.load %arg3[%get3A_9] : memref<128xf32, #tpu.memory_space<vmem>>, vector<128xf32>
    %broadcast_in_dim3A = vector.shape_cast %get3A_10 : vector<128xf32> to vector<1x128xf32>
    %add3A_11 = vector.broadcast %broadcast_in_dim3A : vector<1x128xf32> to vector<10000x128xf32>
    %add3A_12 = arith.addf %mul3A_8, %add3A_11 : vector<10000x128xf32>
    %max3A = arith.constant 0.000000e+00 : f32
    %max3A_13 = vector.broadcast %max3A : f32 to vector<10000x128xf32>
    %max3A_14 = arith.maximumf %add3A_12, %max3A_13 : vector<10000x128xf32>
    %get3A_15 = arith.constant 0 : index
    %get3A_16 = arith.constant 0 : index
    %get3A_17 = vector.load %arg4[%get3A_15, %get3A_16] : memref<128x128xf32, #tpu.memory_space<vmem>>, vector<128x128xf32>
    %dot_general3A = arith.constant dense<0.000000e+00> : vector<10000x128xf32>
    %dot_general3A_18 = tpu.matmul %max3A_14, %get3A_17, %dot_general3A {dimension_numbers = #tpu.dot_dimension_numbers<[1], [0], [0], [1], [0, 0, 1, 1], [], []>, transpose_lhs_hint = false} : vector<10000x128xf32>, vector<128x128xf32>, vector<10000x128xf32> -> vector<10000x128xf32>
    %mul3A_19 = vector.broadcast %slice3A : vector<10000x1xf32> to vector<10000x128xf32>
    %mul3A_20 = arith.mulf %dot_general3A_18, %mul3A_19 : vector<10000x128xf32>
    %swap3A = arith.constant 0 : index
    %swap3A_21 = arith.constant 0 : index
    %swap3A_22 = vector.load %arg5[%swap3A, %swap3A_21] : memref<10000x128xf32, #tpu.memory_space<vmem>>, vector<10000x128xf32>
    tpu.vector_store %arg5[%swap3A, %swap3A_21], %mul3A_20 {strides = array<i32>} : memref<10000x128xf32, #tpu.memory_space<vmem>>, vector<10000x128xf32>,
    return
  }
}

module attributes {stable_mosaic.version = 14 : i64} {
  func.func @body(%arg0: memref<10240x128xf32, #tpu.memory_space<vmem>>, %arg1: memref<10000x128xf32, #tpu.memory_space<vmem>>, %arg2: memref<10240x1xf32, #tpu.memory_space<vmem>>, %arg3: memref<40xf32, #tpu.memory_space<vmem>>, %arg4: memref<10000x40xf32, #tpu.memory_space<vmem>>) attributes {dimension_semantics = [], scalar_prefetch = 0 : i64, scratch_operands = 0 : i64, tpu.core_type = #tpu.core_type<tc>} {
    %get3A = arith.constant 0 : index
    %get3A_0 = arith.constant 0 : index
    %get3A_1 = vector.load %arg2[%get3A, %get3A_0] : memref<10240x1xf32, #tpu.memory_space<vmem>>, vector<10240x1xf32>
    %slice3A = vector.extract_strided_slice %get3A_1 {offsets = [0, 0], sizes = [10000, 1], strides = [1, 1]} : vector<10240x1xf32> to vector<10000x1xf32>
    %get3A_2 = arith.constant 0 : index
    %get3A_3 = arith.constant 0 : index
    %get3A_4 = vector.load %arg0[%get3A_2, %get3A_3] : memref<10240x128xf32, #tpu.memory_space<vmem>>, vector<10000x128xf32>
    %get3A_5 = arith.constant 0 : index
    %get3A_6 = arith.constant 0 : index
    %get3A_7 = vector.load %arg1[%get3A_5, %get3A_6] : memref<10000x128xf32, #tpu.memory_space<vmem>>, vector<10000x128xf32>
    %add3A = arith.addf %get3A_4, %get3A_7 : vector<10000x128xf32>
    %mul3A = vector.broadcast %slice3A : vector<10000x1xf32> to vector<10000x128xf32>
    %mul3A_8 = arith.mulf %add3A, %mul3A : vector<10000x128xf32>
    %slice3A_9 = vector.extract_strided_slice %mul3A_8 {offsets = [0, 0], sizes = [10000, 40], strides = [1, 1]} : vector<10000x128xf32> to vector<10000x40xf32>
    %get3A_10 = arith.constant 0 : index
    %get3A_11 = vector.load %arg3[%get3A_10] : memref<40xf32, #tpu.memory_space<vmem>>, vector<40xf32>
    %broadcast_in_dim3A = vector.shape_cast %get3A_11 : vector<40xf32> to vector<1x40xf32>
    %add3A_12 = vector.broadcast %broadcast_in_dim3A : vector<1x40xf32> to vector<10000x40xf32>
    %add3A_13 = arith.addf %slice3A_9, %add3A_12 : vector<10000x40xf32>
    %reduce_max3A = arith.constant dense<0xFF800000> : vector<10000xf32>
    %reduce_max3A_14 = vector.multi_reduction <maximumf>, %add3A_13, %reduce_max3A [1] : vector<10000x40xf32> to vector<10000xf32>
    %broadcast_in_dim3A_15 = vector.shape_cast %reduce_max3A_14 : vector<10000xf32> to vector<10000x1xf32>
    %sub3A = vector.broadcast %broadcast_in_dim3A_15 : vector<10000x1xf32> to vector<10000x40xf32>
    %sub3A_16 = arith.subf %add3A_13, %sub3A : vector<10000x40xf32>
    %exp3A = math.exp %sub3A_16 : vector<10000x40xf32>
    %reduce_sum3A = arith.constant dense<0.000000e+00> : vector<10000xf32>
    %reduce_sum3A_17 = vector.multi_reduction <add>, %exp3A, %reduce_sum3A [1] : vector<10000x40xf32> to vector<10000xf32>
    %broadcast_in_dim3A_18 = vector.shape_cast %reduce_sum3A_17 : vector<10000xf32> to vector<10000x1xf32>
    %log3A = math.log %broadcast_in_dim3A_18 : vector<10000x1xf32>
    %add3A_19 = arith.addf %log3A, %broadcast_in_dim3A_15 : vector<10000x1xf32>
    %sub3A_20 = vector.broadcast %add3A_19 : vector<10000x1xf32> to vector<10000x40xf32>
    %sub3A_21 = arith.subf %add3A_13, %sub3A_20 : vector<10000x40xf32>
    %swap3A = arith.constant 0 : index
    %swap3A_22 = arith.constant 0 : index
    %swap3A_23 = vector.load %arg4[%swap3A, %swap3A_22] : memref<10000x40xf32, #tpu.memory_space<vmem>>, vector<10000x40xf32>
    tpu.vector_store %arg4[%swap3A, %swap3A_22], %sub3A_21 {strides = array<i32>} : memref<10000x40xf32, #tpu.memory_space<vmem>>, vector<10000x40xf32>,
    return
  }
}

</mosaic_0001>

<sc_bundles>
// kernel: kernel.11.cloned.1.call-start
scs
__scs_entry_jumppad:
0x0: {  	(pc) =	sbr.rel $0x88, $3  }
0x1: {  	(tag) =	ssettag $0x0;
	lr =	simm.s32 $0x1  }
0x2: {  	[smem:$0x3F99] =	sst lr;
	_ =	strace $0xD0000000  }
0x3: {  	_ = 	snop  }
0x4: {  	_ = 	snop  }
0x5: {  	_ = 	snop  }
0x6: {  	_ = 	snop  }
0x7: {  	_ = 	snop  }
__scs_overlays_trampoline_lowered:
0x8: {  	[smem:$0x3FA8] =	sst s0  }
0x9: {  	[smem:$0x3FA9] =	sst s1  }
0xa: {  	[smem:$0x3FAA] =	sst s2  }
0xb: {  	[smem:$0x3FAB] =	sst s3  }
0xc: {  	[smem:$0x3FAC] =	sst s4  }
0xd: {  	[smem:$0x3FAD] =	sst s5  }
0xe: {  	[smem:$0x3FAE] =	sst s6  }
0xf: {  	[smem:$0x3FAF] =	sst s7  }
0x10: {  	[smem:$0x3FB0] =	sst s8  }
0x11: {  	[smem:$0x3FB1] =	sst s9;
	s0 =	simm.s32 @!p0 $0x0  }
0x12: {  	s1 =	sld [smem:$0x3F97];
	s0 =	simm.s32 @p0 $0x1  }
0x13: {  	[smem:$0x3FB2] =	sst s0;
	s0 =	simm.s32 @!p1 $0x0  }
0x14: {  	s2 =	sld [smem:$0x3F96];
	s0 =	simm.s32 @p1 $0x1  }
0x15: {  	[smem:$0x3FB3] =	sst s0;
	s0 =	simm.s32 @!p2 $0x0  }
0x16: {  	s3 =	sld [smem:$0x3FDB];
	s0 =	simm.s32 @p2 $0x1  }
0x17: {  	s4 =	simm.s32 $0x1BF5;
	[smem:$0x3FB5] =	sst s0  }
0x18: {  	s0 =	sld [smem:$0x3F98];
	_ =	swait.ge [sflag:s4], $0x0  }
0x19: {  	s7 =	sld [smem:$0x3F99]  }
0x1a: {  	s8 =	sadd.s32 $0xFFFFE003, lr  }
0x1b: {  	s9 =	sadd.s32 $0xFFFFFEF7, lr;
	s5 =	simm.s32 $0xFFFFFFFF;
	p2 =	slt.u32 s8, $0xFFFFF086  }
0x1c: {  	p1 =	slt.u32 s9, $0xF7A;
	s5 =	simm.s32 @!p2 $0x0  }
0x1d: {  	s5 =	simm.s32 @p1 $0x1;
	p0 =	seq.s32 s7, s2  }
0x1e: {  	s7 =	smul.u32 @!p0 $0xF7A, s2;
	p2 =	seq.s32 @!p0 s5, $0x0  }
0x1f: {  	s9 =	smul.u32 $0xF7A, s1;
	s8 =	simm.s32 @!p0 $0x1BF5;
	p2 =	por !p2, p0  }
0x20: {  	[sflag:s8] =	ssyncset.s32 @!p0 $0xFFFFF086;
	s6 =	sadd.s32 @!p0 s3, s7;
	s7 =	simm.s32 @!p0 $0x108  }
0x21: {  	s3 =	sadd.s32 s3, s9;
	s6 =	sadd.s32 @!p0 $0x88, s6;
	s7 =	simm.s32 @p2 $0x1082  }
0x22: {  	[simem:s7], [sflag:s8] =	dma.local @!p0 [hbm:s6], $0xF7A  }
0x23: {  	s9 =	sor.u32 $0xD0000000, s2;
	s6 =	simm.s32 $0x108;
	_ =	swait.ge @!p0 [sflag:s8], $0x0  }
0x24: {  	s3 =	sadd.s32 $0x88, s3;
	s6 =	simm.s32 @!p1 $0x1082;
	[sflag:s4] =	ssyncset.s32 $0xFFFFF086  }
0x25: {  	[simem:s6], [sflag:s4] =	dma.local [hbm:s3], $0xF7A  }
0x26: {  	[smem:$0x3F99] =	sst s1;
	(tag) =	ssettag s2;
	_ =	strace s9  }
0x27: {  	s1 =	sld [smem:$0x3FA9]  }
0x28: {  	s2 =	sld [smem:$0x3FAA]  }
0x29: {  	s4 =	sld [smem:$0x3FAC]  }
0x2a: {  	p0 =	seq.s32 s5, $0x0;
	s5 =	sld [smem:$0x3FAD]  }
0x2b: {  	s6 =	sld [smem:$0x3FAE]  }
0x2c: {  	s7 =	sld [smem:$0x3FAF]  }
0x2d: {  	s3 =	simm.s32 $0x108;
	s8 =	sld [smem:$0x3FB0]  }
0x2e: {  	s3 =	simm.s32 @!p0 $0x1082;
	s9 =	sld [smem:$0x3FB1]  }
0x2f: {  	lr =	sadd.s32 s0, s3;
	s0 =	sld [smem:$0x3FA8]  }
0x30: {  	s3 =	sld [smem:$0x3FAB]  }
0x31: {  	[smem:$0x3FB4] =	sst s10  }
0x32: {  	s10 =	sld [smem:$0x3FB2];
	_ =	sdelay $0x3  }
0x33: {  	p0 =	seq.s32 s10, $0x1;
	s10 =	sld [smem:$0x3FB4];
	_ =	sdelay $0x3  }
0x34: {  	[smem:$0x3FB4] =	sst s10  }
0x35: {  	s10 =	sld [smem:$0x3FB3];
	_ =	sdelay $0x3  }
0x36: {  	p1 =	seq.s32 s10, $0x1;
	s10 =	sld [smem:$0x3FB4];
	_ =	sdelay $0x3  }
0x37: {  	[smem:$0x3FB4] =	sst s10  }
0x38: {  	s10 =	sld [smem:$0x3FB5]  }
0x39: {  	_ = 	snop;
	(pc) =	sbr.ind lr, $3  }
0x3a: {  	_ = 	snop  }
0x3b: {  	_ = 	snop  }
0x3c: {  	p2 =	seq.s32 s10, $0x1;
	s10 =	sld [smem:$0x3FB4]  }
0x3d: {  	_ =	shalt  }
0x3e: {  	_ =	shalt  }
0x3f: {  	_ =	shalt  }
0x40: {  	_ =	shalt  }
0x41: {  	_ =	shalt  }
0x42: {  	_ =	shalt  }
0x43: {  	_ =	shalt  }
0x44: {  	_ =	shalt  }
0x45: {  	_ =	shalt  }
0x46: {  	_ =	shalt  }
0x47: {  	_ =	shalt  }
0x48: {  	_ =	shalt  }
0x49: {  	_ =	shalt  }
0x4a: {  	_ =	shalt  }
0x4b: {  	_ =	shalt  }
0x4c: {  	_ =	shalt  }
0x4d: {  	_ =	shalt  }
0x4e: {  	_ =	shalt  }
0x4f: {  	_ =	shalt  }
0x50: {  	_ =	shalt  }
0x51: {  	_ =	shalt  }
0x52: {  	_ =	shalt  }
0x53: {  	_ =	shalt  }
0x54: {  	_ =	shalt  }
0x55: {  	_ =	shalt  }
0x56: {  	_ =	shalt  }
0x57: {  	_ =	shalt  }
0x58: {  	_ =	shalt  }
0x59: {  	_ =	shalt  }
0x5a: {  	_ =	shalt  }
0x5b: {  	_ =	shalt  }
0x5c: {  	_ =	shalt  }
0x5d: {  	_ =	shalt  }
0x5e: {  	_ =	shalt  }
0x5f: {  	_ =	shalt  }
0x60: {  	_ =	shalt  }
0x61: {  	_ =	shalt  }
0x62: {  	_ =	shalt  }
0x63: {  	_ =	shalt  }
0x64: {  	_ =	shalt  }
0x65: {  	_ =	shalt  }
0x66: {  	_ =	shalt  }
0x67: {  	_ =	shalt  }
0x68: {  	_ =	shalt  }
0x69: {  	_ =	shalt  }
0x6a: {  	_ =	shalt  }
0x6b: {  	_ =	shalt  }
0x6c: {  	_ =	shalt  }
0x6d: {  	_ =	shalt  }
0x6e: {  	_ =	shalt  }
0x6f: {  	_ =	shalt  }
0x70: {  	_ =	shalt  }
0x71: {  	_ =	shalt  }
0x72: {  	_ =	shalt  }
0x73: {  	_ =	shalt  }
0x74: {  	_ =	shalt  }
0x75: {  	_ =	shalt  }
0x76: {  	_ =	shalt  }
0x77: {  	_ =	shalt  }
0x78: {  	_ =	shalt  }
0x79: {  	_ =	shalt  }
0x7a: {  	_ =	shalt  }
0x7b: {  	_ =	shalt  }
0x7c: {  	_ =	shalt  }
0x7d: {  	_ =	shalt  }
0x7e: {  	_ =	shalt  }
0x7f: {  	_ =	shalt  }
0x80: {  	_ =	shalt  }
0x81: {  	_ =	shalt  }
0x82: {  	_ =	shalt  }
0x83: {  	_ =	shalt  }
0x84: {  	_ =	shalt  }
0x85: {  	_ =	shalt  }
0x86: {  	_ =	shalt  }
0x87: {  	_ =	shalt  }
.Lfunc_end0:
.L_simem_size_0:
called_computation.1_lowered:
.L_overlay_start_0:
0x88: {  	s2 =	sld [smem:$0x3FD9]  }
0x89: {  	s3 =	sld [smem:$0x3FFE];
	_ =	sdelay $0x1  }
0x8a: {  	s1 =	srdreg.scid  }
0x8b: {  	s0 =	sand.u32 $0x1, s1  }
0x8c: {  	s17 =	sshll.u32 s0, $0xA;
	s2 =	sadd.s32 s3, s2  }
0x8d: {  	s2 =	sadd.s32 s2, s17  }
0x8e: {  	[smem:$0x3FC0] =	sst s2  }
0x8f: {  	_ = 	snop  }
0x90: {  	s2 =	sld [smem:$0x3FD0];
	(tm) =	ssettm $0x1  }
0x91: {  	s18 =	sld [smem:$0x3FFB];
	_ =	sdelay $0x3  }
0x92: {  	_ =	strace s18  }
0x93: {  	s3 =	sld [smem:$0x3FFC];
	_ =	sdelay $0x3  }
0x94: {  	_ =	strace s3  }
0x95: {  	s3 =	sld [smem:$0x3FFD];
	_ =	sdelay $0x3  }
0x96: {  	_ =	strace s3  }
0x97: {  	_ =	strace $0x8FFFFFFF  }
0x98: {  	s19 =	sld [smem:$0x3FDB];
	_ =	sdelay $0x1  }
0x99: {  	s4 =	simm.s32 $_scs_section_size  }
0x9a: {  	s5 =	simm.s32 $_size__tile_overlayer_lowered;
	s6 =	simm.s32 $_tile_overlayer_lowered  }
0x9b: {  	s22 =	simm.s32 $0x1BFF;
	s21 =	sshll.u32 s6, $0x1;
	s3 =	sadd.s32 s4, s19  }
0x9c: {  	s7 =	simm.s32 $0x0;
	s20 =	sshll.u32 s5, $0x1;
	s5 =	sadd.s32 s21, s3  }
0x9d: {  	[timem:s7], [sflag:s22] =	dma.local [hbm:s5], s20  }
0x9e: {  	_ =	swait.ge [sflag:s22], s20  }
0x9f: {  	s4 =	ssub.s32 $0x0, s20;
	[sflag:s22] =	ssyncset.done $0x0  }
0xa0: {  	[sflag:s22] =	ssyncadd.s32 s4;
	_ =	sdelay $0x1  }
0xa1: {  	s23 =	simm.s32 $0x1B8B  }
0xa2: {  	_ =	swait.ge [sflag:s23], $0x1  }
0xa3: {  	[sflag:s23] =	ssyncset.done $0x0  }
0xa4: {  	s25 =	simm.s32 $0x1B8E;
	s24 =	sld [smem:$0x3FFE];
	[sflag:s23] =	ssyncadd.s32 $0xFFFFFFFF  }
0xa5: {  	s26 =	simm.s32 $execute0_lowered;
	[smem:$0x3FD2] =	sst s25  }
0xa6: {  	s5 =	sshll.u32 s26, $0x1;
	_ =	strace $0x80000049;
	[dreg:$0x1] =	wrdreg $0xFFFFFFFF  }
0xa7: {  	s28 =	simm.s32 $_size_execute0_lowered;
	s3 =	sadd.s32 s3, s5;
	[dreg:$0x0] =	wrdreg $0x0  }
0xa8: {  	s5 =	sshll.u32 s28, $0x1;
	[dreg:$0x2] =	wrdreg s3  }
0xa9: {  	[dreg:$0x3] =	wrdreg s5  }
0xaa: {  	[dreg:$0x4] =	wrdreg $0xC0  }
0xab: {  	_ =	task [dreg:s7], $0x5FFFF  }
0xac: {  	[dreg:$0x1] =	wrdreg $0xFFFFFFFF  }
0xad: {  	[dreg:$0x0] =	wrdreg $0x60  }
0xae: {  	[dreg:$0x2] =	wrdreg s2  }
0xaf: {  	[dreg:$0x3] =	wrdreg s24  }
0xb0: {  	[dreg:$0x4] =	wrdreg $0x82000  }
0xb1: {  	[dreg:$0x5] =	wrdreg $0x9  }
0xb2: {  	_ =	task.clear_ibuf [dreg:s7], $0x6FFFF;
	_ =	strace $0x90000049  }
0xb3: {  	s29 =	simm.s32 $0x9;
	_ =	strace $0x8000004B  }
0xb4: {  	_ =	swait.ge [sflag:s29], $0x1  }
0xb5: {  	[sflag:s29] =	ssyncadd.s32 $0xFFFFFFFF  }
0xb6: {  	_ =	strace $0x9000004B  }
0xb7: {  	_ =	sfence  }
0xb8: {  	s30 =	sld [smem:$0x0];
	_ =	sdelay $0x2  }
0xb9: {  	s31 =	sshll.u32 s1, $0xD;
	s1 =	sshrl.u32 s1, $0x2  }
0xba: {  	s3 =	sand.u32 $0x4000, s31;
	s1 =	sadd.s32 s1, s30  }
0xbb: {  	s0 =	sor.u32 s3, s0;
	s1 =	sshll.u32 s1, $0x11  }
0xbc: {  	s0 =	sor.u32 s1, s0  }
0xbd: {  	s0 =	sadd.s32 $0x8F2B, s0  }
0xbe: {  	[sflag:s0] =	ssyncadd.remote.s32 $0x1  }
0xbf: {  	_ =	sfence.sel $0xFFFF  }
0xc0: {  	[dreg:$0x0] =	wrdreg $0xFFFFFFFF;
	(pc) =	sbr.abs _section_cstart, $3  }
0xc1: {  	[dreg:$0x1] =	wrdreg $0xFFFFFFFF  }
0xc2: {  	_ =	task.clear_ibuf [dreg:s7], $0x2FFFF;
	_ =	strace $0x9FFFFFFF  }
0xc3: {  	(tm) =	ssettm $0x7FFFFFFF  }
tec
execute0_lowered:
.L_overlay_start_1:
0x0: {  	(tag) =	ssettag $0x1  }
0x1: {  	s1 =	srdreg.scid  }
0x2: {  	s1 =	sand.u32 $0x1, s1  }
0x3: {  	p0 =	seq.s32 s1, $0x1  }
.Ltmp0:
0x4: {  	s14 =	rddreg [dreg:$0x0];
	(pc) =	sbr.rel @p0 .LBB2_6-.Ltmp0, $4  }
0x5: {  	s4 =	rddreg [dreg:$0x1]  }
0x6: {  	s2 =	rddreg [dreg:$0x2];
	s3 =	simm.s32 $0x0  }
0x7: {  	[smem:$0x7FF] =	sst s3  }
0x8: {  	s0 =	rddreg [dreg:$0x3];
	_ =	strace $0x8000004A;
	s1 =	stileid.u32  }
0x9: {  	s3 =	smul.u32 $0x50000, s1  }
0xa: {  	s6 =	smul.u32 $0x2800, s1  }
0xb: {  	s7 =	smul.u32 $0x4F00, s1  }
0xc: {  	s16 =	sadd.s32 $0x2E00, s4;
	s5 =	sadd.s32 $0xCC00, s4;
	s3 =	sshrl.u32 s3, $0x2  }
0xd: {  	s30 =	sadd.s32 s6, s4;
	s31 =	sshrl.u32 s7, $0x3;
	s6 =	simm.s32 $0x0  }
0xe: {  	s3 =	sadd.s32 s3, s2;
	s9 =	sadd.s32 s14, s31;
	s7 =	sor.u32 $0x10, s31  }
0xf: {  	s10 =	sadd.s32 s16, s31;
	s4 =	sadd.s32 $0x33E00, s30;
	s17 =	sadd.s32 $0x4000, s3  }
0x10: {  	s15 =	sadd.s32 $0x8000, s3;
	s13 =	sadd.s32 $0xC000, s3;
	s8 =	sadd.s32 $0x10000, s3  }
0x11: {  	v0 =	vimm.f32 $0.0e+00;
	s11 =	sadd.s32 s14, s7;
	s12 =	sadd.s32 s16, s7;
	s7 =	simm.s32 $0x200  }
.LBB2_2:
0x12: {  	p0 =	sne.s32 s7, $0xFE00;
	[tilespmem:s6+$0x270] =	vst v0  }
0x13: {  	[tilespmem:s6+$0x200] =	vst v0  }
0x14: {  	[tilespmem:s6+$0x210] =	vst v0  }
.Ltmp1:
0x15: {  	[tilespmem:s6+$0x220] =	vst v0;
	(pc) =	sbr.rel @p0 .LBB2_2-.Ltmp1, $4  }
0x16: {  	[tilespmem:s6+$0x230] =	vst v0  }
0x17: {  	[tilespmem:s6+$0x240] =	vst v0  }
0x18: {  	[tilespmem:s6+$0x250] =	vst v0  }
0x19: {  	[tilespmem:s6+$0x260] =	vst v0;
	s6 =	sshra.s32 s7, $0x2;
	s7 =	sadd.s32 $0x200, s7  }
0x1a: {  	[tilespmem:s6+$0x270] =	vst v0  }
0x1b: {  	[tilespmem:s6+$0x200] =	vst v0  }
0x1c: {  	[tilespmem:s6+$0x210] =	vst v0  }
0x1d: {  	[tilespmem:s6+$0x220] =	vst v0  }
0x1e: {  	[tilespmem:s6+$0x230] =	vst v0  }
0x1f: {  	[tilespmem:s6+$0x240] =	vst v0  }
0x20: {  	[tilespmem:s6+$0x250] =	vst v0  }
0x21: {  	[tilespmem:s6+$0x260] =	vst v0;
	s6 =	simm.s32 $0x200;
	s7 =	simm.s32 $0x5  }
0x22: {  	[spmem:s3] =	stream.linear.scatter [tilespmem:s6], [sflag:$0x5], $0x4000, $0x38;
	[tilespmem:$0x1C200] =	vst v63  }
0x23: {  	_ =	swait.ge [sflag:s7], $0x4000  }
0x24: {  	[sflag:s7] =	ssyncset.done $0x0  }
0x25: {  	[sflag:s7] =	ssyncadd.s32 $0xFFFFC000  }
0x26: {  	[spmem:s17] =	stream.linear.scatter [tilespmem:s6], [sflag:$0x5], $0x4000, $0x38;
	[tilespmem:$0x1C200] =	vst v63  }
0x27: {  	_ =	swait.ge [sflag:s7], $0x4000  }
0x28: {  	[sflag:s7] =	ssyncset.done $0x0  }
0x29: {  	[sflag:s7] =	ssyncadd.s32 $0xFFFFC000  }
0x2a: {  	[spmem:s15] =	stream.linear.scatter [tilespmem:s6], [sflag:$0x5], $0x4000, $0x38;
	[tilespmem:$0x1C200] =	vst v63  }
0x2b: {  	_ =	swait.ge [sflag:s7], $0x4000  }
0x2c: {  	[sflag:s7] =	ssyncset.done $0x0  }
0x2d: {  	[sflag:s7] =	ssyncadd.s32 $0xFFFFC000  }
0x2e: {  	[spmem:s13] =	stream.linear.scatter [tilespmem:s6], [sflag:$0x5], $0x4000, $0x38;
	[tilespmem:$0x1C200] =	vst v63  }
0x2f: {  	_ =	swait.ge [sflag:s7], $0x4000  }
0x30: {  	[sflag:s7] =	ssyncset.done $0x0  }
0x31: {  	[sflag:s7] =	ssyncadd.s32 $0xFFFFC000  }
0x32: {  	[spmem:s8] =	stream.linear.scatter [tilespmem:s6], [sflag:$0x5], $0x4000, $0x38;
	[tilespmem:$0x1C200] =	vst v63  }
0x33: {  	_ =	swait.ge [sflag:s7], $0x4000  }
0x34: {  	[sflag:s7] =	ssyncset.done $0x0  }
0x35: {  	[sflag:s7] =	ssyncadd.s32 $0xFFFFC000  }
0x36: {  	s8 =	simm.s32 $0x0;
	[bflag:$0x0] =	sbarrier.arrive $0xFFFF  }
0x37: {  	[tilespmem:s8], [sflag:$0x5] =	stream.linear.gather [hbm4b:s9+s8], $0x80, $0x38;
	[tilespmem:$0x1C200] =	vst v63  }
0x38: {  	_ =	swait.ge [sflag:s7], $0x80  }
0x39: {  	[sflag:s7] =	ssyncset.done $0x0  }
0x3a: {  	s9 =	simm.s32 $0x100;
	[sflag:s7] =	ssyncadd.s32 $0xFFFFFF80  }
0x3b: {  	[tilespmem:s9], [sflag:$0x5] =	stream.linear.gather [hbm4b:s10+s8], $0x80, $0x38;
	[tilespmem:$0x1C200] =	vst v63  }
0x3c: {  	_ =	swait.ge [sflag:s7], $0x80  }
0x3d: {  	[sflag:s7] =	ssyncset.done $0x0  }
0x3e: {  	s10 =	simm.s32 $0x80;
	[sflag:s7] =	ssyncadd.s32 $0xFFFFFF80  }
0x3f: {  	[tilespmem:s6], [sflag:$0x1] =	stream.indirect.gather [hbm4b:s5+s10], $0x80, s8, s10, $0xb8;
	[tilespmem:$0x1C200] =	vst v63  }
0x40: {  	_ = 	snop  }
0x41: {  	[tilespmem:s10], [sflag:$0x5] =	stream.linear.gather [hbm4b:s11+s8], $0x80, $0x38;
	[tilespmem:$0x1C200] =	vst v63  }
0x42: {  	_ =	swait.ge [sflag:s7], $0x80  }
0x43: {  	[sflag:s7] =	ssyncset.done $0x0  }
0x44: {  	s11 =	simm.s32 $0x180;
	[sflag:s7] =	ssyncadd.s32 $0xFFFFFF80  }
0x45: {  	[tilespmem:s11], [sflag:$0x5] =	stream.linear.gather [hbm4b:s12+s8], $0x80, $0x38;
	[tilespmem:$0x1C200] =	vst v63  }
0x46: {  	_ =	swait.ge [sflag:s7], $0x80  }
0x47: {  	s29 =	smul.u32 $0x9E0, s1;
	[sflag:s7] =	ssyncset.done $0x0  }
0x48: {  	s13 =	simm.s32 $0x1;
	s12 =	simm.s32 $0x4200;
	[sflag:s7] =	ssyncadd.s32 $0xFFFFFF80  }
0x49: {  	[tilespmem:s12], [sflag:$0x2] =	stream.indirect.gather [hbm4b:s5+s10], $0x80, s10, s10, $0xb8;
	[tilespmem:$0x1C200] =	vst v63  }
0x4a: {  	_ =	swait.ge [sflag:s13], $0x4000  }
0x4b: {  	s14 =	sadd.s32 s29, s14;
	[sflag:s13] =	ssyncset.done $0x0  }
0x4c: {  	s18 =	sadd.s32 $0xFFFFF640, s14;
	[sflag:s13] =	ssyncadd.s32 $0xFFFFC000  }
0x4d: {  	[spmem:s2] =	stream.indirect.scatter.add.f32 [tilespmem:s6], [sflag:$0x3], $0x80, s9, s10, $0xb8;
	[tilespmem:$0x1C200] =	vst v63  }
0x4e: {  	s30 =	sadd.s32 $0x9E0, s18  }
0x4f: {  	[tilespmem:s8], [sflag:$0x5] =	stream.linear.gather [hbm4b:s30+s8], $0x80, $0x38;
	[tilespmem:$0x1C200] =	vst v63  }
0x50: {  	_ =	swait.ge [sflag:s7], $0x80  }
0x51: {  	[sflag:s7] =	ssyncset.done $0x0  }
0x52: {  	s15 =	simm.s32 $0x3;
	[sflag:s7] =	ssyncadd.s32 $0xFFFFFF80  }
0x53: {  	s16 =	sadd.s32 s29, s16;
	_ =	swait.ge [sflag:s15], $0x4000  }
0x54: {  	s19 =	sadd.s32 $0xFFFFF640, s16;
	[sflag:s15] =	ssyncset.done $0x0  }
0x55: {  	s31 =	sadd.s32 $0x9E0, s19;
	[sflag:s15] =	ssyncadd.s32 $0xFFFFC000  }
0x56: {  	[tilespmem:s9], [sflag:$0x5] =	stream.linear.gather [hbm4b:s31+s8], $0x80, $0x38;
	[tilespmem:$0x1C200] =	vst v63  }
0x57: {  	_ =	swait.ge [sflag:s7], $0x80  }
0x58: {  	[sflag:s7] =	ssyncset.done $0x0  }
0x59: {  	s17 =	simm.s32 $0x2;
	[sflag:s7] =	ssyncadd.s32 $0xFFFFFF80  }
0x5a: {  	[tilespmem:s6], [sflag:$0x1] =	stream.indirect.gather [hbm4b:s5+s10], $0x80, s8, s10, $0xb8;
	[tilespmem:$0x1C200] =	vst v63  }
0x5b: {  	_ =	swait.ge [sflag:s17], $0x4000  }
0x5c: {  	[sflag:s17] =	ssyncset.done $0x0  }
0x5d: {  	[sflag:s17] =	ssyncadd.s32 $0xFFFFC000  }
0x5e: {  	[spmem:s2] =	stream.indirect.scatter.add.f32 [tilespmem:s12], [sflag:$0x4], $0x80, s11, s10, $0xb8;
	[tilespmem:$0x1C200] =	vst v63  }
0x5f: {  	s18 =	sadd.s32 $0x9F0, s18  }
0x60: {  	[tilespmem:s10], [sflag:$0x5] =	stream.linear.gather [hbm4b:s18+s8], $0x80, $0x38;
	[tilespmem:$0x1C200] =	vst v63  }
0x61: {  	_ =	swait.ge [sflag:s7], $0x80  }
0x62: {  	[sflag:s7] =	ssyncset.done $0x0  }
0x63: {  	s18 =	simm.s32 $0x4;
	[sflag:s7] =	ssyncadd.s32 $0xFFFFFF80  }
0x64: {  	_ =	swait.ge [sflag:s18], $0x4000  }
0x65: {  	[sflag:s18] =	ssyncset.done $0x0  }
0x66: {  	s19 =	sadd.s32 $0x9F0, s19;
	[sflag:s18] =	ssyncadd.s32 $0xFFFFC000  }
0x67: {  	[tilespmem:s11], [sflag:$0x5] =	stream.linear.gather [hbm4b:s19+s8], $0x80, $0x38;
	[tilespmem:$0x1C200] =	vst v63  }
0x68: {  	_ =	swait.ge [sflag:s7], $0x80  }
0x69: {  	[sflag:s7] =	ssyncset.done $0x0  }
0x6a: {  	s19 =	simm.s32 $0xFFFFF660;
	[sflag:s7] =	ssyncadd.s32 $0xFFFFFF80  }
.LBB2_4:
0x6b: {  	[tilespmem:s12], [sflag:$0x2] =	stream.indirect.gather [hbm4b:s5+s10], $0x80, s10, s10, $0xb8;
	[tilespmem:$0x1C200] =	vst v63  }
0x6c: {  	s20 =	smov.u32 s19  }
0x6d: {  	p0 =	sne.s32 s19, $0xFFFFFFE0;
	s19 =	sadd.s32 $0x20, s19;
	_ =	swait.ge [sflag:s13], $0x4000  }
0x6e: {  	[sflag:s13] =	ssyncset.done $0x0  }
0x6f: {  	s21 =	sadd.s32 s20, s14;
	[sflag:s13] =	ssyncadd.s32 $0xFFFFC000  }
0x70: {  	[spmem:s2] =	stream.indirect.scatter.add.f32 [tilespmem:s6], [sflag:$0x3], $0x80, s9, s10, $0xb8;
	[tilespmem:$0x1C200] =	vst v63  }
0x71: {  	s22 =	sadd.s32 $0x9E0, s21  }
0x72: {  	[tilespmem:s8], [sflag:$0x5] =	stream.linear.gather [hbm4b:s22+s8], $0x80, $0x38;
	[tilespmem:$0x1C200] =	vst v63  }
0x73: {  	_ =	swait.ge [sflag:s7], $0x80  }
0x74: {  	[sflag:s7] =	ssyncset.done $0x0  }
0x75: {  	[sflag:s7] =	ssyncadd.s32 $0xFFFFFF80  }
0x76: {  	_ =	swait.ge [sflag:s15], $0x4000  }
0x77: {  	s20 =	sadd.s32 s20, s16;
	[sflag:s15] =	ssyncset.done $0x0  }
0x78: {  	s22 =	sadd.s32 $0x9E0, s20;
	[sflag:s15] =	ssyncadd.s32 $0xFFFFC000  }
0x79: {  	[tilespmem:s9], [sflag:$0x5] =	stream.linear.gather [hbm4b:s22+s8], $0x80, $0x38;
	[tilespmem:$0x1C200] =	vst v63  }
0x7a: {  	_ =	swait.ge [sflag:s7], $0x80  }
0x7b: {  	[sflag:s7] =	ssyncset.done $0x0  }
0x7c: {  	[sflag:s7] =	ssyncadd.s32 $0xFFFFFF80  }
0x7d: {  	[tilespmem:s6], [sflag:$0x1] =	stream.indirect.gather [hbm4b:s5+s10], $0x80, s8, s10, $0xb8;
	[tilespmem:$0x1C200] =	vst v63  }
0x7e: {  	_ =	swait.ge [sflag:s17], $0x4000  }
0x7f: {  	[sflag:s17] =	ssyncset.done $0x0  }
0x80: {  	[sflag:s17] =	ssyncadd.s32 $0xFFFFC000  }
0x81: {  	[spmem:s2] =	stream.indirect.scatter.add.f32 [tilespmem:s12], [sflag:$0x4], $0x80, s11, s10, $0xb8;
	[tilespmem:$0x1C200] =	vst v63  }
0x82: {  	s21 =	sadd.s32 $0x9F0, s21  }
0x83: {  	[tilespmem:s10], [sflag:$0x5] =	stream.linear.gather [hbm4b:s21+s8], $0x80, $0x38;
	[tilespmem:$0x1C200] =	vst v63  }
0x84: {  	_ =	swait.ge [sflag:s7], $0x80  }
0x85: {  	[sflag:s7] =	ssyncset.done $0x0  }
0x86: {  	[sflag:s7] =	ssyncadd.s32 $0xFFFFFF80  }
0x87: {  	_ =	swait.ge [sflag:s18], $0x4000  }
0x88: {  	[sflag:s18] =	ssyncset.done $0x0  }
.Ltmp2:
0x89: {  	s20 =	sadd.s32 $0x9F0, s20;
	[sflag:s18] =	ssyncadd.s32 $0xFFFFC000;
	(pc) =	sbr.rel @p0 .LBB2_4-.Ltmp2, $4  }
0x8a: {  	[tilespmem:s11], [sflag:$0x5] =	stream.linear.gather [hbm4b:s20+s8], $0x80, $0x38;
	[tilespmem:$0x1C200] =	vst v63  }
0x8b: {  	_ =	swait.ge [sflag:s7], $0x80  }
0x8c: {  	[sflag:s7] =	ssyncset.done $0x0  }
0x8d: {  	[sflag:s7] =	ssyncadd.s32 $0xFFFFFF80  }
0x8e: {  	[tilespmem:s12], [sflag:$0x2] =	stream.indirect.gather [hbm4b:s5+s10], $0x80, s10, s10, $0xb8;
	[tilespmem:$0x1C200] =	vst v63  }
0x8f: {  	s22 =	simm.s32 $0x1  }
0x90: {  	_ =	swait.ge [sflag:s22], $0x4000  }
0x91: {  	s23 =	simm.s32 $0x80;
	s6 =	simm.s32 $0x100;
	[sflag:s22] =	ssyncset.done $0x0  }
0x92: {  	s7 =	simm.s32 $0x200;
	s24 =	simm.s32 $0x3;
	[sflag:s22] =	ssyncadd.s32 $0xFFFFC000  }
0x93: {  	[spmem:s2] =	stream.indirect.scatter.add.f32 [tilespmem:s7], [sflag:$0x3], $0x80, s6, s23, $0xb8;
	[tilespmem:$0x1C200] =	vst v63  }
0x94: {  	_ =	swait.ge [sflag:s24], $0x4000  }
0x95: {  	[sflag:s24] =	ssyncset.done $0x0  }
0x96: {  	s25 =	simm.s32 $0x2;
	[sflag:s24] =	ssyncadd.s32 $0xFFFFC000  }
0x97: {  	_ =	swait.ge [sflag:s25], $0x4000  }
0x98: {  	s26 =	simm.s32 $0x180;
	[sflag:s25] =	ssyncset.done $0x0  }
0x99: {  	s28 =	simm.s32 $0x4200;
	s29 =	simm.s32 $0x4;
	[sflag:s25] =	ssyncadd.s32 $0xFFFFC000  }
0x9a: {  	[spmem:s2] =	stream.indirect.scatter.add.f32 [tilespmem:s28], [sflag:$0x4], $0x80, s26, s23, $0xb8;
	[tilespmem:$0x1C200] =	vst v63  }
0x9b: {  	_ =	swait.ge [sflag:s29], $0x4000  }
0x9c: {  	[sflag:s29] =	ssyncset.done $0x0  }
0x9d: {  	s30 =	sshll.u32 s1, $0x6;
	s3 =	sshrl.u32 s3, $0x3;
	[sflag:s29] =	ssyncadd.s32 $0xFFFFC000  }
0x9e: {  	s31 =	simm.s32 $0x5;
	s2 =	sor.u32 $0x1C05, s30;
	[bflag:$0x0] =	sbarrier.arrive $0xFFFF  }
0x9f: {  	[hbm:s4], [sflag:s2] =	dma.local [spmem:s3], $0x2800  }
0xa0: {  	_ =	swait.ge [sflag:s31], $0x2800  }
0xa1: {  	[sflag:s31] =	ssyncset.done $0x0  }
0xa2: {  	[sflag:s31] =	ssyncadd.s32 $0xFFFFD800  }
.LBB2_6:
0xa3: {  	_ =	sfence.sel $0x180000  }
0xa4: {  	[bflag:$0x0] =	sbarrier.arrive $0xFFFF  }
0xa5: {  	p0 =	sne.s32 s1, $0x0;
	_ =	strace $0x9000004A  }
0xa6: {  	s0 =	sadd.s32 @!p0 $0x100000, s0;
	[bflag:$0x2] =	sbarrier.arrive $0xFFFF  }
0xa7: {  	[sflag:s0] =	ssyncadd.tile.s32 @!p0 $0x1;
	_ =	shalt  }
.Lfunc_end2:
_tile_overlayer_lowered:
.L_overlay_start_2:
0xa8: {  	(tag) =	ssettag $0x2  }
0xa9: {  	s0 =	rddreg [dreg:$0x0];
	s2 =	stileid.u32  }
0xaa: {  	s1 =	rddreg [dreg:$0x1];
	p0 =	sne.s32 s2, $0x0  }
0xab: {  	s3 =	rddreg [dreg:$0x2];
	[bflag:$0x3] =	sbarrier.arrive $0xFFFF;
	s2 =	simm.s32 @!p0 $0x1C05  }
0xac: {  	[timem:s3], [sflag:s2] =	dma.local @!p0 [hbm:s0], s1  }
0xad: {  	s0 =	simm.s32 @!p0 $0x5  }
0xae: {  	_ =	swait.ge @!p0 [sflag:s0], s1  }
0xaf: {  	s1 =	ssub.s32 @!p0 $0x0, s1;
	[sflag:s0] =	ssyncset.done @!p0 $0x0  }
0xb0: {  	[sflag:s0] =	ssyncadd.s32 @!p0 s1  }
0xb1: {  	[bflag:$0x3] =	sbarrier.arrive $0xFFFF  }
0xb2: {  	_ =	shalt  }

// kernel: kernel.14.cloned.1.call-start
scs
__scs_entry_jumppad:
0x0: {  	(pc) =	sbr.rel $0x88, $3  }
0x1: {  	(tag) =	ssettag $0x0;
	lr =	simm.s32 $0x1  }
0x2: {  	[smem:$0x3F99] =	sst lr;
	_ =	strace $0xD0000000  }
0x3: {  	_ = 	snop  }
0x4: {  	_ = 	snop  }
0x5: {  	_ = 	snop  }
0x6: {  	_ = 	snop  }
0x7: {  	_ = 	snop  }
__scs_overlays_trampoline_lowered:
0x8: {  	[smem:$0x3FA8] =	sst s0  }
0x9: {  	[smem:$0x3FA9] =	sst s1  }
0xa: {  	[smem:$0x3FAA] =	sst s2  }
0xb: {  	[smem:$0x3FAB] =	sst s3  }
0xc: {  	[smem:$0x3FAC] =	sst s4  }
0xd: {  	[smem:$0x3FAD] =	sst s5  }
0xe: {  	[smem:$0x3FAE] =	sst s6  }
0xf: {  	[smem:$0x3FAF] =	sst s7  }
0x10: {  	[smem:$0x3FB0] =	sst s8  }
0x11: {  	[smem:$0x3FB1] =	sst s9;
	s0 =	simm.s32 @!p0 $0x0  }
0x12: {  	s1 =	sld [smem:$0x3F97];
	s0 =	simm.s32 @p0 $0x1  }
0x13: {  	[smem:$0x3FB2] =	sst s0;
	s0 =	simm.s32 @!p1 $0x0  }
0x14: {  	s2 =	sld [smem:$0x3F96];
	s0 =	simm.s32 @p1 $0x1  }
0x15: {  	[smem:$0x3FB3] =	sst s0;
	s0 =	simm.s32 @!p2 $0x0  }
0x16: {  	s3 =	sld [smem:$0x3FDB];
	s0 =	simm.s32 @p2 $0x1  }
0x17: {  	s4 =	simm.s32 $0x1BF5;
	[smem:$0x3FB5] =	sst s0  }
0x18: {  	s0 =	sld [smem:$0x3F98];
	_ =	swait.ge [sflag:s4], $0x0  }
0x19: {  	s7 =	sld [smem:$0x3F99]  }
0x1a: {  	s8 =	sadd.s32 $0xFFFFE003, lr  }
0x1b: {  	s9 =	sadd.s32 $0xFFFFFEF7, lr;
	s5 =	simm.s32 $0xFFFFFFFF;
	p2 =	slt.u32 s8, $0xFFFFF086  }
0x1c: {  	p1 =	slt.u32 s9, $0xF7A;
	s5 =	simm.s32 @!p2 $0x0  }
0x1d: {  	s5 =	simm.s32 @p1 $0x1;
	p0 =	seq.s32 s7, s2  }
0x1e: {  	s7 =	smul.u32 @!p0 $0xF7A, s2;
	p2 =	seq.s32 @!p0 s5, $0x0  }
0x1f: {  	s9 =	smul.u32 $0xF7A, s1;
	s8 =	simm.s32 @!p0 $0x1BF5;
	p2 =	por !p2, p0  }
0x20: {  	[sflag:s8] =	ssyncset.s32 @!p0 $0xFFFFF086;
	s6 =	sadd.s32 @!p0 s3, s7;
	s7 =	simm.s32 @!p0 $0x108  }
0x21: {  	s3 =	sadd.s32 s3, s9;
	s6 =	sadd.s32 @!p0 $0x88, s6;
	s7 =	simm.s32 @p2 $0x1082  }
0x22: {  	[simem:s7], [sflag:s8] =	dma.local @!p0 [hbm:s6], $0xF7A  }
0x23: {  	s9 =	sor.u32 $0xD0000000, s2;
	s6 =	simm.s32 $0x108;
	_ =	swait.ge @!p0 [sflag:s8], $0x0  }
0x24: {  	s3 =	sadd.s32 $0x88, s3;
	s6 =	simm.s32 @!p1 $0x1082;
	[sflag:s4] =	ssyncset.s32 $0xFFFFF086  }
0x25: {  	[simem:s6], [sflag:s4] =	dma.local [hbm:s3], $0xF7A  }
0x26: {  	[smem:$0x3F99] =	sst s1;
	(tag) =	ssettag s2;
	_ =	strace s9  }
0x27: {  	s1 =	sld [smem:$0x3FA9]  }
0x28: {  	s2 =	sld [smem:$0x3FAA]  }
0x29: {  	s4 =	sld [smem:$0x3FAC]  }
0x2a: {  	p0 =	seq.s32 s5, $0x0;
	s5 =	sld [smem:$0x3FAD]  }
0x2b: {  	s6 =	sld [smem:$0x3FAE]  }
0x2c: {  	s7 =	sld [smem:$0x3FAF]  }
0x2d: {  	s3 =	simm.s32 $0x108;
	s8 =	sld [smem:$0x3FB0]  }
0x2e: {  	s3 =	simm.s32 @!p0 $0x1082;
	s9 =	sld [smem:$0x3FB1]  }
0x2f: {  	lr =	sadd.s32 s0, s3;
	s0 =	sld [smem:$0x3FA8]  }
0x30: {  	s3 =	sld [smem:$0x3FAB]  }
0x31: {  	[smem:$0x3FB4] =	sst s10  }
0x32: {  	s10 =	sld [smem:$0x3FB2];
	_ =	sdelay $0x3  }
0x33: {  	p0 =	seq.s32 s10, $0x1;
	s10 =	sld [smem:$0x3FB4];
	_ =	sdelay $0x3  }
0x34: {  	[smem:$0x3FB4] =	sst s10  }
0x35: {  	s10 =	sld [smem:$0x3FB3];
	_ =	sdelay $0x3  }
0x36: {  	p1 =	seq.s32 s10, $0x1;
	s10 =	sld [smem:$0x3FB4];
	_ =	sdelay $0x3  }
0x37: {  	[smem:$0x3FB4] =	sst s10  }
0x38: {  	s10 =	sld [smem:$0x3FB5]  }
0x39: {  	_ = 	snop;
	(pc) =	sbr.ind lr, $3  }
0x3a: {  	_ = 	snop  }
0x3b: {  	_ = 	snop  }
0x3c: {  	p2 =	seq.s32 s10, $0x1;
	s10 =	sld [smem:$0x3FB4]  }
0x3d: {  	_ =	shalt  }
0x3e: {  	_ =	shalt  }
0x3f: {  	_ =	shalt  }
0x40: {  	_ =	shalt  }
0x41: {  	_ =	shalt  }
0x42: {  	_ =	shalt  }
0x43: {  	_ =	shalt  }
0x44: {  	_ =	shalt  }
0x45: {  	_ =	shalt  }
0x46: {  	_ =	shalt  }
0x47: {  	_ =	shalt  }
0x48: {  	_ =	shalt  }
0x49: {  	_ =	shalt  }
0x4a: {  	_ =	shalt  }
0x4b: {  	_ =	shalt  }
0x4c: {  	_ =	shalt  }
0x4d: {  	_ =	shalt  }
0x4e: {  	_ =	shalt  }
0x4f: {  	_ =	shalt  }
0x50: {  	_ =	shalt  }
0x51: {  	_ =	shalt  }
0x52: {  	_ =	shalt  }
0x53: {  	_ =	shalt  }
0x54: {  	_ =	shalt  }
0x55: {  	_ =	shalt  }
0x56: {  	_ =	shalt  }
0x57: {  	_ =	shalt  }
0x58: {  	_ =	shalt  }
0x59: {  	_ =	shalt  }
0x5a: {  	_ =	shalt  }
0x5b: {  	_ =	shalt  }
0x5c: {  	_ =	shalt  }
0x5d: {  	_ =	shalt  }
0x5e: {  	_ =	shalt  }
0x5f: {  	_ =	shalt  }
0x60: {  	_ =	shalt  }
0x61: {  	_ =	shalt  }
0x62: {  	_ =	shalt  }
0x63: {  	_ =	shalt  }
0x64: {  	_ =	shalt  }
0x65: {  	_ =	shalt  }
0x66: {  	_ =	shalt  }
0x67: {  	_ =	shalt  }
0x68: {  	_ =	shalt  }
0x69: {  	_ =	shalt  }
0x6a: {  	_ =	shalt  }
0x6b: {  	_ =	shalt  }
0x6c: {  	_ =	shalt  }
0x6d: {  	_ =	shalt  }
0x6e: {  	_ =	shalt  }
0x6f: {  	_ =	shalt  }
0x70: {  	_ =	shalt  }
0x71: {  	_ =	shalt  }
0x72: {  	_ =	shalt  }
0x73: {  	_ =	shalt  }
0x74: {  	_ =	shalt  }
0x75: {  	_ =	shalt  }
0x76: {  	_ =	shalt  }
0x77: {  	_ =	shalt  }
0x78: {  	_ =	shalt  }
0x79: {  	_ =	shalt  }
0x7a: {  	_ =	shalt  }
0x7b: {  	_ =	shalt  }
0x7c: {  	_ =	shalt  }
0x7d: {  	_ =	shalt  }
0x7e: {  	_ =	shalt  }
0x7f: {  	_ =	shalt  }
0x80: {  	_ =	shalt  }
0x81: {  	_ =	shalt  }
0x82: {  	_ =	shalt  }
0x83: {  	_ =	shalt  }
0x84: {  	_ =	shalt  }
0x85: {  	_ =	shalt  }
0x86: {  	_ =	shalt  }
0x87: {  	_ =	shalt  }
.Lfunc_end0:
.L_simem_size_0:
called_computation.2_lowered:
.L_overlay_start_0:
0x88: {  	s2 =	sld [smem:$0x3FD9]  }
0x89: {  	s3 =	sld [smem:$0x3FFE];
	_ =	sdelay $0x1  }
0x8a: {  	s1 =	srdreg.scid  }
0x8b: {  	s0 =	sand.u32 $0x1, s1  }
0x8c: {  	s17 =	sshll.u32 s0, $0xA;
	s2 =	sadd.s32 s3, s2  }
0x8d: {  	s2 =	sadd.s32 s2, s17  }
0x8e: {  	[smem:$0x3FC0] =	sst s2  }
0x8f: {  	_ = 	snop  }
0x90: {  	s2 =	sld [smem:$0x3FD0];
	(tm) =	ssettm $0x1  }
0x91: {  	s18 =	sld [smem:$0x3FFB];
	_ =	sdelay $0x3  }
0x92: {  	_ =	strace s18  }
0x93: {  	s3 =	sld [smem:$0x3FFC];
	_ =	sdelay $0x3  }
0x94: {  	_ =	strace s3  }
0x95: {  	s3 =	sld [smem:$0x3FFD];
	_ =	sdelay $0x3  }
0x96: {  	_ =	strace s3  }
0x97: {  	_ =	strace $0x8FFFFFFF  }
0x98: {  	s19 =	sld [smem:$0x3FDB];
	_ =	sdelay $0x1  }
0x99: {  	s4 =	simm.s32 $_scs_section_size  }
0x9a: {  	s5 =	simm.s32 $_size__tile_overlayer_lowered;
	s6 =	simm.s32 $_tile_overlayer_lowered  }
0x9b: {  	s22 =	simm.s32 $0x1BFF;
	s21 =	sshll.u32 s6, $0x1;
	s3 =	sadd.s32 s4, s19  }
0x9c: {  	s7 =	simm.s32 $0x0;
	s20 =	sshll.u32 s5, $0x1;
	s5 =	sadd.s32 s21, s3  }
0x9d: {  	[timem:s7], [sflag:s22] =	dma.local [hbm:s5], s20  }
0x9e: {  	_ =	swait.ge [sflag:s22], s20  }
0x9f: {  	s4 =	ssub.s32 $0x0, s20;
	[sflag:s22] =	ssyncset.done $0x0  }
0xa0: {  	[sflag:s22] =	ssyncadd.s32 s4;
	_ =	sdelay $0x1  }
0xa1: {  	s23 =	simm.s32 $0x1B8B  }
0xa2: {  	_ =	swait.ge [sflag:s23], $0x1  }
0xa3: {  	[sflag:s23] =	ssyncset.done $0x0  }
0xa4: {  	s25 =	simm.s32 $0x1B8E;
	s24 =	sld [smem:$0x3FFE];
	[sflag:s23] =	ssyncadd.s32 $0xFFFFFFFF  }
0xa5: {  	s26 =	simm.s32 $execute0_lowered;
	[smem:$0x3FD2] =	sst s25  }
0xa6: {  	s5 =	sshll.u32 s26, $0x1;
	_ =	strace $0x8000004C;
	[dreg:$0x1] =	wrdreg $0xFFFFFFFF  }
0xa7: {  	s28 =	simm.s32 $_size_execute0_lowered;
	s3 =	sadd.s32 s3, s5;
	[dreg:$0x0] =	wrdreg $0x0  }
0xa8: {  	s5 =	sshll.u32 s28, $0x1;
	[dreg:$0x2] =	wrdreg s3  }
0xa9: {  	[dreg:$0x3] =	wrdreg s5  }
0xaa: {  	[dreg:$0x4] =	wrdreg $0xC0  }
0xab: {  	_ =	task [dreg:s7], $0x5FFFF  }
0xac: {  	[dreg:$0x1] =	wrdreg $0xFFFFFFFF  }
0xad: {  	[dreg:$0x0] =	wrdreg $0x60  }
0xae: {  	[dreg:$0x2] =	wrdreg s2  }
0xaf: {  	[dreg:$0x3] =	wrdreg s24  }
0xb0: {  	[dreg:$0x4] =	wrdreg $0x82000  }
0xb1: {  	[dreg:$0x5] =	wrdreg $0x9  }
0xb2: {  	_ =	task.clear_ibuf [dreg:s7], $0x6FFFF;
	_ =	strace $0x9000004C  }
0xb3: {  	s29 =	simm.s32 $0x9;
	_ =	strace $0x8000004E  }
0xb4: {  	_ =	swait.ge [sflag:s29], $0x1  }
0xb5: {  	[sflag:s29] =	ssyncadd.s32 $0xFFFFFFFF  }
0xb6: {  	_ =	strace $0x9000004E  }
0xb7: {  	_ =	sfence  }
0xb8: {  	s30 =	sld [smem:$0x0];
	_ =	sdelay $0x2  }
0xb9: {  	s31 =	sshll.u32 s1, $0xD;
	s1 =	sshrl.u32 s1, $0x2  }
0xba: {  	s3 =	sand.u32 $0x4000, s31;
	s1 =	sadd.s32 s1, s30  }
0xbb: {  	s0 =	sor.u32 s3, s0;
	s1 =	sshll.u32 s1, $0x11  }
0xbc: {  	s0 =	sor.u32 s1, s0  }
0xbd: {  	s0 =	sadd.s32 $0x8F2B, s0  }
0xbe: {  	[sflag:s0] =	ssyncadd.remote.s32 $0x1  }
0xbf: {  	_ =	sfence.sel $0xFFFF  }
0xc0: {  	[dreg:$0x0] =	wrdreg $0xFFFFFFFF;
	(pc) =	sbr.abs _section_cstart, $3  }
0xc1: {  	[dreg:$0x1] =	wrdreg $0xFFFFFFFF  }
0xc2: {  	_ =	task.clear_ibuf [dreg:s7], $0x2FFFF;
	_ =	strace $0x9FFFFFFF  }
0xc3: {  	(tm) =	ssettm $0x7FFFFFFF  }
tec
execute0_lowered:
.L_overlay_start_1:
0x0: {  	(tag) =	ssettag $0x1  }
0x1: {  	s1 =	srdreg.scid  }
0x2: {  	s1 =	sand.u32 $0x1, s1  }
0x3: {  	p0 =	seq.s32 s1, $0x1  }
.Ltmp0:
0x4: {  	s14 =	rddreg [dreg:$0x0];
	(pc) =	sbr.rel @p0 .LBB2_6-.Ltmp0, $4  }
0x5: {  	s4 =	rddreg [dreg:$0x1]  }
0x6: {  	s2 =	rddreg [dreg:$0x2];
	s3 =	simm.s32 $0x0  }
0x7: {  	[smem:$0x7FF] =	sst s3  }
0x8: {  	s0 =	rddreg [dreg:$0x3];
	_ =	strace $0x8000004D;
	s1 =	stileid.u32  }
0x9: {  	s3 =	smul.u32 $0x50000, s1  }
0xa: {  	s6 =	smul.u32 $0x2800, s1  }
0xb: {  	s7 =	smul.u32 $0x4F00, s1  }
0xc: {  	s16 =	sadd.s32 $0x2E00, s4;
	s5 =	sadd.s32 $0xCC00, s4;
	s3 =	sshrl.u32 s3, $0x2  }
0xd: {  	s30 =	sadd.s32 s6, s4;
	s31 =	sshrl.u32 s7, $0x3;
	s6 =	simm.s32 $0x0  }
0xe: {  	s3 =	sadd.s32 s3, s2;
	s9 =	sadd.s32 s14, s31;
	s7 =	sor.u32 $0x10, s31  }
0xf: {  	s10 =	sadd.s32 s16, s31;
	s4 =	sadd.s32 $0x33E00, s30;
	s17 =	sadd.s32 $0x4000, s3  }
0x10: {  	s15 =	sadd.s32 $0x8000, s3;
	s13 =	sadd.s32 $0xC000, s3;
	s8 =	sadd.s32 $0x10000, s3  }
0x11: {  	v0 =	vimm.f32 $0.0e+00;
	s11 =	sadd.s32 s14, s7;
	s12 =	sadd.s32 s16, s7;
	s7 =	simm.s32 $0x200  }
.LBB2_2:
0x12: {  	p0 =	sne.s32 s7, $0xFE00;
	[tilespmem:s6+$0x270] =	vst v0  }
0x13: {  	[tilespmem:s6+$0x200] =	vst v0  }
0x14: {  	[tilespmem:s6+$0x210] =	vst v0  }
.Ltmp1:
0x15: {  	[tilespmem:s6+$0x220] =	vst v0;
	(pc) =	sbr.rel @p0 .LBB2_2-.Ltmp1, $4  }
0x16: {  	[tilespmem:s6+$0x230] =	vst v0  }
0x17: {  	[tilespmem:s6+$0x240] =	vst v0  }
0x18: {  	[tilespmem:s6+$0x250] =	vst v0  }
0x19: {  	[tilespmem:s6+$0x260] =	vst v0;
	s6 =	sshra.s32 s7, $0x2;
	s7 =	sadd.s32 $0x200, s7  }
0x1a: {  	[tilespmem:s6+$0x270] =	vst v0  }
0x1b: {  	[tilespmem:s6+$0x200] =	vst v0  }
0x1c: {  	[tilespmem:s6+$0x210] =	vst v0  }
0x1d: {  	[tilespmem:s6+$0x220] =	vst v0  }
0x1e: {  	[tilespmem:s6+$0x230] =	vst v0  }
0x1f: {  	[tilespmem:s6+$0x240] =	vst v0  }
0x20: {  	[tilespmem:s6+$0x250] =	vst v0  }
0x21: {  	[tilespmem:s6+$0x260] =	vst v0;
	s6 =	simm.s32 $0x200;
	s7 =	simm.s32 $0x5  }
0x22: {  	[spmem:s3] =	stream.linear.scatter [tilespmem:s6], [sflag:$0x5], $0x4000, $0x38;
	[tilespmem:$0x1C200] =	vst v63  }
0x23: {  	_ =	swait.ge [sflag:s7], $0x4000  }
0x24: {  	[sflag:s7] =	ssyncset.done $0x0  }
0x25: {  	[sflag:s7] =	ssyncadd.s32 $0xFFFFC000  }
0x26: {  	[spmem:s17] =	stream.linear.scatter [tilespmem:s6], [sflag:$0x5], $0x4000, $0x38;
	[tilespmem:$0x1C200] =	vst v63  }
0x27: {  	_ =	swait.ge [sflag:s7], $0x4000  }
0x28: {  	[sflag:s7] =	ssyncset.done $0x0  }
0x29: {  	[sflag:s7] =	ssyncadd.s32 $0xFFFFC000  }
0x2a: {  	[spmem:s15] =	stream.linear.scatter [tilespmem:s6], [sflag:$0x5], $0x4000, $0x38;
	[tilespmem:$0x1C200] =	vst v63  }
0x2b: {  	_ =	swait.ge [sflag:s7], $0x4000  }
0x2c: {  	[sflag:s7] =	ssyncset.done $0x0  }
0x2d: {  	[sflag:s7] =	ssyncadd.s32 $0xFFFFC000  }
0x2e: {  	[spmem:s13] =	stream.linear.scatter [tilespmem:s6], [sflag:$0x5], $0x4000, $0x38;
	[tilespmem:$0x1C200] =	vst v63  }
0x2f: {  	_ =	swait.ge [sflag:s7], $0x4000  }
0x30: {  	[sflag:s7] =	ssyncset.done $0x0  }
0x31: {  	[sflag:s7] =	ssyncadd.s32 $0xFFFFC000  }
0x32: {  	[spmem:s8] =	stream.linear.scatter [tilespmem:s6], [sflag:$0x5], $0x4000, $0x38;
	[tilespmem:$0x1C200] =	vst v63  }
0x33: {  	_ =	swait.ge [sflag:s7], $0x4000  }
0x34: {  	[sflag:s7] =	ssyncset.done $0x0  }
0x35: {  	[sflag:s7] =	ssyncadd.s32 $0xFFFFC000  }
0x36: {  	s8 =	simm.s32 $0x0;
	[bflag:$0x0] =	sbarrier.arrive $0xFFFF  }
0x37: {  	[tilespmem:s8], [sflag:$0x5] =	stream.linear.gather [hbm4b:s9+s8], $0x80, $0x38;
	[tilespmem:$0x1C200] =	vst v63  }
0x38: {  	_ =	swait.ge [sflag:s7], $0x80  }
0x39: {  	[sflag:s7] =	ssyncset.done $0x0  }
0x3a: {  	s9 =	simm.s32 $0x100;
	[sflag:s7] =	ssyncadd.s32 $0xFFFFFF80  }
0x3b: {  	[tilespmem:s9], [sflag:$0x5] =	stream.linear.gather [hbm4b:s10+s8], $0x80, $0x38;
	[tilespmem:$0x1C200] =	vst v63  }
0x3c: {  	_ =	swait.ge [sflag:s7], $0x80  }
0x3d: {  	[sflag:s7] =	ssyncset.done $0x0  }
0x3e: {  	s10 =	simm.s32 $0x80;
	[sflag:s7] =	ssyncadd.s32 $0xFFFFFF80  }
0x3f: {  	[tilespmem:s6], [sflag:$0x1] =	stream.indirect.gather [hbm4b:s5+s10], $0x80, s8, s10, $0xb8;
	[tilespmem:$0x1C200] =	vst v63  }
0x40: {  	_ = 	snop  }
0x41: {  	[tilespmem:s10], [sflag:$0x5] =	stream.linear.gather [hbm4b:s11+s8], $0x80, $0x38;
	[tilespmem:$0x1C200] =	vst v63  }
0x42: {  	_ =	swait.ge [sflag:s7], $0x80  }
0x43: {  	[sflag:s7] =	ssyncset.done $0x0  }
0x44: {  	s11 =	simm.s32 $0x180;
	[sflag:s7] =	ssyncadd.s32 $0xFFFFFF80  }
0x45: {  	[tilespmem:s11], [sflag:$0x5] =	stream.linear.gather [hbm4b:s12+s8], $0x80, $0x38;
	[tilespmem:$0x1C200] =	vst v63  }
0x46: {  	_ =	swait.ge [sflag:s7], $0x80  }
0x47: {  	s29 =	smul.u32 $0x9E0, s1;
	[sflag:s7] =	ssyncset.done $0x0  }
0x48: {  	s13 =	simm.s32 $0x1;
	s12 =	simm.s32 $0x4200;
	[sflag:s7] =	ssyncadd.s32 $0xFFFFFF80  }
0x49: {  	[tilespmem:s12], [sflag:$0x2] =	stream.indirect.gather [hbm4b:s5+s10], $0x80, s10, s10, $0xb8;
	[tilespmem:$0x1C200] =	vst v63  }
0x4a: {  	_ =	swait.ge [sflag:s13], $0x4000  }
0x4b: {  	s14 =	sadd.s32 s29, s14;
	[sflag:s13] =	ssyncset.done $0x0  }
0x4c: {  	s18 =	sadd.s32 $0xFFFFF640, s14;
	[sflag:s13] =	ssyncadd.s32 $0xFFFFC000  }
0x4d: {  	[spmem:s2] =	stream.indirect.scatter.add.f32 [tilespmem:s6], [sflag:$0x3], $0x80, s9, s10, $0xb8;
	[tilespmem:$0x1C200] =	vst v63  }
0x4e: {  	s30 =	sadd.s32 $0x9E0, s18  }
0x4f: {  	[tilespmem:s8], [sflag:$0x5] =	stream.linear.gather [hbm4b:s30+s8], $0x80, $0x38;
	[tilespmem:$0x1C200] =	vst v63  }
0x50: {  	_ =	swait.ge [sflag:s7], $0x80  }
0x51: {  	[sflag:s7] =	ssyncset.done $0x0  }
0x52: {  	s15 =	simm.s32 $0x3;
	[sflag:s7] =	ssyncadd.s32 $0xFFFFFF80  }
0x53: {  	s16 =	sadd.s32 s29, s16;
	_ =	swait.ge [sflag:s15], $0x4000  }
0x54: {  	s19 =	sadd.s32 $0xFFFFF640, s16;
	[sflag:s15] =	ssyncset.done $0x0  }
0x55: {  	s31 =	sadd.s32 $0x9E0, s19;
	[sflag:s15] =	ssyncadd.s32 $0xFFFFC000  }
0x56: {  	[tilespmem:s9], [sflag:$0x5] =	stream.linear.gather [hbm4b:s31+s8], $0x80, $0x38;
	[tilespmem:$0x1C200] =	vst v63  }
0x57: {  	_ =	swait.ge [sflag:s7], $0x80  }
0x58: {  	[sflag:s7] =	ssyncset.done $0x0  }
0x59: {  	s17 =	simm.s32 $0x2;
	[sflag:s7] =	ssyncadd.s32 $0xFFFFFF80  }
0x5a: {  	[tilespmem:s6], [sflag:$0x1] =	stream.indirect.gather [hbm4b:s5+s10], $0x80, s8, s10, $0xb8;
	[tilespmem:$0x1C200] =	vst v63  }
0x5b: {  	_ =	swait.ge [sflag:s17], $0x4000  }
0x5c: {  	[sflag:s17] =	ssyncset.done $0x0  }
0x5d: {  	[sflag:s17] =	ssyncadd.s32 $0xFFFFC000  }
0x5e: {  	[spmem:s2] =	stream.indirect.scatter.add.f32 [tilespmem:s12], [sflag:$0x4], $0x80, s11, s10, $0xb8;
	[tilespmem:$0x1C200] =	vst v63  }
0x5f: {  	s18 =	sadd.s32 $0x9F0, s18  }
0x60: {  	[tilespmem:s10], [sflag:$0x5] =	stream.linear.gather [hbm4b:s18+s8], $0x80, $0x38;
	[tilespmem:$0x1C200] =	vst v63  }
0x61: {  	_ =	swait.ge [sflag:s7], $0x80  }
0x62: {  	[sflag:s7] =	ssyncset.done $0x0  }
0x63: {  	s18 =	simm.s32 $0x4;
	[sflag:s7] =	ssyncadd.s32 $0xFFFFFF80  }
0x64: {  	_ =	swait.ge [sflag:s18], $0x4000  }
0x65: {  	[sflag:s18] =	ssyncset.done $0x0  }
0x66: {  	s19 =	sadd.s32 $0x9F0, s19;
	[sflag:s18] =	ssyncadd.s32 $0xFFFFC000  }
0x67: {  	[tilespmem:s11], [sflag:$0x5] =	stream.linear.gather [hbm4b:s19+s8], $0x80, $0x38;
	[tilespmem:$0x1C200] =	vst v63  }
0x68: {  	_ =	swait.ge [sflag:s7], $0x80  }
0x69: {  	[sflag:s7] =	ssyncset.done $0x0  }
0x6a: {  	s19 =	simm.s32 $0xFFFFF660;
	[sflag:s7] =	ssyncadd.s32 $0xFFFFFF80  }
.LBB2_4:
0x6b: {  	[tilespmem:s12], [sflag:$0x2] =	stream.indirect.gather [hbm4b:s5+s10], $0x80, s10, s10, $0xb8;
	[tilespmem:$0x1C200] =	vst v63  }
0x6c: {  	s20 =	smov.u32 s19  }
0x6d: {  	p0 =	sne.s32 s19, $0xFFFFFFE0;
	s19 =	sadd.s32 $0x20, s19;
	_ =	swait.ge [sflag:s13], $0x4000  }
0x6e: {  	[sflag:s13] =	ssyncset.done $0x0  }
0x6f: {  	s21 =	sadd.s32 s20, s14;
	[sflag:s13] =	ssyncadd.s32 $0xFFFFC000  }
0x70: {  	[spmem:s2] =	stream.indirect.scatter.add.f32 [tilespmem:s6], [sflag:$0x3], $0x80, s9, s10, $0xb8;
	[tilespmem:$0x1C200] =	vst v63  }
0x71: {  	s22 =	sadd.s32 $0x9E0, s21  }
0x72: {  	[tilespmem:s8], [sflag:$0x5] =	stream.linear.gather [hbm4b:s22+s8], $0x80, $0x38;
	[tilespmem:$0x1C200] =	vst v63  }
0x73: {  	_ =	swait.ge [sflag:s7], $0x80  }
0x74: {  	[sflag:s7] =	ssyncset.done $0x0  }
0x75: {  	[sflag:s7] =	ssyncadd.s32 $0xFFFFFF80  }
0x76: {  	_ =	swait.ge [sflag:s15], $0x4000  }
0x77: {  	s20 =	sadd.s32 s20, s16;
	[sflag:s15] =	ssyncset.done $0x0  }
0x78: {  	s22 =	sadd.s32 $0x9E0, s20;
	[sflag:s15] =	ssyncadd.s32 $0xFFFFC000  }
0x79: {  	[tilespmem:s9], [sflag:$0x5] =	stream.linear.gather [hbm4b:s22+s8], $0x80, $0x38;
	[tilespmem:$0x1C200] =	vst v63  }
0x7a: {  	_ =	swait.ge [sflag:s7], $0x80  }
0x7b: {  	[sflag:s7] =	ssyncset.done $0x0  }
0x7c: {  	[sflag:s7] =	ssyncadd.s32 $0xFFFFFF80  }
0x7d: {  	[tilespmem:s6], [sflag:$0x1] =	stream.indirect.gather [hbm4b:s5+s10], $0x80, s8, s10, $0xb8;
	[tilespmem:$0x1C200] =	vst v63  }
0x7e: {  	_ =	swait.ge [sflag:s17], $0x4000  }
0x7f: {  	[sflag:s17] =	ssyncset.done $0x0  }
0x80: {  	[sflag:s17] =	ssyncadd.s32 $0xFFFFC000  }
0x81: {  	[spmem:s2] =	stream.indirect.scatter.add.f32 [tilespmem:s12], [sflag:$0x4], $0x80, s11, s10, $0xb8;
	[tilespmem:$0x1C200] =	vst v63  }
0x82: {  	s21 =	sadd.s32 $0x9F0, s21  }
0x83: {  	[tilespmem:s10], [sflag:$0x5] =	stream.linear.gather [hbm4b:s21+s8], $0x80, $0x38;
	[tilespmem:$0x1C200] =	vst v63  }
0x84: {  	_ =	swait.ge [sflag:s7], $0x80  }
0x85: {  	[sflag:s7] =	ssyncset.done $0x0  }
0x86: {  	[sflag:s7] =	ssyncadd.s32 $0xFFFFFF80  }
0x87: {  	_ =	swait.ge [sflag:s18], $0x4000  }
0x88: {  	[sflag:s18] =	ssyncset.done $0x0  }
.Ltmp2:
0x89: {  	s20 =	sadd.s32 $0x9F0, s20;
	[sflag:s18] =	ssyncadd.s32 $0xFFFFC000;
	(pc) =	sbr.rel @p0 .LBB2_4-.Ltmp2, $4  }
0x8a: {  	[tilespmem:s11], [sflag:$0x5] =	stream.linear.gather [hbm4b:s20+s8], $0x80, $0x38;
	[tilespmem:$0x1C200] =	vst v63  }
0x8b: {  	_ =	swait.ge [sflag:s7], $0x80  }
0x8c: {  	[sflag:s7] =	ssyncset.done $0x0  }
0x8d: {  	[sflag:s7] =	ssyncadd.s32 $0xFFFFFF80  }
0x8e: {  	[tilespmem:s12], [sflag:$0x2] =	stream.indirect.gather [hbm4b:s5+s10], $0x80, s10, s10, $0xb8;
	[tilespmem:$0x1C200] =	vst v63  }
0x8f: {  	s22 =	simm.s32 $0x1  }
0x90: {  	_ =	swait.ge [sflag:s22], $0x4000  }
0x91: {  	s23 =	simm.s32 $0x80;
	s6 =	simm.s32 $0x100;
	[sflag:s22] =	ssyncset.done $0x0  }
0x92: {  	s7 =	simm.s32 $0x200;
	s24 =	simm.s32 $0x3;
	[sflag:s22] =	ssyncadd.s32 $0xFFFFC000  }
0x93: {  	[spmem:s2] =	stream.indirect.scatter.add.f32 [tilespmem:s7], [sflag:$0x3], $0x80, s6, s23, $0xb8;
	[tilespmem:$0x1C200] =	vst v63  }
0x94: {  	_ =	swait.ge [sflag:s24], $0x4000  }
0x95: {  	[sflag:s24] =	ssyncset.done $0x0  }
0x96: {  	s25 =	simm.s32 $0x2;
	[sflag:s24] =	ssyncadd.s32 $0xFFFFC000  }
0x97: {  	_ =	swait.ge [sflag:s25], $0x4000  }
0x98: {  	s26 =	simm.s32 $0x180;
	[sflag:s25] =	ssyncset.done $0x0  }
0x99: {  	s28 =	simm.s32 $0x4200;
	s29 =	simm.s32 $0x4;
	[sflag:s25] =	ssyncadd.s32 $0xFFFFC000  }
0x9a: {  	[spmem:s2] =	stream.indirect.scatter.add.f32 [tilespmem:s28], [sflag:$0x4], $0x80, s26, s23, $0xb8;
	[tilespmem:$0x1C200] =	vst v63  }
0x9b: {  	_ =	swait.ge [sflag:s29], $0x4000  }
0x9c: {  	[sflag:s29] =	ssyncset.done $0x0  }
0x9d: {  	s30 =	sshll.u32 s1, $0x6;
	s3 =	sshrl.u32 s3, $0x3;
	[sflag:s29] =	ssyncadd.s32 $0xFFFFC000  }
0x9e: {  	s31 =	simm.s32 $0x5;
	s2 =	sor.u32 $0x1C05, s30;
	[bflag:$0x0] =	sbarrier.arrive $0xFFFF  }
0x9f: {  	[hbm:s4], [sflag:s2] =	dma.local [spmem:s3], $0x2800  }
0xa0: {  	_ =	swait.ge [sflag:s31], $0x2800  }
0xa1: {  	[sflag:s31] =	ssyncset.done $0x0  }
0xa2: {  	[sflag:s31] =	ssyncadd.s32 $0xFFFFD800  }
.LBB2_6:
0xa3: {  	_ =	sfence.sel $0x180000  }
0xa4: {  	[bflag:$0x0] =	sbarrier.arrive $0xFFFF  }
0xa5: {  	p0 =	sne.s32 s1, $0x0;
	_ =	strace $0x9000004D  }
0xa6: {  	s0 =	sadd.s32 @!p0 $0x100000, s0;
	[bflag:$0x2] =	sbarrier.arrive $0xFFFF  }
0xa7: {  	[sflag:s0] =	ssyncadd.tile.s32 @!p0 $0x1;
	_ =	shalt  }
.Lfunc_end2:
_tile_overlayer_lowered:
.L_overlay_start_2:
0xa8: {  	(tag) =	ssettag $0x2  }
0xa9: {  	s0 =	rddreg [dreg:$0x0];
	s2 =	stileid.u32  }
0xaa: {  	s1 =	rddreg [dreg:$0x1];
	p0 =	sne.s32 s2, $0x0  }
0xab: {  	s3 =	rddreg [dreg:$0x2];
	[bflag:$0x3] =	sbarrier.arrive $0xFFFF;
	s2 =	simm.s32 @!p0 $0x1C05  }
0xac: {  	[timem:s3], [sflag:s2] =	dma.local @!p0 [hbm:s0], s1  }
0xad: {  	s0 =	simm.s32 @!p0 $0x5  }
0xae: {  	_ =	swait.ge @!p0 [sflag:s0], s1  }
0xaf: {  	s1 =	ssub.s32 @!p0 $0x0, s1;
	[sflag:s0] =	ssyncset.done @!p0 $0x0  }
0xb0: {  	[sflag:s0] =	ssyncadd.s32 @!p0 s1  }
0xb1: {  	[bflag:$0x3] =	sbarrier.arrive $0xFFFF  }
0xb2: {  	_ =	shalt  }

// kernel: kernel.8.cloned.1.call-start
scs
__scs_entry_jumppad:
0x0: {  	(pc) =	sbr.rel $0x88, $3  }
0x1: {  	(tag) =	ssettag $0x0;
	lr =	simm.s32 $0x1  }
0x2: {  	[smem:$0x3F99] =	sst lr;
	_ =	strace $0xD0000000  }
0x3: {  	_ = 	snop  }
0x4: {  	_ = 	snop  }
0x5: {  	_ = 	snop  }
0x6: {  	_ = 	snop  }
0x7: {  	_ = 	snop  }
__scs_overlays_trampoline_lowered:
0x8: {  	[smem:$0x3FA8] =	sst s0  }
0x9: {  	[smem:$0x3FA9] =	sst s1  }
0xa: {  	[smem:$0x3FAA] =	sst s2  }
0xb: {  	[smem:$0x3FAB] =	sst s3  }
0xc: {  	[smem:$0x3FAC] =	sst s4  }
0xd: {  	[smem:$0x3FAD] =	sst s5  }
0xe: {  	[smem:$0x3FAE] =	sst s6  }
0xf: {  	[smem:$0x3FAF] =	sst s7  }
0x10: {  	[smem:$0x3FB0] =	sst s8  }
0x11: {  	[smem:$0x3FB1] =	sst s9;
	s0 =	simm.s32 @!p0 $0x0  }
0x12: {  	s1 =	sld [smem:$0x3F97];
	s0 =	simm.s32 @p0 $0x1  }
0x13: {  	[smem:$0x3FB2] =	sst s0;
	s0 =	simm.s32 @!p1 $0x0  }
0x14: {  	s2 =	sld [smem:$0x3F96];
	s0 =	simm.s32 @p1 $0x1  }
0x15: {  	[smem:$0x3FB3] =	sst s0;
	s0 =	simm.s32 @!p2 $0x0  }
0x16: {  	s3 =	sld [smem:$0x3FDB];
	s0 =	simm.s32 @p2 $0x1  }
0x17: {  	s4 =	simm.s32 $0x1BF5;
	[smem:$0x3FB5] =	sst s0  }
0x18: {  	s0 =	sld [smem:$0x3F98];
	_ =	swait.ge [sflag:s4], $0x0  }
0x19: {  	s7 =	sld [smem:$0x3F99]  }
0x1a: {  	s8 =	sadd.s32 $0xFFFFE003, lr  }
0x1b: {  	s9 =	sadd.s32 $0xFFFFFEF7, lr;
	s5 =	simm.s32 $0xFFFFFFFF;
	p2 =	slt.u32 s8, $0xFFFFF086  }
0x1c: {  	p1 =	slt.u32 s9, $0xF7A;
	s5 =	simm.s32 @!p2 $0x0  }
0x1d: {  	s5 =	simm.s32 @p1 $0x1;
	p0 =	seq.s32 s7, s2  }
0x1e: {  	s7 =	smul.u32 @!p0 $0xF7A, s2;
	p2 =	seq.s32 @!p0 s5, $0x0  }
0x1f: {  	s9 =	smul.u32 $0xF7A, s1;
	s8 =	simm.s32 @!p0 $0x1BF5;
	p2 =	por !p2, p0  }
0x20: {  	[sflag:s8] =	ssyncset.s32 @!p0 $0xFFFFF086;
	s6 =	sadd.s32 @!p0 s3, s7;
	s7 =	simm.s32 @!p0 $0x108  }
0x21: {  	s3 =	sadd.s32 s3, s9;
	s6 =	sadd.s32 @!p0 $0x88, s6;
	s7 =	simm.s32 @p2 $0x1082  }
0x22: {  	[simem:s7], [sflag:s8] =	dma.local @!p0 [hbm:s6], $0xF7A  }
0x23: {  	s9 =	sor.u32 $0xD0000000, s2;
	s6 =	simm.s32 $0x108;
	_ =	swait.ge @!p0 [sflag:s8], $0x0  }
0x24: {  	s3 =	sadd.s32 $0x88, s3;
	s6 =	simm.s32 @!p1 $0x1082;
	[sflag:s4] =	ssyncset.s32 $0xFFFFF086  }
0x25: {  	[simem:s6], [sflag:s4] =	dma.local [hbm:s3], $0xF7A  }
0x26: {  	[smem:$0x3F99] =	sst s1;
	(tag) =	ssettag s2;
	_ =	strace s9  }
0x27: {  	s1 =	sld [smem:$0x3FA9]  }
0x28: {  	s2 =	sld [smem:$0x3FAA]  }
0x29: {  	s4 =	sld [smem:$0x3FAC]  }
0x2a: {  	p0 =	seq.s32 s5, $0x0;
	s5 =	sld [smem:$0x3FAD]  }
0x2b: {  	s6 =	sld [smem:$0x3FAE]  }
0x2c: {  	s7 =	sld [smem:$0x3FAF]  }
0x2d: {  	s3 =	simm.s32 $0x108;
	s8 =	sld [smem:$0x3FB0]  }
0x2e: {  	s3 =	simm.s32 @!p0 $0x1082;
	s9 =	sld [smem:$0x3FB1]  }
0x2f: {  	lr =	sadd.s32 s0, s3;
	s0 =	sld [smem:$0x3FA8]  }
0x30: {  	s3 =	sld [smem:$0x3FAB]  }
0x31: {  	[smem:$0x3FB4] =	sst s10  }
0x32: {  	s10 =	sld [smem:$0x3FB2];
	_ =	sdelay $0x3  }
0x33: {  	p0 =	seq.s32 s10, $0x1;
	s10 =	sld [smem:$0x3FB4];
	_ =	sdelay $0x3  }
0x34: {  	[smem:$0x3FB4] =	sst s10  }
0x35: {  	s10 =	sld [smem:$0x3FB3];
	_ =	sdelay $0x3  }
0x36: {  	p1 =	seq.s32 s10, $0x1;
	s10 =	sld [smem:$0x3FB4];
	_ =	sdelay $0x3  }
0x37: {  	[smem:$0x3FB4] =	sst s10  }
0x38: {  	s10 =	sld [smem:$0x3FB5]  }
0x39: {  	_ = 	snop;
	(pc) =	sbr.ind lr, $3  }
0x3a: {  	_ = 	snop  }
0x3b: {  	_ = 	snop  }
0x3c: {  	p2 =	seq.s32 s10, $0x1;
	s10 =	sld [smem:$0x3FB4]  }
0x3d: {  	_ =	shalt  }
0x3e: {  	_ =	shalt  }
0x3f: {  	_ =	shalt  }
0x40: {  	_ =	shalt  }
0x41: {  	_ =	shalt  }
0x42: {  	_ =	shalt  }
0x43: {  	_ =	shalt  }
0x44: {  	_ =	shalt  }
0x45: {  	_ =	shalt  }
0x46: {  	_ =	shalt  }
0x47: {  	_ =	shalt  }
0x48: {  	_ =	shalt  }
0x49: {  	_ =	shalt  }
0x4a: {  	_ =	shalt  }
0x4b: {  	_ =	shalt  }
0x4c: {  	_ =	shalt  }
0x4d: {  	_ =	shalt  }
0x4e: {  	_ =	shalt  }
0x4f: {  	_ =	shalt  }
0x50: {  	_ =	shalt  }
0x51: {  	_ =	shalt  }
0x52: {  	_ =	shalt  }
0x53: {  	_ =	shalt  }
0x54: {  	_ =	shalt  }
0x55: {  	_ =	shalt  }
0x56: {  	_ =	shalt  }
0x57: {  	_ =	shalt  }
0x58: {  	_ =	shalt  }
0x59: {  	_ =	shalt  }
0x5a: {  	_ =	shalt  }
0x5b: {  	_ =	shalt  }
0x5c: {  	_ =	shalt  }
0x5d: {  	_ =	shalt  }
0x5e: {  	_ =	shalt  }
0x5f: {  	_ =	shalt  }
0x60: {  	_ =	shalt  }
0x61: {  	_ =	shalt  }
0x62: {  	_ =	shalt  }
0x63: {  	_ =	shalt  }
0x64: {  	_ =	shalt  }
0x65: {  	_ =	shalt  }
0x66: {  	_ =	shalt  }
0x67: {  	_ =	shalt  }
0x68: {  	_ =	shalt  }
0x69: {  	_ =	shalt  }
0x6a: {  	_ =	shalt  }
0x6b: {  	_ =	shalt  }
0x6c: {  	_ =	shalt  }
0x6d: {  	_ =	shalt  }
0x6e: {  	_ =	shalt  }
0x6f: {  	_ =	shalt  }
0x70: {  	_ =	shalt  }
0x71: {  	_ =	shalt  }
0x72: {  	_ =	shalt  }
0x73: {  	_ =	shalt  }
0x74: {  	_ =	shalt  }
0x75: {  	_ =	shalt  }
0x76: {  	_ =	shalt  }
0x77: {  	_ =	shalt  }
0x78: {  	_ =	shalt  }
0x79: {  	_ =	shalt  }
0x7a: {  	_ =	shalt  }
0x7b: {  	_ =	shalt  }
0x7c: {  	_ =	shalt  }
0x7d: {  	_ =	shalt  }
0x7e: {  	_ =	shalt  }
0x7f: {  	_ =	shalt  }
0x80: {  	_ =	shalt  }
0x81: {  	_ =	shalt  }
0x82: {  	_ =	shalt  }
0x83: {  	_ =	shalt  }
0x84: {  	_ =	shalt  }
0x85: {  	_ =	shalt  }
0x86: {  	_ =	shalt  }
0x87: {  	_ =	shalt  }
.Lfunc_end0:
.L_simem_size_0:
called_computation_lowered:
.L_overlay_start_0:
0x88: {  	s2 =	sld [smem:$0x3FD9]  }
0x89: {  	s3 =	sld [smem:$0x3FFE];
	_ =	sdelay $0x1  }
0x8a: {  	s1 =	srdreg.scid  }
0x8b: {  	s0 =	sand.u32 $0x1, s1  }
0x8c: {  	s16 =	sshll.u32 s0, $0xA;
	s2 =	sadd.s32 s3, s2  }
0x8d: {  	s2 =	sadd.s32 s2, s16  }
0x8e: {  	[smem:$0x3FC0] =	sst s2  }
0x8f: {  	_ = 	snop  }
0x90: {  	(tm) =	ssettm $0x1  }
0x91: {  	s17 =	sld [smem:$0x3FFB];
	_ =	sdelay $0x3  }
0x92: {  	_ =	strace s17  }
0x93: {  	s2 =	sld [smem:$0x3FFC];
	_ =	sdelay $0x3  }
0x94: {  	_ =	strace s2  }
0x95: {  	s2 =	sld [smem:$0x3FFD];
	_ =	sdelay $0x3  }
0x96: {  	_ =	strace s2  }
0x97: {  	_ =	strace $0x8FFFFFFF  }
0x98: {  	s18 =	sld [smem:$0x3FDB];
	_ =	sdelay $0x1  }
0x99: {  	s19 =	simm.s32 $_scs_section_size  }
0x9a: {  	s4 =	simm.s32 $_size__tile_overlayer_lowered;
	s5 =	simm.s32 $_tile_overlayer_lowered  }
0x9b: {  	s22 =	simm.s32 $0x1BFF;
	s21 =	sshll.u32 s5, $0x1;
	s2 =	sadd.s32 s19, s18  }
0x9c: {  	s6 =	simm.s32 $0x0;
	s20 =	sshll.u32 s4, $0x1;
	s4 =	sadd.s32 s21, s2  }
0x9d: {  	[timem:s6], [sflag:s22] =	dma.local [hbm:s4], s20  }
0x9e: {  	_ =	swait.ge [sflag:s22], s20  }
0x9f: {  	s3 =	ssub.s32 $0x0, s20;
	[sflag:s22] =	ssyncset.done $0x0  }
0xa0: {  	[sflag:s22] =	ssyncadd.s32 s3;
	_ =	sdelay $0x1  }
0xa1: {  	s23 =	simm.s32 $0x1B8B  }
0xa2: {  	_ =	swait.ge [sflag:s23], $0x1  }
0xa3: {  	[sflag:s23] =	ssyncset.done $0x0  }
0xa4: {  	s25 =	simm.s32 $0x1B8E;
	s24 =	sld [smem:$0x3FFE];
	[sflag:s23] =	ssyncadd.s32 $0xFFFFFFFF  }
0xa5: {  	s26 =	simm.s32 $execute0_lowered;
	[smem:$0x3FD2] =	sst s25  }
0xa6: {  	s4 =	sshll.u32 s26, $0x1;
	_ =	strace $0x80000046;
	[dreg:$0x1] =	wrdreg $0xFFFFFFFF  }
0xa7: {  	s28 =	simm.s32 $_size_execute0_lowered;
	s2 =	sadd.s32 s2, s4;
	[dreg:$0x0] =	wrdreg $0x0  }
0xa8: {  	s4 =	sshll.u32 s28, $0x1;
	[dreg:$0x2] =	wrdreg s2  }
0xa9: {  	[dreg:$0x3] =	wrdreg s4  }
0xaa: {  	[dreg:$0x4] =	wrdreg $0xC0  }
0xab: {  	_ =	task [dreg:s6], $0x5FFFF  }
0xac: {  	[dreg:$0x1] =	wrdreg $0xFFFFFFFF  }
0xad: {  	[dreg:$0x0] =	wrdreg $0x60  }
0xae: {  	[dreg:$0x2] =	wrdreg s24  }
0xaf: {  	[dreg:$0x3] =	wrdreg $0x31000  }
0xb0: {  	[dreg:$0x4] =	wrdreg $0x9  }
0xb1: {  	_ =	task.clear_ibuf [dreg:s6], $0x5FFFF;
	_ =	strace $0x90000046  }
0xb2: {  	s29 =	simm.s32 $0x9;
	_ =	strace $0x80000048  }
0xb3: {  	_ =	swait.ge [sflag:s29], $0x1  }
0xb4: {  	[sflag:s29] =	ssyncadd.s32 $0xFFFFFFFF  }
0xb5: {  	_ =	strace $0x90000048  }
0xb6: {  	_ =	sfence  }
0xb7: {  	s30 =	sld [smem:$0x0];
	_ =	sdelay $0x2  }
0xb8: {  	s31 =	sshll.u32 s1, $0xD;
	s1 =	sshrl.u32 s1, $0x2  }
0xb9: {  	s3 =	sand.u32 $0x4000, s31;
	s1 =	sadd.s32 s1, s30  }
0xba: {  	s0 =	sor.u32 s3, s0;
	s1 =	sshll.u32 s1, $0x11  }
0xbb: {  	s0 =	sor.u32 s1, s0  }
0xbc: {  	s0 =	sadd.s32 $0x8F2B, s0  }
0xbd: {  	[sflag:s0] =	ssyncadd.remote.s32 $0x1  }
0xbe: {  	_ =	sfence.sel $0xFFFF  }
0xbf: {  	[dreg:$0x0] =	wrdreg $0xFFFFFFFF;
	(pc) =	sbr.abs _section_cstart, $3  }
0xc0: {  	[dreg:$0x1] =	wrdreg $0xFFFFFFFF  }
0xc1: {  	_ =	task.clear_ibuf [dreg:s6], $0x2FFFF;
	_ =	strace $0x9FFFFFFF  }
0xc2: {  	(tm) =	ssettm $0x7FFFFFFF  }
0xc3: {  	_ =	shalt  }
tec
execute0_lowered:
.L_overlay_start_1:
0x0: {  	(tag) =	ssettag $0x1  }
0x1: {  	s0 =	rddreg [dreg:$0x0]  }
0x2: {  	s1 =	rddreg [dreg:$0x1]  }
0x3: {  	s3 =	srdreg.scid;
	s15 =	stileid.u32;
	s2 =	simm.s32 $0x0  }
0x4: {  	s28 =	simm.s32 $0x2C00;
	s29 =	simm.s32 $0x2E80;
	s4 =	smul.u32 $0x280, s15  }
0x5: {  	s30 =	simm.s32 $0x0;
	s6 =	sand.u32 $0x1, s3;
	s9 =	smul.u32 $0xA000, s15  }
0x6: {  	[smem:$0x7FF] =	sst s2;
	s3 =	sadd.s32 $0x2E00, s0;
	s26 =	smul.u32 $0x2780, s15  }
0x7: {  	s5 =	smul.u32 $0x2800, s6;
	_ =	strace $0x80000047;
	s7 =	ssub.s32 $0x2, s6  }
0x8: {  	s22 =	sshll.u32 s6, $0x4;
	s25 =	smul.u32 $0x27800, s6;
	s8 =	sshrl.u32 s7, $0x1  }
0x9: {  	s24 =	sshrl.u32 s9, $0x2;
	s5 =	sadd.s32 s4, s5;
	s23 =	ssub.s32 s7, s8  }
0xa: {  	s4 =	sadd.s32 s4, s1;
	s1 =	sadd.s32 s24, s1;
	s5 =	sshrl.u32 s5, $0x3  }
0xb: {  	[dreg:$0x3] =	wrdreg s1;
	s7 =	sadd.s32 $0x2800, s4;
	s8 =	sadd.s32 $0x5000, s4  }
0xc: {  	s9 =	sadd.s32 $0x7800, s4;
	s10 =	sadd.s32 $0xA000, s4;
	s11 =	sadd.s32 $0xC800, s4  }
0xd: {  	s12 =	sadd.s32 $0xF000, s4;
	s13 =	sadd.s32 $0x11800, s4;
	s14 =	sadd.s32 $0x14000, s4  }
0xe: {  	s16 =	sadd.s32 $0x19000, s4;
	s17 =	sadd.s32 $0x1B800, s4;
	s18 =	sadd.s32 $0x1E000, s4  }
0xf: {  	s19 =	sadd.s32 $0x20800, s4;
	s1 =	sadd.s32 s26, s25;
	s20 =	sadd.s32 $0x23000, s4  }
0x10: {  	s21 =	sadd.s32 $0x25800, s4;
	s23 =	smax.u32 s23, $0x1;
	s25 =	simm.s32 $0x1  }
0x11: {  	s26 =	simm.s32 $0x400;
	s0 =	sadd.s32 s5, s0;
	s1 =	sadd.s32 $0x2400, s1  }
0x12: {  	s5 =	sor.u32 s15, s22;
	s15 =	sadd.s32 $0x16800, s4;
	s31 =	sshrl.u32 s1, $0x3  }
0x13: {  	v0 =	vimm.f32 $0.0e+00;
	v1 =	vimm.f32 $1.000000000e+00;
	s5 =	smul.u32 $0x2780, s5;
	s22 =	sadd.s32 $0xCC00, s0;
	s24 =	sadd.s32 s31, s3  }
.LBB2_1:
0x14: {  	s0 =	simm.s32 $0x40;
	s1 =	simm.s32 $0x0  }
.LBB2_2:
0x15: {  	p0 =	sne.s32 s0, $0x9FC0;
	[tilespmem:s1+$0x400] =	vst v0;
	s1 =	smov.u32 s0;
	s0 =	sadd.s32 $0x40, s0  }
.Ltmp0:
0x16: {  	(pc) =	sbr.rel @p0 .LBB2_2-.Ltmp0, $2  }
0x17: {  	_ =	sdelay $0x2  }
0x18: {  	s1 =	sshra.s32 s1, $0x2  }
0x19: {  	[tilespmem:s1+$0x400] =	vst v0;
	s31 =	simm.s32 $0x0;
	s0 =	simm.s32 $0x0  }
.LBB2_4:
0x1a: {  	s1 =	sshll.u32 s0, $0xA  }
0x1b: {  	s1 =	sadd.s32 s5, s1  }
0x1c: {  	s1 =	sshrl.u32 s1, $0x3  }
0x1d: {  	s1 =	sadd.s32 s3, s1  }
0x1e: {  	[tilespmem:s31], [sflag:$0x1] =	stream.linear.gather [hbm4b:s1+s31], $0x400, $0x38;
	[tilespmem:$0x5900] =	vst v63  }
0x1f: {  	_ =	swait.ge [sflag:s25], $0x400  }
0x20: {  	[sflag:s25] =	ssyncset.done $0x0  }
0x21: {  	s6 =	simm.s32 $0x0;
	s1 =	simm.s32 $0x40;
	[sflag:s25] =	ssyncadd.s32 $0xFFFFFC00  }
.LBB2_5:
0x22: {  	p0 =	sne.s32 s1, $0xFC0;
	v2 =	vld [tilespmem:s6+$0x0];
	_ =	sdelay $0x3  }
.Ltmp1:
0x23: {  	(pc) =	sbr.rel @p0 .LBB2_5-.Ltmp1, $2  }
0x24: {  	_ =	sdelay $0x2  }
0x25: {  	s6 =	sshra.s32 s1, $0x2;
	s1 =	sadd.s32 $0x40, s1;
	[tilespmem:v2+s26+$0x0] =	vst.idx.add.f32.msk $0xffff, v1  }
0x26: {  	v2 =	vld [tilespmem:s6+$0x0];
	_ =	sdelay $0x1  }
0x27: {  	s0 =	sadd.s32 $0x1, s0  }
0x28: {  	p0 =	sne.s32 s0, $0x9  }
.Ltmp2:
0x29: {  	_ = 	snop;
	(pc) =	sbr.rel @p0 .LBB2_4-.Ltmp2, $2  }
0x2a: {  	_ =	sdelay $0x2  }
0x2b: {  	[tilespmem:v2+s26+$0x0] =	vst.idx.add.f32.msk $0xffff, v1  }
0x2c: {  	s0 =	simm.s32 $0x0  }
.LBB2_8:
0x2d: {  	s1 =	sadd.s32 s0, s24  }
0x2e: {  	[tilespmem:s2], [sflag:$0x1] =	stream.linear.gather [hbm4b:s1+s2], $0x80, $0x38;
	[tilespmem:$0x5900] =	vst v63  }
0x2f: {  	_ =	swait.ge [sflag:s25], $0x80  }
0x30: {  	[sflag:s25] =	ssyncset.done $0x0  }
0x31: {  	[sflag:s25] =	ssyncadd.s32 $0xFFFFFF80  }
0x32: {  	v2 =	vld [tilespmem:$0x0];
	_ =	sdelay $0x7  }
0x33: {  	[tilespmem:v2+s26+$0x0] =	vst.idx.add.f32.msk $0xffff, v1  }
0x34: {  	v2 =	vld [tilespmem:$0x10];
	_ =	sdelay $0x7  }
0x35: {  	[tilespmem:v2+s26+$0x0] =	vst.idx.add.f32.msk $0xffff, v1  }
0x36: {  	v2 =	vld [tilespmem:$0x20];
	_ =	sdelay $0x7  }
0x37: {  	[tilespmem:v2+s26+$0x0] =	vst.idx.add.f32.msk $0xffff, v1  }
0x38: {  	v2 =	vld [tilespmem:$0x30];
	_ =	sdelay $0x7  }
0x39: {  	[tilespmem:v2+s26+$0x0] =	vst.idx.add.f32.msk $0xffff, v1  }
0x3a: {  	v2 =	vld [tilespmem:$0x40];
	_ =	sdelay $0x7  }
0x3b: {  	[tilespmem:v2+s26+$0x0] =	vst.idx.add.f32.msk $0xffff, v1  }
0x3c: {  	v2 =	vld [tilespmem:$0x50];
	_ =	sdelay $0x7  }
0x3d: {  	[tilespmem:v2+s26+$0x0] =	vst.idx.add.f32.msk $0xffff, v1  }
0x3e: {  	v2 =	vld [tilespmem:$0x60];
	_ =	sdelay $0x7  }
0x3f: {  	[tilespmem:v2+s26+$0x0] =	vst.idx.add.f32.msk $0xffff, v1  }
0x40: {  	v2 =	vld [tilespmem:$0x70];
	_ =	sdelay $0x2  }
0x41: {  	p0 =	sne.s32 s0, $0x60  }
.Ltmp3:
0x42: {  	_ = 	snop;
	(pc) =	sbr.rel @p0 .LBB2_8-.Ltmp3, $2  }
0x43: {  	_ =	sdelay $0x2  }
0x44: {  	s0 =	sadd.s32 $0x10, s0;
	[tilespmem:v2+s26+$0x0] =	vst.idx.add.f32.msk $0xffff, v1  }
0x45: {  	s0 =	rddreg [dreg:$0x3]  }
0x46: {  	[spmem:s0] =	stream.linear.scatter [tilespmem:s26], [sflag:$0x1], $0x2800, $0x38;
	[tilespmem:$0x5900] =	vst v63  }
0x47: {  	_ =	swait.ge [sflag:s25], $0x2800  }
0x48: {  	[sflag:s25] =	ssyncset.done $0x0  }
0x49: {  	[sflag:s25] =	ssyncadd.s32 $0xFFFFD800  }
0x4a: {  	[bflag:$0x0] =	sbarrier.arrive $0xFFFF  }
0x4b: {  	[tilespmem:s28], [sflag:$0x1] =	stream.linear.gather [spmem:s4], $0x280, $0x38;
	[tilespmem:$0x5900] =	vst v63  }
0x4c: {  	_ =	swait.ge [sflag:s25], $0x280  }
0x4d: {  	[sflag:s25] =	ssyncset.done $0x0  }
0x4e: {  	[sflag:s25] =	ssyncadd.s32 $0xFFFFFD80  }
0x4f: {  	[tilespmem:s29], [sflag:$0x1] =	stream.linear.gather [spmem:s7], $0x280, $0x38;
	[tilespmem:$0x5900] =	vst v63  }
0x50: {  	_ =	swait.ge [sflag:s25], $0x280  }
0x51: {  	[sflag:s25] =	ssyncset.done $0x0  }
0x52: {  	s0 =	simm.s32 $0x0;
	[sflag:s25] =	ssyncadd.s32 $0xFFFFFD80  }
0x53: {  	s31 =	simm.s32 $0x40;
	v2 =	vld [tilespmem:s0+$0x2E80]  }
.LBB2_10:
0x54: {  	p0 =	sne.s32 s31, $0x9C0;
	v3 =	vld [tilespmem:s0+$0x2C00];
	_ =	sdelay $0x2  }
.Ltmp4:
0x55: {  	(pc) =	sbr.rel @p0 .LBB2_10-.Ltmp4, $4  }
0x56: {  	_ = 	snop  }
0x57: {  	v3 =	vadd.f32 v2, v3  }
0x58: {  	s1 =	sshra.s32 s31, $0x2  }
0x59: {  	s31 =	sadd.s32 $0x40, s31;
	v2 =	vld [tilespmem:s1+$0x2E80];
	[tilespmem:s0+$0x2C00] =	vst v3;
	s0 =	smov.u32 s1  }
0x5a: {  	v3 =	vld [tilespmem:s0+$0x2C00];
	_ =	sdelay $0x4  }
0x5b: {  	v2 =	vadd.f32 v2, v3;
	_ =	sdelay $0x1  }
0x5c: {  	[tilespmem:s0+$0x2C00] =	vst v2  }
0x5d: {  	[tilespmem:s29], [sflag:$0x1] =	stream.linear.gather [spmem:s8], $0x280, $0x38;
	[tilespmem:$0x5900] =	vst v63  }
0x5e: {  	_ =	swait.ge [sflag:s25], $0x280  }
0x5f: {  	[sflag:s25] =	ssyncset.done $0x0  }
0x60: {  	s0 =	simm.s32 $0x0;
	[sflag:s25] =	ssyncadd.s32 $0xFFFFFD80  }
0x61: {  	s31 =	simm.s32 $0x40;
	v2 =	vld [tilespmem:s0+$0x2E80]  }
.LBB2_12:
0x62: {  	p0 =	sne.s32 s31, $0x9C0;
	v3 =	vld [tilespmem:s0+$0x2C00];
	_ =	sdelay $0x2  }
.Ltmp5:
0x63: {  	(pc) =	sbr.rel @p0 .LBB2_12-.Ltmp5, $4  }
0x64: {  	_ = 	snop  }
0x65: {  	v3 =	vadd.f32 v2, v3  }
0x66: {  	s1 =	sshra.s32 s31, $0x2  }
0x67: {  	s31 =	sadd.s32 $0x40, s31;
	v2 =	vld [tilespmem:s1+$0x2E80];
	[tilespmem:s0+$0x2C00] =	vst v3;
	s0 =	smov.u32 s1  }
0x68: {  	v3 =	vld [tilespmem:s0+$0x2C00];
	_ =	sdelay $0x4  }
0x69: {  	v2 =	vadd.f32 v2, v3;
	_ =	sdelay $0x1  }
0x6a: {  	[tilespmem:s0+$0x2C00] =	vst v2  }
0x6b: {  	[tilespmem:s29], [sflag:$0x1] =	stream.linear.gather [spmem:s9], $0x280, $0x38;
	[tilespmem:$0x5900] =	vst v63  }
0x6c: {  	_ =	swait.ge [sflag:s25], $0x280  }
0x6d: {  	[sflag:s25] =	ssyncset.done $0x0  }
0x6e: {  	s0 =	simm.s32 $0x0;
	[sflag:s25] =	ssyncadd.s32 $0xFFFFFD80  }
0x6f: {  	s31 =	simm.s32 $0x40;
	v2 =	vld [tilespmem:s0+$0x2E80]  }
.LBB2_14:
0x70: {  	p0 =	sne.s32 s31, $0x9C0;
	v3 =	vld [tilespmem:s0+$0x2C00];
	_ =	sdelay $0x2  }
.Ltmp6:
0x71: {  	(pc) =	sbr.rel @p0 .LBB2_14-.Ltmp6, $4  }
0x72: {  	_ = 	snop  }
0x73: {  	v3 =	vadd.f32 v2, v3  }
0x74: {  	s1 =	sshra.s32 s31, $0x2  }
0x75: {  	s31 =	sadd.s32 $0x40, s31;
	v2 =	vld [tilespmem:s1+$0x2E80];
	[tilespmem:s0+$0x2C00] =	vst v3;
	s0 =	smov.u32 s1  }
0x76: {  	v3 =	vld [tilespmem:s0+$0x2C00];
	_ =	sdelay $0x4  }
0x77: {  	v2 =	vadd.f32 v2, v3;
	_ =	sdelay $0x1  }
0x78: {  	[tilespmem:s0+$0x2C00] =	vst v2  }
0x79: {  	[tilespmem:s29], [sflag:$0x1] =	stream.linear.gather [spmem:s10], $0x280, $0x38;
	[tilespmem:$0x5900] =	vst v63  }
0x7a: {  	_ =	swait.ge [sflag:s25], $0x280  }
0x7b: {  	[sflag:s25] =	ssyncset.done $0x0  }
0x7c: {  	s0 =	simm.s32 $0x0;
	[sflag:s25] =	ssyncadd.s32 $0xFFFFFD80  }
0x7d: {  	s31 =	simm.s32 $0x40;
	v2 =	vld [tilespmem:s0+$0x2E80]  }
.LBB2_16:
0x7e: {  	p0 =	sne.s32 s31, $0x9C0;
	v3 =	vld [tilespmem:s0+$0x2C00];
	_ =	sdelay $0x2  }
.Ltmp7:
0x7f: {  	(pc) =	sbr.rel @p0 .LBB2_16-.Ltmp7, $4  }
0x80: {  	_ = 	snop  }
0x81: {  	v3 =	vadd.f32 v2, v3  }
0x82: {  	s1 =	sshra.s32 s31, $0x2  }
0x83: {  	s31 =	sadd.s32 $0x40, s31;
	v2 =	vld [tilespmem:s1+$0x2E80];
	[tilespmem:s0+$0x2C00] =	vst v3;
	s0 =	smov.u32 s1  }
0x84: {  	v3 =	vld [tilespmem:s0+$0x2C00];
	_ =	sdelay $0x4  }
0x85: {  	v2 =	vadd.f32 v2, v3;
	_ =	sdelay $0x1  }
0x86: {  	[tilespmem:s0+$0x2C00] =	vst v2  }
0x87: {  	[tilespmem:s29], [sflag:$0x1] =	stream.linear.gather [spmem:s11], $0x280, $0x38;
	[tilespmem:$0x5900] =	vst v63  }
0x88: {  	_ =	swait.ge [sflag:s25], $0x280  }
0x89: {  	[sflag:s25] =	ssyncset.done $0x0  }
0x8a: {  	s0 =	simm.s32 $0x0;
	[sflag:s25] =	ssyncadd.s32 $0xFFFFFD80  }
0x8b: {  	s31 =	simm.s32 $0x40;
	v2 =	vld [tilespmem:s0+$0x2E80]  }
.LBB2_18:
0x8c: {  	p0 =	sne.s32 s31, $0x9C0;
	v3 =	vld [tilespmem:s0+$0x2C00];
	_ =	sdelay $0x2  }
.Ltmp8:
0x8d: {  	(pc) =	sbr.rel @p0 .LBB2_18-.Ltmp8, $4  }
0x8e: {  	_ = 	snop  }
0x8f: {  	v3 =	vadd.f32 v2, v3  }
0x90: {  	s1 =	sshra.s32 s31, $0x2  }
0x91: {  	s31 =	sadd.s32 $0x40, s31;
	v2 =	vld [tilespmem:s1+$0x2E80];
	[tilespmem:s0+$0x2C00] =	vst v3;
	s0 =	smov.u32 s1  }
0x92: {  	v3 =	vld [tilespmem:s0+$0x2C00];
	_ =	sdelay $0x4  }
0x93: {  	v2 =	vadd.f32 v2, v3;
	_ =	sdelay $0x1  }
0x94: {  	[tilespmem:s0+$0x2C00] =	vst v2  }
0x95: {  	[tilespmem:s29], [sflag:$0x1] =	stream.linear.gather [spmem:s12], $0x280, $0x38;
	[tilespmem:$0x5900] =	vst v63  }
0x96: {  	_ =	swait.ge [sflag:s25], $0x280  }
0x97: {  	[sflag:s25] =	ssyncset.done $0x0  }
0x98: {  	s0 =	simm.s32 $0x0;
	[sflag:s25] =	ssyncadd.s32 $0xFFFFFD80  }
0x99: {  	s31 =	simm.s32 $0x40;
	v2 =	vld [tilespmem:s0+$0x2E80]  }
.LBB2_20:
0x9a: {  	p0 =	sne.s32 s31, $0x9C0;
	v3 =	vld [tilespmem:s0+$0x2C00];
	_ =	sdelay $0x2  }
.Ltmp9:
0x9b: {  	(pc) =	sbr.rel @p0 .LBB2_20-.Ltmp9, $4  }
0x9c: {  	_ = 	snop  }
0x9d: {  	v3 =	vadd.f32 v2, v3  }
0x9e: {  	s1 =	sshra.s32 s31, $0x2  }
0x9f: {  	s31 =	sadd.s32 $0x40, s31;
	v2 =	vld [tilespmem:s1+$0x2E80];
	[tilespmem:s0+$0x2C00] =	vst v3;
	s0 =	smov.u32 s1  }
0xa0: {  	v3 =	vld [tilespmem:s0+$0x2C00];
	_ =	sdelay $0x4  }
0xa1: {  	v2 =	vadd.f32 v2, v3;
	_ =	sdelay $0x1  }
0xa2: {  	[tilespmem:s0+$0x2C00] =	vst v2  }
0xa3: {  	[tilespmem:s29], [sflag:$0x1] =	stream.linear.gather [spmem:s13], $0x280, $0x38;
	[tilespmem:$0x5900] =	vst v63  }
0xa4: {  	_ =	swait.ge [sflag:s25], $0x280  }
0xa5: {  	[sflag:s25] =	ssyncset.done $0x0  }
0xa6: {  	s0 =	simm.s32 $0x0;
	[sflag:s25] =	ssyncadd.s32 $0xFFFFFD80  }
0xa7: {  	s31 =	simm.s32 $0x40;
	v2 =	vld [tilespmem:s0+$0x2E80]  }
.LBB2_22:
0xa8: {  	p0 =	sne.s32 s31, $0x9C0;
	v3 =	vld [tilespmem:s0+$0x2C00];
	_ =	sdelay $0x2  }
.Ltmp10:
0xa9: {  	(pc) =	sbr.rel @p0 .LBB2_22-.Ltmp10, $4  }
0xaa: {  	_ = 	snop  }
0xab: {  	v3 =	vadd.f32 v2, v3  }
0xac: {  	s1 =	sshra.s32 s31, $0x2  }
0xad: {  	s31 =	sadd.s32 $0x40, s31;
	v2 =	vld [tilespmem:s1+$0x2E80];
	[tilespmem:s0+$0x2C00] =	vst v3;
	s0 =	smov.u32 s1  }
0xae: {  	v3 =	vld [tilespmem:s0+$0x2C00];
	_ =	sdelay $0x4  }
0xaf: {  	v2 =	vadd.f32 v2, v3;
	_ =	sdelay $0x1  }
0xb0: {  	[tilespmem:s0+$0x2C00] =	vst v2  }
0xb1: {  	[tilespmem:s29], [sflag:$0x1] =	stream.linear.gather [spmem:s14], $0x280, $0x38;
	[tilespmem:$0x5900] =	vst v63  }
0xb2: {  	_ =	swait.ge [sflag:s25], $0x280  }
0xb3: {  	[sflag:s25] =	ssyncset.done $0x0  }
0xb4: {  	s0 =	simm.s32 $0x0;
	[sflag:s25] =	ssyncadd.s32 $0xFFFFFD80  }
0xb5: {  	s31 =	simm.s32 $0x40;
	v2 =	vld [tilespmem:s0+$0x2E80]  }
.LBB2_24:
0xb6: {  	p0 =	sne.s32 s31, $0x9C0;
	v3 =	vld [tilespmem:s0+$0x2C00];
	_ =	sdelay $0x2  }
.Ltmp11:
0xb7: {  	(pc) =	sbr.rel @p0 .LBB2_24-.Ltmp11, $4  }
0xb8: {  	_ = 	snop  }
0xb9: {  	v3 =	vadd.f32 v2, v3  }
0xba: {  	s1 =	sshra.s32 s31, $0x2  }
0xbb: {  	s31 =	sadd.s32 $0x40, s31;
	v2 =	vld [tilespmem:s1+$0x2E80];
	[tilespmem:s0+$0x2C00] =	vst v3;
	s0 =	smov.u32 s1  }
0xbc: {  	v3 =	vld [tilespmem:s0+$0x2C00];
	_ =	sdelay $0x4  }
0xbd: {  	v2 =	vadd.f32 v2, v3;
	_ =	sdelay $0x1  }
0xbe: {  	[tilespmem:s0+$0x2C00] =	vst v2  }
0xbf: {  	[tilespmem:s29], [sflag:$0x1] =	stream.linear.gather [spmem:s15], $0x280, $0x38;
	[tilespmem:$0x5900] =	vst v63  }
0xc0: {  	_ =	swait.ge [sflag:s25], $0x280  }
0xc1: {  	[sflag:s25] =	ssyncset.done $0x0  }
0xc2: {  	s0 =	simm.s32 $0x0;
	[sflag:s25] =	ssyncadd.s32 $0xFFFFFD80  }
0xc3: {  	s31 =	simm.s32 $0x40;
	v2 =	vld [tilespmem:s0+$0x2E80]  }
.LBB2_26:
0xc4: {  	p0 =	sne.s32 s31, $0x9C0;
	v3 =	vld [tilespmem:s0+$0x2C00];
	_ =	sdelay $0x2  }
.Ltmp12:
0xc5: {  	(pc) =	sbr.rel @p0 .LBB2_26-.Ltmp12, $4  }
0xc6: {  	_ = 	snop  }
0xc7: {  	v3 =	vadd.f32 v2, v3  }
0xc8: {  	s1 =	sshra.s32 s31, $0x2  }
0xc9: {  	s31 =	sadd.s32 $0x40, s31;
	v2 =	vld [tilespmem:s1+$0x2E80];
	[tilespmem:s0+$0x2C00] =	vst v3;
	s0 =	smov.u32 s1  }
0xca: {  	v3 =	vld [tilespmem:s0+$0x2C00];
	_ =	sdelay $0x4  }
0xcb: {  	v2 =	vadd.f32 v2, v3;
	_ =	sdelay $0x1  }
0xcc: {  	[tilespmem:s0+$0x2C00] =	vst v2  }
0xcd: {  	[tilespmem:s29], [sflag:$0x1] =	stream.linear.gather [spmem:s16], $0x280, $0x38;
	[tilespmem:$0x5900] =	vst v63  }
0xce: {  	_ =	swait.ge [sflag:s25], $0x280  }
0xcf: {  	[sflag:s25] =	ssyncset.done $0x0  }
0xd0: {  	s0 =	simm.s32 $0x0;
	[sflag:s25] =	ssyncadd.s32 $0xFFFFFD80  }
0xd1: {  	s31 =	simm.s32 $0x40;
	v2 =	vld [tilespmem:s0+$0x2E80]  }
.LBB2_28:
0xd2: {  	p0 =	sne.s32 s31, $0x9C0;
	v3 =	vld [tilespmem:s0+$0x2C00];
	_ =	sdelay $0x2  }
.Ltmp13:
0xd3: {  	(pc) =	sbr.rel @p0 .LBB2_28-.Ltmp13, $4  }
0xd4: {  	_ = 	snop  }
0xd5: {  	v3 =	vadd.f32 v2, v3  }
0xd6: {  	s1 =	sshra.s32 s31, $0x2  }
0xd7: {  	s31 =	sadd.s32 $0x40, s31;
	v2 =	vld [tilespmem:s1+$0x2E80];
	[tilespmem:s0+$0x2C00] =	vst v3;
	s0 =	smov.u32 s1  }
0xd8: {  	v3 =	vld [tilespmem:s0+$0x2C00];
	_ =	sdelay $0x4  }
0xd9: {  	v2 =	vadd.f32 v2, v3;
	_ =	sdelay $0x1  }
0xda: {  	[tilespmem:s0+$0x2C00] =	vst v2  }
0xdb: {  	[tilespmem:s29], [sflag:$0x1] =	stream.linear.gather [spmem:s17], $0x280, $0x38;
	[tilespmem:$0x5900] =	vst v63  }
0xdc: {  	_ =	swait.ge [sflag:s25], $0x280  }
0xdd: {  	[sflag:s25] =	ssyncset.done $0x0  }
0xde: {  	s0 =	simm.s32 $0x0;
	[sflag:s25] =	ssyncadd.s32 $0xFFFFFD80  }
0xdf: {  	s31 =	simm.s32 $0x40;
	v2 =	vld [tilespmem:s0+$0x2E80]  }
.LBB2_30:
0xe0: {  	p0 =	sne.s32 s31, $0x9C0;
	v3 =	vld [tilespmem:s0+$0x2C00];
	_ =	sdelay $0x2  }
.Ltmp14:
0xe1: {  	(pc) =	sbr.rel @p0 .LBB2_30-.Ltmp14, $4  }
0xe2: {  	_ = 	snop  }
0xe3: {  	v3 =	vadd.f32 v2, v3  }
0xe4: {  	s1 =	sshra.s32 s31, $0x2  }
0xe5: {  	s31 =	sadd.s32 $0x40, s31;
	v2 =	vld [tilespmem:s1+$0x2E80];
	[tilespmem:s0+$0x2C00] =	vst v3;
	s0 =	smov.u32 s1  }
0xe6: {  	v3 =	vld [tilespmem:s0+$0x2C00];
	_ =	sdelay $0x4  }
0xe7: {  	v2 =	vadd.f32 v2, v3;
	_ =	sdelay $0x1  }
0xe8: {  	[tilespmem:s0+$0x2C00] =	vst v2  }
0xe9: {  	[tilespmem:s29], [sflag:$0x1] =	stream.linear.gather [spmem:s18], $0x280, $0x38;
	[tilespmem:$0x5900] =	vst v63  }
0xea: {  	_ =	swait.ge [sflag:s25], $0x280  }
0xeb: {  	[sflag:s25] =	ssyncset.done $0x0  }
0xec: {  	s0 =	simm.s32 $0x0;
	[sflag:s25] =	ssyncadd.s32 $0xFFFFFD80  }
0xed: {  	s31 =	simm.s32 $0x40;
	v2 =	vld [tilespmem:s0+$0x2E80]  }
.LBB2_32:
0xee: {  	p0 =	sne.s32 s31, $0x9C0;
	v3 =	vld [tilespmem:s0+$0x2C00];
	_ =	sdelay $0x2  }
.Ltmp15:
0xef: {  	(pc) =	sbr.rel @p0 .LBB2_32-.Ltmp15, $4  }
0xf0: {  	_ = 	snop  }
0xf1: {  	v3 =	vadd.f32 v2, v3  }
0xf2: {  	s1 =	sshra.s32 s31, $0x2  }
0xf3: {  	s31 =	sadd.s32 $0x40, s31;
	v2 =	vld [tilespmem:s1+$0x2E80];
	[tilespmem:s0+$0x2C00] =	vst v3;
	s0 =	smov.u32 s1  }
0xf4: {  	v3 =	vld [tilespmem:s0+$0x2C00];
	_ =	sdelay $0x4  }
0xf5: {  	v2 =	vadd.f32 v2, v3;
	_ =	sdelay $0x1  }
0xf6: {  	[tilespmem:s0+$0x2C00] =	vst v2  }
0xf7: {  	[tilespmem:s29], [sflag:$0x1] =	stream.linear.gather [spmem:s19], $0x280, $0x38;
	[tilespmem:$0x5900] =	vst v63  }
0xf8: {  	_ =	swait.ge [sflag:s25], $0x280  }
0xf9: {  	[sflag:s25] =	ssyncset.done $0x0  }
0xfa: {  	s0 =	simm.s32 $0x0;
	[sflag:s25] =	ssyncadd.s32 $0xFFFFFD80  }
0xfb: {  	s31 =	simm.s32 $0x40;
	v2 =	vld [tilespmem:s0+$0x2E80]  }
.LBB2_34:
0xfc: {  	p0 =	sne.s32 s31, $0x9C0;
	v3 =	vld [tilespmem:s0+$0x2C00];
	_ =	sdelay $0x2  }
.Ltmp16:
0xfd: {  	(pc) =	sbr.rel @p0 .LBB2_34-.Ltmp16, $4  }
0xfe: {  	_ = 	snop  }
0xff: {  	v3 =	vadd.f32 v2, v3  }
0x100: {  	s1 =	sshra.s32 s31, $0x2  }
0x101: {  	s31 =	sadd.s32 $0x40, s31;
	v2 =	vld [tilespmem:s1+$0x2E80];
	[tilespmem:s0+$0x2C00] =	vst v3;
	s0 =	smov.u32 s1  }
0x102: {  	v3 =	vld [tilespmem:s0+$0x2C00];
	_ =	sdelay $0x4  }
0x103: {  	v2 =	vadd.f32 v2, v3;
	_ =	sdelay $0x1  }
0x104: {  	[tilespmem:s0+$0x2C00] =	vst v2  }
0x105: {  	[tilespmem:s29], [sflag:$0x1] =	stream.linear.gather [spmem:s20], $0x280, $0x38;
	[tilespmem:$0x5900] =	vst v63  }
0x106: {  	_ =	swait.ge [sflag:s25], $0x280  }
0x107: {  	[sflag:s25] =	ssyncset.done $0x0  }
0x108: {  	s0 =	simm.s32 $0x0;
	[sflag:s25] =	ssyncadd.s32 $0xFFFFFD80  }
0x109: {  	s31 =	simm.s32 $0x40;
	v2 =	vld [tilespmem:s0+$0x2E80]  }
.LBB2_36:
0x10a: {  	p0 =	sne.s32 s31, $0x9C0;
	v3 =	vld [tilespmem:s0+$0x2C00];
	_ =	sdelay $0x2  }
.Ltmp17:
0x10b: {  	(pc) =	sbr.rel @p0 .LBB2_36-.Ltmp17, $4  }
0x10c: {  	_ = 	snop  }
0x10d: {  	v3 =	vadd.f32 v2, v3  }
0x10e: {  	s1 =	sshra.s32 s31, $0x2  }
0x10f: {  	s31 =	sadd.s32 $0x40, s31;
	v2 =	vld [tilespmem:s1+$0x2E80];
	[tilespmem:s0+$0x2C00] =	vst v3;
	s0 =	smov.u32 s1  }
0x110: {  	v3 =	vld [tilespmem:s0+$0x2C00];
	_ =	sdelay $0x4  }
0x111: {  	v2 =	vadd.f32 v2, v3;
	_ =	sdelay $0x1  }
0x112: {  	[tilespmem:s0+$0x2C00] =	vst v2  }
0x113: {  	[tilespmem:s29], [sflag:$0x1] =	stream.linear.gather [spmem:s21], $0x280, $0x38;
	[tilespmem:$0x5900] =	vst v63  }
0x114: {  	_ =	swait.ge [sflag:s25], $0x280  }
0x115: {  	[sflag:s25] =	ssyncset.done $0x0  }
0x116: {  	s0 =	simm.s32 $0x0;
	[sflag:s25] =	ssyncadd.s32 $0xFFFFFD80  }
0x117: {  	s31 =	simm.s32 $0x40;
	v2 =	vld [tilespmem:s0+$0x2E80]  }
.LBB2_38:
0x118: {  	p0 =	sne.s32 s31, $0x9C0;
	v3 =	vld [tilespmem:s0+$0x2C00];
	_ =	sdelay $0x2  }
.Ltmp18:
0x119: {  	(pc) =	sbr.rel @p0 .LBB2_38-.Ltmp18, $4  }
0x11a: {  	_ = 	snop  }
0x11b: {  	v3 =	vadd.f32 v2, v3  }
0x11c: {  	s1 =	sshra.s32 s31, $0x2  }
0x11d: {  	s31 =	sadd.s32 $0x40, s31;
	v2 =	vld [tilespmem:s1+$0x2E80];
	[tilespmem:s0+$0x2C00] =	vst v3;
	s0 =	smov.u32 s1  }
0x11e: {  	v3 =	vld [tilespmem:s0+$0x2C00];
	_ =	sdelay $0x4  }
0x11f: {  	s30 =	sadd.s32 $0x1, s30;
	v2 =	vadd.f32 v2, v3  }
0x120: {  	p0 =	sne.s32 s30, s23  }
.Ltmp19:
0x121: {  	[tilespmem:s0+$0x2C00] =	vst v2;
	(pc) =	sbr.rel @p0 .LBB2_1-.Ltmp19, $4  }
0x122: {  	[hbm4b:s22+s2] =	stream.linear.scatter [tilespmem:s28], [sflag:$0x1], $0x280, $0x38;
	[tilespmem:$0x5900] =	vst v63  }
0x123: {  	_ =	swait.ge [sflag:s25], $0x280  }
0x124: {  	[sflag:s25] =	ssyncset.done $0x0  }
0x125: {  	[sflag:s25] =	ssyncadd.s32 $0xFFFFFD80  }
0x126: {  	_ =	sfence.sel $0x180000  }
0x127: {  	[bflag:$0x0] =	sbarrier.arrive $0xFFFF  }
0x128: {  	_ =	strace $0x90000047  }
0x129: {  	s0 =	stileid.u32;
	[bflag:$0x2] =	sbarrier.arrive $0xFFFF  }
0x12a: {  	p0 =	sne.s32 s0, $0x0;
	s0 =	rddreg [dreg:$0x2]  }
0x12b: {  	s0 =	sadd.s32 @!p0 $0x100000, s0  }
0x12c: {  	[sflag:s0] =	ssyncadd.tile.s32 @!p0 $0x1;
	_ =	shalt  }
.Lfunc_end2:
_tile_overlayer_lowered:
.L_overlay_start_2:
0x12d: {  	(tag) =	ssettag $0x2  }
0x12e: {  	s0 =	rddreg [dreg:$0x0];
	s2 =	stileid.u32  }
0x12f: {  	s1 =	rddreg [dreg:$0x1];
	p0 =	sne.s32 s2, $0x0  }
0x130: {  	s3 =	rddreg [dreg:$0x2];
	[bflag:$0x3] =	sbarrier.arrive $0xFFFF;
	s2 =	simm.s32 @!p0 $0x1C01  }
0x131: {  	[timem:s3], [sflag:s2] =	dma.local @!p0 [hbm:s0], s1  }
0x132: {  	s0 =	simm.s32 @!p0 $0x1  }
0x133: {  	_ =	swait.ge @!p0 [sflag:s0], s1  }
0x134: {  	s1 =	ssub.s32 @!p0 $0x0, s1;
	[sflag:s0] =	ssyncset.done @!p0 $0x0  }
0x135: {  	[sflag:s0] =	ssyncadd.s32 @!p0 s1  }
0x136: {  	[bflag:$0x3] =	sbarrier.arrive $0xFFFF  }
0x137: {  	_ =	shalt  }

</sc_bundles>
